<compile_context>
chip_gen: v7x
topology: tpu7x:2x2x1
jax: 0.10.2.dev20260603
libtpu: 0.0.44.dev20260713+nightly
codegen_flags: <defaults>
</compile_context>

<pallas_src>
import functools

import jax
import jax.numpy as jnp
from jax import lax
from jax.experimental import pallas as pl
from jax.experimental.pallas import tpu as pltpu
from jax.experimental.pallas import tpu_sc as plsc

VOCAB = 1000000
EMBED_DIM = 64
UNITS = 128
BATCH = 1024
SEQ = 50

_NC = 2
_NS = 16
_NW = _NC * _NS
_ROWS = BATCH * SEQ
_RPW = _ROWS // _NW
_FLUSH = 800
_NFL = _RPW // _FLUSH
_G = 16
_RINGG = 8


@functools.lru_cache(maxsize=1)
def _make_sc_gather():
    mesh = plsc.VectorSubcoreMesh(core_axis_name="c", subcore_axis_name="s")

    @functools.partial(
        pl.kernel,
        mesh=mesh,
        out_type=jax.ShapeDtypeStruct((_ROWS, EMBED_DIM), jnp.float32),
        scratch_types=[
            pltpu.VMEM((_RPW,), jnp.int32),
            pltpu.VMEM((_FLUSH, EMBED_DIM), jnp.float32),
            pltpu.SemaphoreType.DMA,
        ],
        compiler_params=pltpu.CompilerParams(use_tc_tiling_on_sc=True),
    )
    def sc_gather(table_hbm, idx_hbm, out_hbm, idx_v, rows_v, sem):
        wid = lax.axis_index("s") * _NC + lax.axis_index("c")
        base = wid * _RPW
        pltpu.sync_copy(idx_hbm.at[pl.ds(base, _RPW)], idx_v)

        def drain_group():
            pltpu.make_async_copy(
                table_hbm.at[0, pl.ds(0, 8)],
                rows_v.at[pl.ds(0, 8)],
                sem,
            ).wait()
            pltpu.make_async_copy(
                table_hbm.at[0, pl.ds(0, 8)],
                rows_v.at[pl.ds(0, 8)],
                sem,
            ).wait()

        for c in range(_NFL):
            cbase = c * _FLUSH

            def fire(g, carry, cbase=cbase):
                vec = idx_v[pl.ds(cbase + g * _G, _G)]
                for j in range(_G):
                    i = vec[j]
                    pltpu.async_copy(
                        table_hbm.at[i >> 3, pl.ds(i & 7, 1)],
                        rows_v.at[pl.ds(g * _G + j, 1)],
                        sem,
                    )

                @pl.when(g >= _RINGG)
                def _():
                    drain_group()

                return carry

            lax.fori_loop(0, _FLUSH // _G, fire, 0)

            for _ in range(_RINGG):
                drain_group()
            pltpu.sync_copy(rows_v, out_hbm.at[pl.ds(base + c * _FLUSH, _FLUSH)])

    return sc_gather


_TB = 10
_NTB = SEQ // _TB


def _gru_body(emb_ref, h0_ref, wk_ref, wr_ref, bi_ref, br_ref, out_ref, h_ref):
    tb = pl.program_id(0)

    @pl.when(tb == 0)
    def _():
        h_ref[...] = h0_ref[...]

    h = h_ref[...]
    wk = wk_ref[...]
    wr = wr_ref[...]
    bi = bi_ref[...]
    br = br_ref[...]
    for t in range(_TB):
        xt = emb_ref[t]
        matx = jnp.dot(
            xt.astype(jnp.bfloat16), wk, preferred_element_type=jnp.float32
        ) + bi
        math = jnp.dot(
            h.astype(jnp.bfloat16), wr, preferred_element_type=jnp.float32
        ) + br
        xz = matx[:, 0:UNITS]
        xr = matx[:, UNITS:2 * UNITS]
        xh = matx[:, 2 * UNITS:3 * UNITS]
        hz = math[:, 0:UNITS]
        hr = math[:, UNITS:2 * UNITS]
        hh_rec = math[:, 2 * UNITS:3 * UNITS]
        z = jax.nn.sigmoid(xz + hz)
        r = jax.nn.sigmoid(xr + hr)
        hh = jnp.tanh(xh + r * hh_rec)
        h = z * h + (1.0 - z) * hh
        out_ref[t] = h
    h_ref[...] = h


def _gru_scan(emb, h0, wk, wr, bi, br):
    return pl.pallas_call(
        _gru_body,
        grid=(_NTB,),
        in_specs=[
            pl.BlockSpec((_TB, BATCH, EMBED_DIM), lambda t: (t, 0, 0)),
            pl.BlockSpec((BATCH, UNITS), lambda t: (0, 0)),
            pl.BlockSpec((EMBED_DIM, 3 * UNITS), lambda t: (0, 0)),
            pl.BlockSpec((UNITS, 3 * UNITS), lambda t: (0, 0)),
            pl.BlockSpec((1, 3 * UNITS), lambda t: (0, 0)),
            pl.BlockSpec((1, 3 * UNITS), lambda t: (0, 0)),
        ],
        out_specs=pl.BlockSpec((_TB, BATCH, UNITS), lambda t: (t, 0, 0)),
        out_shape=jax.ShapeDtypeStruct((SEQ, BATCH, UNITS), jnp.float32),
        scratch_shapes=[pltpu.VMEM((BATCH, UNITS), jnp.float32)],
        compiler_params=pltpu.CompilerParams(
            vmem_limit_bytes=100 * 1024 * 1024,
        ),
    )(emb, h0, wk, wr, bi, br)


def kernel(x, gru_init_state, embedding, kernel, recurrent_kernel, bias_input, bias_recurrent):
    idx = jnp.transpose(x.astype(jnp.int32), (1, 0)).reshape(_ROWS)
    rows = _make_sc_gather()(embedding.reshape(VOCAB // 8, 8, EMBED_DIM), idx)
    emb = rows.reshape(SEQ, BATCH, EMBED_DIM)

    out_tbu = _gru_scan(
        emb,
        gru_init_state,
        kernel.astype(jnp.bfloat16),
        recurrent_kernel.astype(jnp.bfloat16),
        bias_input.reshape(1, 3 * UNITS),
        bias_recurrent.reshape(1, 3 * UNITS),
    )
    output = jnp.transpose(out_tbu, (1, 0, 2))
    state = out_tbu[SEQ - 1]
    return (output, state)

# --- scband reference (transcript-rebuilt; emitter-appended) ---
"""Pipeline reference for scband-encoder-36696200577046 (READ-ONLY COPY).

The authoritative reference and input builder live on the scoring server;
editing this copy changes nothing except your own understanding.
"""

import jax, jax.numpy as jnp
import numpy as np

VOCAB = 1000000
EMBED_DIM = 64
UNITS = 128
BATCH = 1024
SEQ = 50


def setup_inputs(seed: int = 0) -> dict:
    key = jax.random.key(seed)
    k1, k2, k3, k4, k5, k6 = jax.random.split(key, 6)
    x = jax.random.randint(k1, (BATCH, SEQ), 0, VOCAB, dtype=jnp.int64 if jax.config.jax_enable_x64 else jnp.int32)
    gru_init_state = jnp.zeros((BATCH, UNITS), dtype=jnp.float32)
    # Embedding table (Keras Embedding default: uniform init)
    embedding = jax.random.uniform(k2, (VOCAB, EMBED_DIM), dtype=jnp.float32, minval=-0.05, maxval=0.05)
    # GRU weights, Keras gate order [z, r, h], reset_after=True (two bias vectors)
    kernel = jax.random.normal(k3, (EMBED_DIM, 3 * UNITS), dtype=jnp.float32) * (1.0 / np.sqrt(EMBED_DIM))
    recurrent_kernel = jax.random.normal(k4, (UNITS, 3 * UNITS), dtype=jnp.float32) * (1.0 / np.sqrt(UNITS))
    bias_input = jnp.zeros((3 * UNITS,), dtype=jnp.float32)
    bias_recurrent = jnp.zeros((3 * UNITS,), dtype=jnp.float32)
    return {"x": x, "gru_init_state": gru_init_state, "embedding": embedding,
            "kernel": kernel, "recurrent_kernel": recurrent_kernel,
            "bias_input": bias_input, "bias_recurrent": bias_recurrent}


def reference(x, gru_init_state, embedding, kernel, recurrent_kernel, bias_input, bias_recurrent):
    # Embedding lookup: [B, T] -> [B, T, D]
    emb = jnp.take(embedding, x, axis=0)
    xs = jnp.transpose(emb, (1, 0, 2))  # [T, B, D]

    def step(h, xt):
        matx = xt @ kernel + bias_input            # [B, 3U]
        math = h @ recurrent_kernel + bias_recurrent  # [B, 3U]
        xz, xr, xh = jnp.split(matx, 3, axis=-1)
        hz, hr, hh_rec = jnp.split(math, 3, axis=-1)
        z = jax.nn.sigmoid(xz + hz)
        r = jax.nn.sigmoid(xr + hr)
        hh = jnp.tanh(xh + r * hh_rec)
        h_new = z * h + (1.0 - z) * hh
        return h_new, h_new

    state, outputs = jax.lax.scan(step, gru_init_state, xs)
    output = jnp.transpose(outputs, (1, 0, 2))  # [B, T, U]
    return (output, state)

if __name__ == "__main__":
    import jax
    _d = setup_inputs()
    print(jax.jit(kernel)(*tuple(_d.values())))

</pallas_src>

<mosaic_0001>
#map = affine_map<(d0, d1) -> (0, 0, 0)>
#map1 = affine_map<(d0, d1) -> (0)>
#map2 = affine_map<(d0, d1) -> (0, 0)>
module attributes {stable_mosaic.version = 14 : i64} {
  func.func @sc_gather(%arg0: i32, %arg1: i32, %arg2: memref<125000x8x64xf32, #tpu.memory_space<hbm>>, %arg3: memref<51200xi32, #tpu.memory_space<hbm>>, %arg4: memref<51200x64xf32, #tpu.memory_space<hbm>>, %arg5: memref<1600xi32, #tpu.memory_space<vmem>>, %arg6: memref<800x64xf32, #tpu.memory_space<vmem>>, %arg7: memref<!tpu.dma_semaphore, #tpu.memory_space<semaphore_mem>>) attributes {dimension_semantics = [#tpu.dimension_semantics<core_parallel>, #tpu.dimension_semantics<subcore_parallel>], iteration_bounds = array<i64: 2, 16>, scalar_prefetch = 0 : i64, scratch_operands = 3 : i64, tpu.core_type = #tpu.core_type<sc_vector_subcore>, window_params = [{transform_indices = #map}, {transform_indices = #map1}, {transform_indices = #map2}]} {
    %mul3A = arith.constant 2 : i32
    %mul3A_0 = arith.muli %arg1, %mul3A : i32
    %add3A = arith.addi %mul3A_0, %arg0 : i32
    %mul3A_1 = arith.constant 1600 : i32
    %mul3A_2 = arith.muli %add3A, %mul3A_1 : i32
    "tpu.region"() ({
      %run_scoped3A = tpu.sem_alloc : memref<!tpu.dma_semaphore, #tpu.memory_space<semaphore_mem>>
      %dma_start3A = tpu.memref_slice %arg3[%mul3A_2] : memref<51200xi32, #tpu.memory_space<hbm>> -> memref<1600xi32, #tpu.memory_space<hbm>>
      %dma_start3A_497 = tpu.memref_slice %arg3[%mul3A_2] : memref<51200xi32, #tpu.memory_space<hbm>> -> memref<1600xi32, #tpu.memory_space<hbm>>
      tpu.enqueue_dma source(%dma_start3A_497 : memref<1600xi32, #tpu.memory_space<hbm>>) target(%arg5 : memref<1600xi32, #tpu.memory_space<vmem>>) target_semaphore(%run_scoped3A : memref<!tpu.dma_semaphore, #tpu.memory_space<semaphore_mem>>)
      %dma_wait3A_498 = tpu.memref_slice %arg3[%mul3A_2] : memref<51200xi32, #tpu.memory_space<hbm>> -> memref<1600xi32, #tpu.memory_space<hbm>>
      %dma_wait3A_499 = tpu.memref_slice %arg3[%mul3A_2] : memref<51200xi32, #tpu.memory_space<hbm>> -> memref<1600xi32, #tpu.memory_space<hbm>>
      tpu.wait_dma2 semaphore(%run_scoped3A : memref<!tpu.dma_semaphore, #tpu.memory_space<semaphore_mem>>) src(%dma_wait3A_499 : memref<1600xi32, #tpu.memory_space<hbm>>) dst(%arg5 : memref<1600xi32, #tpu.memory_space<vmem>>)
      tpu.yield
    }) : () -> ()
    %scan3A = arith.constant 0 : i32
    %scan3A_3 = arith.constant 0 : i32
    %scan3A_4 = arith.constant 50 : i32
    %scan3A_5 = arith.addi %scan3A_3, %scan3A_4 : i32
    %scan3A_6 = arith.constant 1 : i32
    scf.for %scan3A_497 = %scan3A_3 to %scan3A_5 step %scan3A_6  : i32 {
      %mul3A_498 = arith.constant 16 : i32
      %mul3A_499 = arith.muli %scan3A_497, %mul3A_498 : i32
      %add3A_500 = arith.constant 0 : i32
      %add3A_501 = arith.addi %add3A_500, %mul3A_499 : i32
      %get3A = arith.index_cast %add3A_501 : i32 to index
      %get3A_502 = tpu.vector_load %arg5[%get3A] {strides = array<i32>} : memref<1600xi32, #tpu.memory_space<vmem>>, vector<16xi32>,
      %get3A_503 = vector.shape_cast %get3A_502 : vector<16xi32> to vector<16xi32>
      %slice3A = vector.extract_strided_slice %get3A_503 {offsets = [0], sizes = [1], strides = [1]} : vector<16xi32> to vector<1xi32>
      %squeeze3A = vector.extract %slice3A[0] : i32 from vector<1xi32>
      %shift_right_arithmetic3A = arith.constant 3 : i32
      %shift_right_arithmetic3A_504 = arith.shrsi %squeeze3A, %shift_right_arithmetic3A : i32
      %and3A = arith.constant 7 : i32
      %and3A_505 = arith.andi %squeeze3A, %and3A : i32
      %mul3A_506 = arith.constant 16 : i32
      %mul3A_507 = arith.muli %scan3A_497, %mul3A_506 : i32
      %add3A_508 = arith.constant 0 : i32
      %add3A_509 = arith.addi %mul3A_507, %add3A_508 : i32
      %dma_start3A = arith.constant 0 : i32
      %dma_start3A_510 = tpu.memref_slice %arg6[%add3A_509, %dma_start3A] : memref<800x64xf32, #tpu.memory_space<vmem>> -> memref<1x64xf32, #tpu.memory_space<vmem>>
      %dma_start3A_511 = arith.constant 0 : i32
      %dma_start3A_512 = tpu.memref_slice %arg2[%shift_right_arithmetic3A_504, %and3A_505, %dma_start3A_511] : memref<125000x8x64xf32, #tpu.memory_space<hbm>> -> memref<1x1x64xf32, #tpu.memory_space<hbm>>
      %dma_start3A_513 = tpu.memref_squeeze %dma_start3A_512 : memref<1x1x64xf32, #tpu.memory_space<hbm>> -> memref<1x64xf32, #tpu.memory_space<hbm>>
      %dma_start3A_514 = arith.constant 0 : i32
      %dma_start3A_515 = tpu.memref_slice %arg6[%add3A_509, %dma_start3A_514] : memref<800x64xf32, #tpu.memory_space<vmem>> -> memref<1x64xf32, #tpu.memory_space<vmem>>
      %dma_start3A_516 = arith.constant 0 : i32
      %dma_start3A_517 = tpu.memref_slice %arg2[%shift_right_arithmetic3A_504, %and3A_505, %dma_start3A_516] : memref<125000x8x64xf32, #tpu.memory_space<hbm>> -> memref<1x1x64xf32, #tpu.memory_space<hbm>>
      %dma_start3A_518 = tpu.memref_squeeze %dma_start3A_517 : memref<1x1x64xf32, #tpu.memory_space<hbm>> -> memref<1x64xf32, #tpu.memory_space<hbm>>
      tpu.enqueue_dma source(%dma_start3A_518 : memref<1x64xf32, #tpu.memory_space<hbm>>) target(%dma_start3A_515 : memref<1x64xf32, #tpu.memory_space<vmem>>) target_semaphore(%arg7 : memref<!tpu.dma_semaphore, #tpu.memory_space<semaphore_mem>>)
      %slice3A_519 = vector.extract_strided_slice %get3A_503 {offsets = [1], sizes = [1], strides = [1]} : vector<16xi32> to vector<1xi32>
      %squeeze3A_520 = vector.extract %slice3A_519[0] : i32 from vector<1xi32>
      %shift_right_arithmetic3A_521 = arith.constant 3 : i32
      %shift_right_arithmetic3A_522 = arith.shrsi %squeeze3A_520, %shift_right_arithmetic3A_521 : i32
      %and3A_523 = arith.constant 7 : i32
      %and3A_524 = arith.andi %squeeze3A_520, %and3A_523 : i32
      %mul3A_525 = arith.constant 16 : i32
      %mul3A_526 = arith.muli %scan3A_497, %mul3A_525 : i32
      %add3A_527 = arith.constant 1 : i32
      %add3A_528 = arith.addi %mul3A_526, %add3A_527 : i32
      %dma_start3A_529 = arith.constant 0 : i32
      %dma_start3A_530 = tpu.memref_slice %arg6[%add3A_528, %dma_start3A_529] : memref<800x64xf32, #tpu.memory_space<vmem>> -> memref<1x64xf32, #tpu.memory_space<vmem>>
      %dma_start3A_531 = arith.constant 0 : i32
      %dma_start3A_532 = tpu.memref_slice %arg2[%shift_right_arithmetic3A_522, %and3A_524, %dma_start3A_531] : memref<125000x8x64xf32, #tpu.memory_space<hbm>> -> memref<1x1x64xf32, #tpu.memory_space<hbm>>
      %dma_start3A_533 = tpu.memref_squeeze %dma_start3A_532 : memref<1x1x64xf32, #tpu.memory_space<hbm>> -> memref<1x64xf32, #tpu.memory_space<hbm>>
      %dma_start3A_534 = arith.constant 0 : i32
      %dma_start3A_535 = tpu.memref_slice %arg6[%add3A_528, %dma_start3A_534] : memref<800x64xf32, #tpu.memory_space<vmem>> -> memref<1x64xf32, #tpu.memory_space<vmem>>
      %dma_start3A_536 = arith.constant 0 : i32
      %dma_start3A_537 = tpu.memref_slice %arg2[%shift_right_arithmetic3A_522, %and3A_524, %dma_start3A_536] : memref<125000x8x64xf32, #tpu.memory_space<hbm>> -> memref<1x1x64xf32, #tpu.memory_space<hbm>>
      %dma_start3A_538 = tpu.memref_squeeze %dma_start3A_537 : memref<1x1x64xf32, #tpu.memory_space<hbm>> -> memref<1x64xf32, #tpu.memory_space<hbm>>
      tpu.enqueue_dma source(%dma_start3A_538 : memref<1x64xf32, #tpu.memory_space<hbm>>) target(%dma_start3A_535 : memref<1x64xf32, #tpu.memory_space<vmem>>) target_semaphore(%arg7 : memref<!tpu.dma_semaphore, #tpu.memory_space<semaphore_mem>>)
      %slice3A_539 = vector.extract_strided_slice %get3A_503 {offsets = [2], sizes = [1], strides = [1]} : vector<16xi32> to vector<1xi32>
      %squeeze3A_540 = vector.extract %slice3A_539[0] : i32 from vector<1xi32>
      %shift_right_arithmetic3A_541 = arith.constant 3 : i32
      %shift_right_arithmetic3A_542 = arith.shrsi %squeeze3A_540, %shift_right_arithmetic3A_541 : i32
      %and3A_543 = arith.constant 7 : i32
      %and3A_544 = arith.andi %squeeze3A_540, %and3A_543 : i32
      %mul3A_545 = arith.constant 16 : i32
      %mul3A_546 = arith.muli %scan3A_497, %mul3A_545 : i32
      %add3A_547 = arith.constant 2 : i32
      %add3A_548 = arith.addi %mul3A_546, %add3A_547 : i32
      %dma_start3A_549 = arith.constant 0 : i32
      %dma_start3A_550 = tpu.memref_slice %arg6[%add3A_548, %dma_start3A_549] : memref<800x64xf32, #tpu.memory_space<vmem>> -> memref<1x64xf32, #tpu.memory_space<vmem>>
      %dma_start3A_551 = arith.constant 0 : i32
      %dma_start3A_552 = tpu.memref_slice %arg2[%shift_right_arithmetic3A_542, %and3A_544, %dma_start3A_551] : memref<125000x8x64xf32, #tpu.memory_space<hbm>> -> memref<1x1x64xf32, #tpu.memory_space<hbm>>
      %dma_start3A_553 = tpu.memref_squeeze %dma_start3A_552 : memref<1x1x64xf32, #tpu.memory_space<hbm>> -> memref<1x64xf32, #tpu.memory_space<hbm>>
      %dma_start3A_554 = arith.constant 0 : i32
      %dma_start3A_555 = tpu.memref_slice %arg6[%add3A_548, %dma_start3A_554] : memref<800x64xf32, #tpu.memory_space<vmem>> -> memref<1x64xf32, #tpu.memory_space<vmem>>
      %dma_start3A_556 = arith.constant 0 : i32
      %dma_start3A_557 = tpu.memref_slice %arg2[%shift_right_arithmetic3A_542, %and3A_544, %dma_start3A_556] : memref<125000x8x64xf32, #tpu.memory_space<hbm>> -> memref<1x1x64xf32, #tpu.memory_space<hbm>>
      %dma_start3A_558 = tpu.memref_squeeze %dma_start3A_557 : memref<1x1x64xf32, #tpu.memory_space<hbm>> -> memref<1x64xf32, #tpu.memory_space<hbm>>
      tpu.enqueue_dma source(%dma_start3A_558 : memref<1x64xf32, #tpu.memory_space<hbm>>) target(%dma_start3A_555 : memref<1x64xf32, #tpu.memory_space<vmem>>) target_semaphore(%arg7 : memref<!tpu.dma_semaphore, #tpu.memory_space<semaphore_mem>>)
      %slice3A_559 = vector.extract_strided_slice %get3A_503 {offsets = [3], sizes = [1], strides = [1]} : vector<16xi32> to vector<1xi32>
      %squeeze3A_560 = vector.extract %slice3A_559[0] : i32 from vector<1xi32>
      %shift_right_arithmetic3A_561 = arith.constant 3 : i32
      %shift_right_arithmetic3A_562 = arith.shrsi %squeeze3A_560, %shift_right_arithmetic3A_561 : i32
      %and3A_563 = arith.constant 7 : i32
      %and3A_564 = arith.andi %squeeze3A_560, %and3A_563 : i32
      %mul3A_565 = arith.constant 16 : i32
      %mul3A_566 = arith.muli %scan3A_497, %mul3A_565 : i32
      %add3A_567 = arith.constant 3 : i32
      %add3A_568 = arith.addi %mul3A_566, %add3A_567 : i32
      %dma_start3A_569 = arith.constant 0 : i32
      %dma_start3A_570 = tpu.memref_slice %arg6[%add3A_568, %dma_start3A_569] : memref<800x64xf32, #tpu.memory_space<vmem>> -> memref<1x64xf32, #tpu.memory_space<vmem>>
      %dma_start3A_571 = arith.constant 0 : i32
      %dma_start3A_572 = tpu.memref_slice %arg2[%shift_right_arithmetic3A_562, %and3A_564, %dma_start3A_571] : memref<125000x8x64xf32, #tpu.memory_space<hbm>> -> memref<1x1x64xf32, #tpu.memory_space<hbm>>
      %dma_start3A_573 = tpu.memref_squeeze %dma_start3A_572 : memref<1x1x64xf32, #tpu.memory_space<hbm>> -> memref<1x64xf32, #tpu.memory_space<hbm>>
      %dma_start3A_574 = arith.constant 0 : i32
      %dma_start3A_575 = tpu.memref_slice %arg6[%add3A_568, %dma_start3A_574] : memref<800x64xf32, #tpu.memory_space<vmem>> -> memref<1x64xf32, #tpu.memory_space<vmem>>
      %dma_start3A_576 = arith.constant 0 : i32
      %dma_start3A_577 = tpu.memref_slice %arg2[%shift_right_arithmetic3A_562, %and3A_564, %dma_start3A_576] : memref<125000x8x64xf32, #tpu.memory_space<hbm>> -> memref<1x1x64xf32, #tpu.memory_space<hbm>>
      %dma_start3A_578 = tpu.memref_squeeze %dma_start3A_577 : memref<1x1x64xf32, #tpu.memory_space<hbm>> -> memref<1x64xf32, #tpu.memory_space<hbm>>
      tpu.enqueue_dma source(%dma_start3A_578 : memref<1x64xf32, #tpu.memory_space<hbm>>) target(%dma_start3A_575 : memref<1x64xf32, #tpu.memory_space<vmem>>) target_semaphore(%arg7 : memref<!tpu.dma_semaphore, #tpu.memory_space<semaphore_mem>>)
      %slice3A_579 = vector.extract_strided_slice %get3A_503 {offsets = [4], sizes = [1], strides = [1]} : vector<16xi32> to vector<1xi32>
      %squeeze3A_580 = vector.extract %slice3A_579[0] : i32 from vector<1xi32>
      %shift_right_arithmetic3A_581 = arith.constant 3 : i32
      %shift_right_arithmetic3A_582 = arith.shrsi %squeeze3A_580, %shift_right_arithmetic3A_581 : i32
      %and3A_583 = arith.constant 7 : i32
      %and3A_584 = arith.andi %squeeze3A_580, %and3A_583 : i32
      %mul3A_585 = arith.constant 16 : i32
      %mul3A_586 = arith.muli %scan3A_497, %mul3A_585 : i32
      %add3A_587 = arith.constant 4 : i32
      %add3A_588 = arith.addi %mul3A_586, %add3A_587 : i32
      %dma_start3A_589 = arith.constant 0 : i32
      %dma_start3A_590 = tpu.memref_slice %arg6[%add3A_588, %dma_start3A_589] : memref<800x64xf32, #tpu.memory_space<vmem>> -> memref<1x64xf32, #tpu.memory_space<vmem>>
      %dma_start3A_591 = arith.constant 0 : i32
      %dma_start3A_592 = tpu.memref_slice %arg2[%shift_right_arithmetic3A_582, %and3A_584, %dma_start3A_591] : memref<125000x8x64xf32, #tpu.memory_space<hbm>> -> memref<1x1x64xf32, #tpu.memory_space<hbm>>
      %dma_start3A_593 = tpu.memref_squeeze %dma_start3A_592 : memref<1x1x64xf32, #tpu.memory_space<hbm>> -> memref<1x64xf32, #tpu.memory_space<hbm>>
      %dma_start3A_594 = arith.constant 0 : i32
      %dma_start3A_595 = tpu.memref_slice %arg6[%add3A_588, %dma_start3A_594] : memref<800x64xf32, #tpu.memory_space<vmem>> -> memref<1x64xf32, #tpu.memory_space<vmem>>
      %dma_start3A_596 = arith.constant 0 : i32
      %dma_start3A_597 = tpu.memref_slice %arg2[%shift_right_arithmetic3A_582, %and3A_584, %dma_start3A_596] : memref<125000x8x64xf32, #tpu.memory_space<hbm>> -> memref<1x1x64xf32, #tpu.memory_space<hbm>>
      %dma_start3A_598 = tpu.memref_squeeze %dma_start3A_597 : memref<1x1x64xf32, #tpu.memory_space<hbm>> -> memref<1x64xf32, #tpu.memory_space<hbm>>
      tpu.enqueue_dma source(%dma_start3A_598 : memref<1x64xf32, #tpu.memory_space<hbm>>) target(%dma_start3A_595 : memref<1x64xf32, #tpu.memory_space<vmem>>) target_semaphore(%arg7 : memref<!tpu.dma_semaphore, #tpu.memory_space<semaphore_mem>>)
      %slice3A_599 = vector.extract_strided_slice %get3A_503 {offsets = [5], sizes = [1], strides = [1]} : vector<16xi32> to vector<1xi32>
      %squeeze3A_600 = vector.extract %slice3A_599[0] : i32 from vector<1xi32>
      %shift_right_arithmetic3A_601 = arith.constant 3 : i32
      %shift_right_arithmetic3A_602 = arith.shrsi %squeeze3A_600, %shift_right_arithmetic3A_601 : i32
      %and3A_603 = arith.constant 7 : i32
      %and3A_604 = arith.andi %squeeze3A_600, %and3A_603 : i32
      %mul3A_605 = arith.constant 16 : i32
      %mul3A_606 = arith.muli %scan3A_497, %mul3A_605 : i32
      %add3A_607 = arith.constant 5 : i32
      %add3A_608 = arith.addi %mul3A_606, %add3A_607 : i32
      %dma_start3A_609 = arith.constant 0 : i32
      %dma_start3A_610 = tpu.memref_slice %arg6[%add3A_608, %dma_start3A_609] : memref<800x64xf32, #tpu.memory_space<vmem>> -> memref<1x64xf32, #tpu.memory_space<vmem>>
      %dma_start3A_611 = arith.constant 0 : i32
      %dma_start3A_612 = tpu.memref_slice %arg2[%shift_right_arithmetic3A_602, %and3A_604, %dma_start3A_611] : memref<125000x8x64xf32, #tpu.memory_space<hbm>> -> memref<1x1x64xf32, #tpu.memory_space<hbm>>
      %dma_start3A_613 = tpu.memref_squeeze %dma_start3A_612 : memref<1x1x64xf32, #tpu.memory_space<hbm>> -> memref<1x64xf32, #tpu.memory_space<hbm>>
      %dma_start3A_614 = arith.constant 0 : i32
      %dma_start3A_615 = tpu.memref_slice %arg6[%add3A_608, %dma_start3A_614] : memref<800x64xf32, #tpu.memory_space<vmem>> -> memref<1x64xf32, #tpu.memory_space<vmem>>
      %dma_start3A_616 = arith.constant 0 : i32
      %dma_start3A_617 = tpu.memref_slice %arg2[%shift_right_arithmetic3A_602, %and3A_604, %dma_start3A_616] : memref<125000x8x64xf32, #tpu.memory_space<hbm>> -> memref<1x1x64xf32, #tpu.memory_space<hbm>>
      %dma_start3A_618 = tpu.memref_squeeze %dma_start3A_617 : memref<1x1x64xf32, #tpu.memory_space<hbm>> -> memref<1x64xf32, #tpu.memory_space<hbm>>
      tpu.enqueue_dma source(%dma_start3A_618 : memref<1x64xf32, #tpu.memory_space<hbm>>) target(%dma_start3A_615 : memref<1x64xf32, #tpu.memory_space<vmem>>) target_semaphore(%arg7 : memref<!tpu.dma_semaphore, #tpu.memory_space<semaphore_mem>>)
      %slice3A_619 = vector.extract_strided_slice %get3A_503 {offsets = [6], sizes = [1], strides = [1]} : vector<16xi32> to vector<1xi32>
      %squeeze3A_620 = vector.extract %slice3A_619[0] : i32 from vector<1xi32>
      %shift_right_arithmetic3A_621 = arith.constant 3 : i32
      %shift_right_arithmetic3A_622 = arith.shrsi %squeeze3A_620, %shift_right_arithmetic3A_621 : i32
      %and3A_623 = arith.constant 7 : i32
      %and3A_624 = arith.andi %squeeze3A_620, %and3A_623 : i32
      %mul3A_625 = arith.constant 16 : i32
      %mul3A_626 = arith.muli %scan3A_497, %mul3A_625 : i32
      %add3A_627 = arith.constant 6 : i32
      %add3A_628 = arith.addi %mul3A_626, %add3A_627 : i32
      %dma_start3A_629 = arith.constant 0 : i32
      %dma_start3A_630 = tpu.memref_slice %arg6[%add3A_628, %dma_start3A_629] : memref<800x64xf32, #tpu.memory_space<vmem>> -> memref<1x64xf32, #tpu.memory_space<vmem>>
      %dma_start3A_631 = arith.constant 0 : i32
      %dma_start3A_632 = tpu.memref_slice %arg2[%shift_right_arithmetic3A_622, %and3A_624, %dma_start3A_631] : memref<125000x8x64xf32, #tpu.memory_space<hbm>> -> memref<1x1x64xf32, #tpu.memory_space<hbm>>
      %dma_start3A_633 = tpu.memref_squeeze %dma_start3A_632 : memref<1x1x64xf32, #tpu.memory_space<hbm>> -> memref<1x64xf32, #tpu.memory_space<hbm>>
      %dma_start3A_634 = arith.constant 0 : i32
      %dma_start3A_635 = tpu.memref_slice %arg6[%add3A_628, %dma_start3A_634] : memref<800x64xf32, #tpu.memory_space<vmem>> -> memref<1x64xf32, #tpu.memory_space<vmem>>
      %dma_start3A_636 = arith.constant 0 : i32
      %dma_start3A_637 = tpu.memref_slice %arg2[%shift_right_arithmetic3A_622, %and3A_624, %dma_start3A_636] : memref<125000x8x64xf32, #tpu.memory_space<hbm>> -> memref<1x1x64xf32, #tpu.memory_space<hbm>>
      %dma_start3A_638 = tpu.memref_squeeze %dma_start3A_637 : memref<1x1x64xf32, #tpu.memory_space<hbm>> -> memref<1x64xf32, #tpu.memory_space<hbm>>
      tpu.enqueue_dma source(%dma_start3A_638 : memref<1x64xf32, #tpu.memory_space<hbm>>) target(%dma_start3A_635 : memref<1x64xf32, #tpu.memory_space<vmem>>) target_semaphore(%arg7 : memref<!tpu.dma_semaphore, #tpu.memory_space<semaphore_mem>>)
      %slice3A_639 = vector.extract_strided_slice %get3A_503 {offsets = [7], sizes = [1], strides = [1]} : vector<16xi32> to vector<1xi32>
      %squeeze3A_640 = vector.extract %slice3A_639[0] : i32 from vector<1xi32>
      %shift_right_arithmetic3A_641 = arith.constant 3 : i32
      %shift_right_arithmetic3A_642 = arith.shrsi %squeeze3A_640, %shift_right_arithmetic3A_641 : i32
      %and3A_643 = arith.constant 7 : i32
      %and3A_644 = arith.andi %squeeze3A_640, %and3A_643 : i32
      %mul3A_645 = arith.constant 16 : i32
      %mul3A_646 = arith.muli %scan3A_497, %mul3A_645 : i32
      %add3A_647 = arith.constant 7 : i32
      %add3A_648 = arith.addi %mul3A_646, %add3A_647 : i32
      %dma_start3A_649 = arith.constant 0 : i32
      %dma_start3A_650 = tpu.memref_slice %arg6[%add3A_648, %dma_start3A_649] : memref<800x64xf32, #tpu.memory_space<vmem>> -> memref<1x64xf32, #tpu.memory_space<vmem>>
      %dma_start3A_651 = arith.constant 0 : i32
      %dma_start3A_652 = tpu.memref_slice %arg2[%shift_right_arithmetic3A_642, %and3A_644, %dma_start3A_651] : memref<125000x8x64xf32, #tpu.memory_space<hbm>> -> memref<1x1x64xf32, #tpu.memory_space<hbm>>
      %dma_start3A_653 = tpu.memref_squeeze %dma_start3A_652 : memref<1x1x64xf32, #tpu.memory_space<hbm>> -> memref<1x64xf32, #tpu.memory_space<hbm>>
      %dma_start3A_654 = arith.constant 0 : i32
      %dma_start3A_655 = tpu.memref_slice %arg6[%add3A_648, %dma_start3A_654] : memref<800x64xf32, #tpu.memory_space<vmem>> -> memref<1x64xf32, #tpu.memory_space<vmem>>
      %dma_start3A_656 = arith.constant 0 : i32
      %dma_start3A_657 = tpu.memref_slice %arg2[%shift_right_arithmetic3A_642, %and3A_644, %dma_start3A_656] : memref<125000x8x64xf32, #tpu.memory_space<hbm>> -> memref<1x1x64xf32, #tpu.memory_space<hbm>>
      %dma_start3A_658 = tpu.memref_squeeze %dma_start3A_657 : memref<1x1x64xf32, #tpu.memory_space<hbm>> -> memref<1x64xf32, #tpu.memory_space<hbm>>
      tpu.enqueue_dma source(%dma_start3A_658 : memref<1x64xf32, #tpu.memory_space<hbm>>) target(%dma_start3A_655 : memref<1x64xf32, #tpu.memory_space<vmem>>) target_semaphore(%arg7 : memref<!tpu.dma_semaphore, #tpu.memory_space<semaphore_mem>>)
      %slice3A_659 = vector.extract_strided_slice %get3A_503 {offsets = [8], sizes = [1], strides = [1]} : vector<16xi32> to vector<1xi32>
      %squeeze3A_660 = vector.extract %slice3A_659[0] : i32 from vector<1xi32>
      %shift_right_arithmetic3A_661 = arith.constant 3 : i32
      %shift_right_arithmetic3A_662 = arith.shrsi %squeeze3A_660, %shift_right_arithmetic3A_661 : i32
      %and3A_663 = arith.constant 7 : i32
      %and3A_664 = arith.andi %squeeze3A_660, %and3A_663 : i32
      %mul3A_665 = arith.constant 16 : i32
      %mul3A_666 = arith.muli %scan3A_497, %mul3A_665 : i32
      %add3A_667 = arith.constant 8 : i32
      %add3A_668 = arith.addi %mul3A_666, %add3A_667 : i32
      %dma_start3A_669 = arith.constant 0 : i32
      %dma_start3A_670 = tpu.memref_slice %arg6[%add3A_668, %dma_start3A_669] : memref<800x64xf32, #tpu.memory_space<vmem>> -> memref<1x64xf32, #tpu.memory_space<vmem>>
      %dma_start3A_671 = arith.constant 0 : i32
      %dma_start3A_672 = tpu.memref_slice %arg2[%shift_right_arithmetic3A_662, %and3A_664, %dma_start3A_671] : memref<125000x8x64xf32, #tpu.memory_space<hbm>> -> memref<1x1x64xf32, #tpu.memory_space<hbm>>
      %dma_start3A_673 = tpu.memref_squeeze %dma_start3A_672 : memref<1x1x64xf32, #tpu.memory_space<hbm>> -> memref<1x64xf32, #tpu.memory_space<hbm>>
      %dma_start3A_674 = arith.constant 0 : i32
      %dma_start3A_675 = tpu.memref_slice %arg6[%add3A_668, %dma_start3A_674] : memref<800x64xf32, #tpu.memory_space<vmem>> -> memref<1x64xf32, #tpu.memory_space<vmem>>
      %dma_start3A_676 = arith.constant 0 : i32
      %dma_start3A_677 = tpu.memref_slice %arg2[%shift_right_arithmetic3A_662, %and3A_664, %dma_start3A_676] : memref<125000x8x64xf32, #tpu.memory_space<hbm>> -> memref<1x1x64xf32, #tpu.memory_space<hbm>>
      %dma_start3A_678 = tpu.memref_squeeze %dma_start3A_677 : memref<1x1x64xf32, #tpu.memory_space<hbm>> -> memref<1x64xf32, #tpu.memory_space<hbm>>
      tpu.enqueue_dma source(%dma_start3A_678 : memref<1x64xf32, #tpu.memory_space<hbm>>) target(%dma_start3A_675 : memref<1x64xf32, #tpu.memory_space<vmem>>) target_semaphore(%arg7 : memref<!tpu.dma_semaphore, #tpu.memory_space<semaphore_mem>>)
      %slice3A_679 = vector.extract_strided_slice %get3A_503 {offsets = [9], sizes = [1], strides = [1]} : vector<16xi32> to vector<1xi32>
      %squeeze3A_680 = vector.extract %slice3A_679[0] : i32 from vector<1xi32>
      %shift_right_arithmetic3A_681 = arith.constant 3 : i32
      %shift_right_arithmetic3A_682 = arith.shrsi %squeeze3A_680, %shift_right_arithmetic3A_681 : i32
      %and3A_683 = arith.constant 7 : i32
      %and3A_684 = arith.andi %squeeze3A_680, %and3A_683 : i32
      %mul3A_685 = arith.constant 16 : i32
      %mul3A_686 = arith.muli %scan3A_497, %mul3A_685 : i32
      %add3A_687 = arith.constant 9 : i32
      %add3A_688 = arith.addi %mul3A_686, %add3A_687 : i32
      %dma_start3A_689 = arith.constant 0 : i32
      %dma_start3A_690 = tpu.memref_slice %arg6[%add3A_688, %dma_start3A_689] : memref<800x64xf32, #tpu.memory_space<vmem>> -> memref<1x64xf32, #tpu.memory_space<vmem>>
      %dma_start3A_691 = arith.constant 0 : i32
      %dma_start3A_692 = tpu.memref_slice %arg2[%shift_right_arithmetic3A_682, %and3A_684, %dma_start3A_691] : memref<125000x8x64xf32, #tpu.memory_space<hbm>> -> memref<1x1x64xf32, #tpu.memory_space<hbm>>
      %dma_start3A_693 = tpu.memref_squeeze %dma_start3A_692 : memref<1x1x64xf32, #tpu.memory_space<hbm>> -> memref<1x64xf32, #tpu.memory_space<hbm>>
      %dma_start3A_694 = arith.constant 0 : i32
      %dma_start3A_695 = tpu.memref_slice %arg6[%add3A_688, %dma_start3A_694] : memref<800x64xf32, #tpu.memory_space<vmem>> -> memref<1x64xf32, #tpu.memory_space<vmem>>
      %dma_start3A_696 = arith.constant 0 : i32
      %dma_start3A_697 = tpu.memref_slice %arg2[%shift_right_arithmetic3A_682, %and3A_684, %dma_start3A_696] : memref<125000x8x64xf32, #tpu.memory_space<hbm>> -> memref<1x1x64xf32, #tpu.memory_space<hbm>>
      %dma_start3A_698 = tpu.memref_squeeze %dma_start3A_697 : memref<1x1x64xf32, #tpu.memory_space<hbm>> -> memref<1x64xf32, #tpu.memory_space<hbm>>
      tpu.enqueue_dma source(%dma_start3A_698 : memref<1x64xf32, #tpu.memory_space<hbm>>) target(%dma_start3A_695 : memref<1x64xf32, #tpu.memory_space<vmem>>) target_semaphore(%arg7 : memref<!tpu.dma_semaphore, #tpu.memory_space<semaphore_mem>>)
      %slice3A_699 = vector.extract_strided_slice %get3A_503 {offsets = [10], sizes = [1], strides = [1]} : vector<16xi32> to vector<1xi32>
      %squeeze3A_700 = vector.extract %slice3A_699[0] : i32 from vector<1xi32>
      %shift_right_arithmetic3A_701 = arith.constant 3 : i32
      %shift_right_arithmetic3A_702 = arith.shrsi %squeeze3A_700, %shift_right_arithmetic3A_701 : i32
      %and3A_703 = arith.constant 7 : i32
      %and3A_704 = arith.andi %squeeze3A_700, %and3A_703 : i32
      %mul3A_705 = arith.constant 16 : i32
      %mul3A_706 = arith.muli %scan3A_497, %mul3A_705 : i32
      %add3A_707 = arith.constant 10 : i32
      %add3A_708 = arith.addi %mul3A_706, %add3A_707 : i32
      %dma_start3A_709 = arith.constant 0 : i32
      %dma_start3A_710 = tpu.memref_slice %arg6[%add3A_708, %dma_start3A_709] : memref<800x64xf32, #tpu.memory_space<vmem>> -> memref<1x64xf32, #tpu.memory_space<vmem>>
      %dma_start3A_711 = arith.constant 0 : i32
      %dma_start3A_712 = tpu.memref_slice %arg2[%shift_right_arithmetic3A_702, %and3A_704, %dma_start3A_711] : memref<125000x8x64xf32, #tpu.memory_space<hbm>> -> memref<1x1x64xf32, #tpu.memory_space<hbm>>
      %dma_start3A_713 = tpu.memref_squeeze %dma_start3A_712 : memref<1x1x64xf32, #tpu.memory_space<hbm>> -> memref<1x64xf32, #tpu.memory_space<hbm>>
      %dma_start3A_714 = arith.constant 0 : i32
      %dma_start3A_715 = tpu.memref_slice %arg6[%add3A_708, %dma_start3A_714] : memref<800x64xf32, #tpu.memory_space<vmem>> -> memref<1x64xf32, #tpu.memory_space<vmem>>
      %dma_start3A_716 = arith.constant 0 : i32
      %dma_start3A_717 = tpu.memref_slice %arg2[%shift_right_arithmetic3A_702, %and3A_704, %dma_start3A_716] : memref<125000x8x64xf32, #tpu.memory_space<hbm>> -> memref<1x1x64xf32, #tpu.memory_space<hbm>>
      %dma_start3A_718 = tpu.memref_squeeze %dma_start3A_717 : memref<1x1x64xf32, #tpu.memory_space<hbm>> -> memref<1x64xf32, #tpu.memory_space<hbm>>
      tpu.enqueue_dma source(%dma_start3A_718 : memref<1x64xf32, #tpu.memory_space<hbm>>) target(%dma_start3A_715 : memref<1x64xf32, #tpu.memory_space<vmem>>) target_semaphore(%arg7 : memref<!tpu.dma_semaphore, #tpu.memory_space<semaphore_mem>>)
      %slice3A_719 = vector.extract_strided_slice %get3A_503 {offsets = [11], sizes = [1], strides = [1]} : vector<16xi32> to vector<1xi32>
      %squeeze3A_720 = vector.extract %slice3A_719[0] : i32 from vector<1xi32>
      %shift_right_arithmetic3A_721 = arith.constant 3 : i32
      %shift_right_arithmetic3A_722 = arith.shrsi %squeeze3A_720, %shift_right_arithmetic3A_721 : i32
      %and3A_723 = arith.constant 7 : i32
      %and3A_724 = arith.andi %squeeze3A_720, %and3A_723 : i32
      %mul3A_725 = arith.constant 16 : i32
      %mul3A_726 = arith.muli %scan3A_497, %mul3A_725 : i32
      %add3A_727 = arith.constant 11 : i32
      %add3A_728 = arith.addi %mul3A_726, %add3A_727 : i32
      %dma_start3A_729 = arith.constant 0 : i32
      %dma_start3A_730 = tpu.memref_slice %arg6[%add3A_728, %dma_start3A_729] : memref<800x64xf32, #tpu.memory_space<vmem>> -> memref<1x64xf32, #tpu.memory_space<vmem>>
      %dma_start3A_731 = arith.constant 0 : i32
      %dma_start3A_732 = tpu.memref_slice %arg2[%shift_right_arithmetic3A_722, %and3A_724, %dma_start3A_731] : memref<125000x8x64xf32, #tpu.memory_space<hbm>> -> memref<1x1x64xf32, #tpu.memory_space<hbm>>
      %dma_start3A_733 = tpu.memref_squeeze %dma_start3A_732 : memref<1x1x64xf32, #tpu.memory_space<hbm>> -> memref<1x64xf32, #tpu.memory_space<hbm>>
      %dma_start3A_734 = arith.constant 0 : i32
      %dma_start3A_735 = tpu.memref_slice %arg6[%add3A_728, %dma_start3A_734] : memref<800x64xf32, #tpu.memory_space<vmem>> -> memref<1x64xf32, #tpu.memory_space<vmem>>
      %dma_start3A_736 = arith.constant 0 : i32
      %dma_start3A_737 = tpu.memref_slice %arg2[%shift_right_arithmetic3A_722, %and3A_724, %dma_start3A_736] : memref<125000x8x64xf32, #tpu.memory_space<hbm>> -> memref<1x1x64xf32, #tpu.memory_space<hbm>>
      %dma_start3A_738 = tpu.memref_squeeze %dma_start3A_737 : memref<1x1x64xf32, #tpu.memory_space<hbm>> -> memref<1x64xf32, #tpu.memory_space<hbm>>
      tpu.enqueue_dma source(%dma_start3A_738 : memref<1x64xf32, #tpu.memory_space<hbm>>) target(%dma_start3A_735 : memref<1x64xf32, #tpu.memory_space<vmem>>) target_semaphore(%arg7 : memref<!tpu.dma_semaphore, #tpu.memory_space<semaphore_mem>>)
      %slice3A_739 = vector.extract_strided_slice %get3A_503 {offsets = [12], sizes = [1], strides = [1]} : vector<16xi32> to vector<1xi32>
      %squeeze3A_740 = vector.extract %slice3A_739[0] : i32 from vector<1xi32>
      %shift_right_arithmetic3A_741 = arith.constant 3 : i32
      %shift_right_arithmetic3A_742 = arith.shrsi %squeeze3A_740, %shift_right_arithmetic3A_741 : i32
      %and3A_743 = arith.constant 7 : i32
      %and3A_744 = arith.andi %squeeze3A_740, %and3A_743 : i32
      %mul3A_745 = arith.constant 16 : i32
      %mul3A_746 = arith.muli %scan3A_497, %mul3A_745 : i32
      %add3A_747 = arith.constant 12 : i32
      %add3A_748 = arith.addi %mul3A_746, %add3A_747 : i32
      %dma_start3A_749 = arith.constant 0 : i32
      %dma_start3A_750 = tpu.memref_slice %arg6[%add3A_748, %dma_start3A_749] : memref<800x64xf32, #tpu.memory_space<vmem>> -> memref<1x64xf32, #tpu.memory_space<vmem>>
      %dma_start3A_751 = arith.constant 0 : i32
      %dma_start3A_752 = tpu.memref_slice %arg2[%shift_right_arithmetic3A_742, %and3A_744, %dma_start3A_751] : memref<125000x8x64xf32, #tpu.memory_space<hbm>> -> memref<1x1x64xf32, #tpu.memory_space<hbm>>
      %dma_start3A_753 = tpu.memref_squeeze %dma_start3A_752 : memref<1x1x64xf32, #tpu.memory_space<hbm>> -> memref<1x64xf32, #tpu.memory_space<hbm>>
      %dma_start3A_754 = arith.constant 0 : i32
      %dma_start3A_755 = tpu.memref_slice %arg6[%add3A_748, %dma_start3A_754] : memref<800x64xf32, #tpu.memory_space<vmem>> -> memref<1x64xf32, #tpu.memory_space<vmem>>
      %dma_start3A_756 = arith.constant 0 : i32
      %dma_start3A_757 = tpu.memref_slice %arg2[%shift_right_arithmetic3A_742, %and3A_744, %dma_start3A_756] : memref<125000x8x64xf32, #tpu.memory_space<hbm>> -> memref<1x1x64xf32, #tpu.memory_space<hbm>>
      %dma_start3A_758 = tpu.memref_squeeze %dma_start3A_757 : memref<1x1x64xf32, #tpu.memory_space<hbm>> -> memref<1x64xf32, #tpu.memory_space<hbm>>
      tpu.enqueue_dma source(%dma_start3A_758 : memref<1x64xf32, #tpu.memory_space<hbm>>) target(%dma_start3A_755 : memref<1x64xf32, #tpu.memory_space<vmem>>) target_semaphore(%arg7 : memref<!tpu.dma_semaphore, #tpu.memory_space<semaphore_mem>>)
      %slice3A_759 = vector.extract_strided_slice %get3A_503 {offsets = [13], sizes = [1], strides = [1]} : vector<16xi32> to vector<1xi32>
      %squeeze3A_760 = vector.extract %slice3A_759[0] : i32 from vector<1xi32>
      %shift_right_arithmetic3A_761 = arith.constant 3 : i32
      %shift_right_arithmetic3A_762 = arith.shrsi %squeeze3A_760, %shift_right_arithmetic3A_761 : i32
      %and3A_763 = arith.constant 7 : i32
      %and3A_764 = arith.andi %squeeze3A_760, %and3A_763 : i32
      %mul3A_765 = arith.constant 16 : i32
      %mul3A_766 = arith.muli %scan3A_497, %mul3A_765 : i32
      %add3A_767 = arith.constant 13 : i32
      %add3A_768 = arith.addi %mul3A_766, %add3A_767 : i32
      %dma_start3A_769 = arith.constant 0 : i32
      %dma_start3A_770 = tpu.memref_slice %arg6[%add3A_768, %dma_start3A_769] : memref<800x64xf32, #tpu.memory_space<vmem>> -> memref<1x64xf32, #tpu.memory_space<vmem>>
      %dma_start3A_771 = arith.constant 0 : i32
      %dma_start3A_772 = tpu.memref_slice %arg2[%shift_right_arithmetic3A_762, %and3A_764, %dma_start3A_771] : memref<125000x8x64xf32, #tpu.memory_space<hbm>> -> memref<1x1x64xf32, #tpu.memory_space<hbm>>
      %dma_start3A_773 = tpu.memref_squeeze %dma_start3A_772 : memref<1x1x64xf32, #tpu.memory_space<hbm>> -> memref<1x64xf32, #tpu.memory_space<hbm>>
      %dma_start3A_774 = arith.constant 0 : i32
      %dma_start3A_775 = tpu.memref_slice %arg6[%add3A_768, %dma_start3A_774] : memref<800x64xf32, #tpu.memory_space<vmem>> -> memref<1x64xf32, #tpu.memory_space<vmem>>
      %dma_start3A_776 = arith.constant 0 : i32
      %dma_start3A_777 = tpu.memref_slice %arg2[%shift_right_arithmetic3A_762, %and3A_764, %dma_start3A_776] : memref<125000x8x64xf32, #tpu.memory_space<hbm>> -> memref<1x1x64xf32, #tpu.memory_space<hbm>>
      %dma_start3A_778 = tpu.memref_squeeze %dma_start3A_777 : memref<1x1x64xf32, #tpu.memory_space<hbm>> -> memref<1x64xf32, #tpu.memory_space<hbm>>
      tpu.enqueue_dma source(%dma_start3A_778 : memref<1x64xf32, #tpu.memory_space<hbm>>) target(%dma_start3A_775 : memref<1x64xf32, #tpu.memory_space<vmem>>) target_semaphore(%arg7 : memref<!tpu.dma_semaphore, #tpu.memory_space<semaphore_mem>>)
      %slice3A_779 = vector.extract_strided_slice %get3A_503 {offsets = [14], sizes = [1], strides = [1]} : vector<16xi32> to vector<1xi32>
      %squeeze3A_780 = vector.extract %slice3A_779[0] : i32 from vector<1xi32>
      %shift_right_arithmetic3A_781 = arith.constant 3 : i32
      %shift_right_arithmetic3A_782 = arith.shrsi %squeeze3A_780, %shift_right_arithmetic3A_781 : i32
      %and3A_783 = arith.constant 7 : i32
      %and3A_784 = arith.andi %squeeze3A_780, %and3A_783 : i32
      %mul3A_785 = arith.constant 16 : i32
      %mul3A_786 = arith.muli %scan3A_497, %mul3A_785 : i32
      %add3A_787 = arith.constant 14 : i32
      %add3A_788 = arith.addi %mul3A_786, %add3A_787 : i32
      %dma_start3A_789 = arith.constant 0 : i32
      %dma_start3A_790 = tpu.memref_slice %arg6[%add3A_788, %dma_start3A_789] : memref<800x64xf32, #tpu.memory_space<vmem>> -> memref<1x64xf32, #tpu.memory_space<vmem>>
      %dma_start3A_791 = arith.constant 0 : i32
      %dma_start3A_792 = tpu.memref_slice %arg2[%shift_right_arithmetic3A_782, %and3A_784, %dma_start3A_791] : memref<125000x8x64xf32, #tpu.memory_space<hbm>> -> memref<1x1x64xf32, #tpu.memory_space<hbm>>
      %dma_start3A_793 = tpu.memref_squeeze %dma_start3A_792 : memref<1x1x64xf32, #tpu.memory_space<hbm>> -> memref<1x64xf32, #tpu.memory_space<hbm>>
      %dma_start3A_794 = arith.constant 0 : i32
      %dma_start3A_795 = tpu.memref_slice %arg6[%add3A_788, %dma_start3A_794] : memref<800x64xf32, #tpu.memory_space<vmem>> -> memref<1x64xf32, #tpu.memory_space<vmem>>
      %dma_start3A_796 = arith.constant 0 : i32
      %dma_start3A_797 = tpu.memref_slice %arg2[%shift_right_arithmetic3A_782, %and3A_784, %dma_start3A_796] : memref<125000x8x64xf32, #tpu.memory_space<hbm>> -> memref<1x1x64xf32, #tpu.memory_space<hbm>>
      %dma_start3A_798 = tpu.memref_squeeze %dma_start3A_797 : memref<1x1x64xf32, #tpu.memory_space<hbm>> -> memref<1x64xf32, #tpu.memory_space<hbm>>
      tpu.enqueue_dma source(%dma_start3A_798 : memref<1x64xf32, #tpu.memory_space<hbm>>) target(%dma_start3A_795 : memref<1x64xf32, #tpu.memory_space<vmem>>) target_semaphore(%arg7 : memref<!tpu.dma_semaphore, #tpu.memory_space<semaphore_mem>>)
      %slice3A_799 = vector.extract_strided_slice %get3A_503 {offsets = [15], sizes = [1], strides = [1]} : vector<16xi32> to vector<1xi32>
      %squeeze3A_800 = vector.extract %slice3A_799[0] : i32 from vector<1xi32>
      %shift_right_arithmetic3A_801 = arith.constant 3 : i32
      %shift_right_arithmetic3A_802 = arith.shrsi %squeeze3A_800, %shift_right_arithmetic3A_801 : i32
      %and3A_803 = arith.constant 7 : i32
      %and3A_804 = arith.andi %squeeze3A_800, %and3A_803 : i32
      %mul3A_805 = arith.constant 16 : i32
      %mul3A_806 = arith.muli %scan3A_497, %mul3A_805 : i32
      %add3A_807 = arith.constant 15 : i32
      %add3A_808 = arith.addi %mul3A_806, %add3A_807 : i32
      %dma_start3A_809 = arith.constant 0 : i32
      %dma_start3A_810 = tpu.memref_slice %arg6[%add3A_808, %dma_start3A_809] : memref<800x64xf32, #tpu.memory_space<vmem>> -> memref<1x64xf32, #tpu.memory_space<vmem>>
      %dma_start3A_811 = arith.constant 0 : i32
      %dma_start3A_812 = tpu.memref_slice %arg2[%shift_right_arithmetic3A_802, %and3A_804, %dma_start3A_811] : memref<125000x8x64xf32, #tpu.memory_space<hbm>> -> memref<1x1x64xf32, #tpu.memory_space<hbm>>
      %dma_start3A_813 = tpu.memref_squeeze %dma_start3A_812 : memref<1x1x64xf32, #tpu.memory_space<hbm>> -> memref<1x64xf32, #tpu.memory_space<hbm>>
      %dma_start3A_814 = arith.constant 0 : i32
      %dma_start3A_815 = tpu.memref_slice %arg6[%add3A_808, %dma_start3A_814] : memref<800x64xf32, #tpu.memory_space<vmem>> -> memref<1x64xf32, #tpu.memory_space<vmem>>
      %dma_start3A_816 = arith.constant 0 : i32
      %dma_start3A_817 = tpu.memref_slice %arg2[%shift_right_arithmetic3A_802, %and3A_804, %dma_start3A_816] : memref<125000x8x64xf32, #tpu.memory_space<hbm>> -> memref<1x1x64xf32, #tpu.memory_space<hbm>>
      %dma_start3A_818 = tpu.memref_squeeze %dma_start3A_817 : memref<1x1x64xf32, #tpu.memory_space<hbm>> -> memref<1x64xf32, #tpu.memory_space<hbm>>
      tpu.enqueue_dma source(%dma_start3A_818 : memref<1x64xf32, #tpu.memory_space<hbm>>) target(%dma_start3A_815 : memref<1x64xf32, #tpu.memory_space<vmem>>) target_semaphore(%arg7 : memref<!tpu.dma_semaphore, #tpu.memory_space<semaphore_mem>>)
      %ge3A = arith.constant 8 : i32
      %ge3A_819 = arith.cmpi sge, %scan3A_497, %ge3A : i32
      %convert_element_type3A = arith.extui %ge3A_819 : i1 to i32
      %cond3A = arith.constant 0 : i32
      %cond3A_820 = arith.cmpi ne, %convert_element_type3A, %cond3A : i32
      scf.if %cond3A_820 {
        %dma_wait3A_821 = arith.constant 0 : i32
        %dma_wait3A_822 = arith.constant 0 : i32
        %dma_wait3A_823 = arith.constant 0 : i32
        %dma_wait3A_824 = tpu.memref_slice %arg6[%dma_wait3A_822, %dma_wait3A_823] : memref<800x64xf32, #tpu.memory_space<vmem>> -> memref<8x64xf32, #tpu.memory_space<vmem>>
        %dma_wait3A_825 = arith.constant 0 : i32
        %dma_wait3A_826 = arith.constant 0 : i32
        %dma_wait3A_827 = tpu.memref_slice %arg2[%dma_wait3A_821, %dma_wait3A_825, %dma_wait3A_826] : memref<125000x8x64xf32, #tpu.memory_space<hbm>> -> memref<1x8x64xf32, #tpu.memory_space<hbm>>
        %dma_wait3A_828 = tpu.memref_squeeze %dma_wait3A_827 : memref<1x8x64xf32, #tpu.memory_space<hbm>> -> memref<8x64xf32, #tpu.memory_space<hbm>>
        %dma_wait3A_829 = arith.constant 0 : i32
        %dma_wait3A_830 = arith.constant 0 : i32
        %dma_wait3A_831 = tpu.memref_slice %arg6[%dma_wait3A_829, %dma_wait3A_830] : memref<800x64xf32, #tpu.memory_space<vmem>> -> memref<8x64xf32, #tpu.memory_space<vmem>>
        %dma_wait3A_832 = arith.constant 0 : i32
        %dma_wait3A_833 = arith.constant 0 : i32
        %dma_wait3A_834 = tpu.memref_slice %arg2[%dma_wait3A_821, %dma_wait3A_832, %dma_wait3A_833] : memref<125000x8x64xf32, #tpu.memory_space<hbm>> -> memref<1x8x64xf32, #tpu.memory_space<hbm>>
        %dma_wait3A_835 = tpu.memref_squeeze %dma_wait3A_834 : memref<1x8x64xf32, #tpu.memory_space<hbm>> -> memref<8x64xf32, #tpu.memory_space<hbm>>
        tpu.wait_dma2 semaphore(%arg7 : memref<!tpu.dma_semaphore, #tpu.memory_space<semaphore_mem>>) src(%dma_wait3A_835 : memref<8x64xf32, #tpu.memory_space<hbm>>) dst(%dma_wait3A_831 : memref<8x64xf32, #tpu.memory_space<vmem>>)
        %dma_wait3A_836 = arith.constant 0 : i32
        %dma_wait3A_837 = arith.constant 0 : i32
        %dma_wait3A_838 = arith.constant 0 : i32
        %dma_wait3A_839 = tpu.memref_slice %arg6[%dma_wait3A_837, %dma_wait3A_838] : memref<800x64xf32, #tpu.memory_space<vmem>> -> memref<8x64xf32, #tpu.memory_space<vmem>>
        %dma_wait3A_840 = arith.constant 0 : i32
        %dma_wait3A_841 = arith.constant 0 : i32
        %dma_wait3A_842 = tpu.memref_slice %arg2[%dma_wait3A_836, %dma_wait3A_840, %dma_wait3A_841] : memref<125000x8x64xf32, #tpu.memory_space<hbm>> -> memref<1x8x64xf32, #tpu.memory_space<hbm>>
        %dma_wait3A_843 = tpu.memref_squeeze %dma_wait3A_842 : memref<1x8x64xf32, #tpu.memory_space<hbm>> -> memref<8x64xf32, #tpu.memory_space<hbm>>
        %dma_wait3A_844 = arith.constant 0 : i32
        %dma_wait3A_845 = arith.constant 0 : i32
        %dma_wait3A_846 = tpu.memref_slice %arg6[%dma_wait3A_844, %dma_wait3A_845] : memref<800x64xf32, #tpu.memory_space<vmem>> -> memref<8x64xf32, #tpu.memory_space<vmem>>
        %dma_wait3A_847 = arith.constant 0 : i32
        %dma_wait3A_848 = arith.constant 0 : i32
        %dma_wait3A_849 = tpu.memref_slice %arg2[%dma_wait3A_836, %dma_wait3A_847, %dma_wait3A_848] : memref<125000x8x64xf32, #tpu.memory_space<hbm>> -> memref<1x8x64xf32, #tpu.memory_space<hbm>>
        %dma_wait3A_850 = tpu.memref_squeeze %dma_wait3A_849 : memref<1x8x64xf32, #tpu.memory_space<hbm>> -> memref<8x64xf32, #tpu.memory_space<hbm>>
        tpu.wait_dma2 semaphore(%arg7 : memref<!tpu.dma_semaphore, #tpu.memory_space<semaphore_mem>>) src(%dma_wait3A_850 : memref<8x64xf32, #tpu.memory_space<hbm>>) dst(%dma_wait3A_846 : memref<8x64xf32, #tpu.memory_space<vmem>>)
      } else {
      }
    }
    %scan3A_7 = arith.constant 50 : i32
    %dma_wait3A = arith.constant 0 : i32
    %dma_wait3A_8 = arith.constant 0 : i32
    %dma_wait3A_9 = arith.constant 0 : i32
    %dma_wait3A_10 = tpu.memref_slice %arg6[%dma_wait3A_8, %dma_wait3A_9] : memref<800x64xf32, #tpu.memory_space<vmem>> -> memref<8x64xf32, #tpu.memory_space<vmem>>
    %dma_wait3A_11 = arith.constant 0 : i32
    %dma_wait3A_12 = arith.constant 0 : i32
    %dma_wait3A_13 = tpu.memref_slice %arg2[%dma_wait3A, %dma_wait3A_11, %dma_wait3A_12] : memref<125000x8x64xf32, #tpu.memory_space<hbm>> -> memref<1x8x64xf32, #tpu.memory_space<hbm>>
    %dma_wait3A_14 = tpu.memref_squeeze %dma_wait3A_13 : memref<1x8x64xf32, #tpu.memory_space<hbm>> -> memref<8x64xf32, #tpu.memory_space<hbm>>
    %dma_wait3A_15 = arith.constant 0 : i32
    %dma_wait3A_16 = arith.constant 0 : i32
    %dma_wait3A_17 = tpu.memref_slice %arg6[%dma_wait3A_15, %dma_wait3A_16] : memref<800x64xf32, #tpu.memory_space<vmem>> -> memref<8x64xf32, #tpu.memory_space<vmem>>
    %dma_wait3A_18 = arith.constant 0 : i32
    %dma_wait3A_19 = arith.constant 0 : i32
    %dma_wait3A_20 = tpu.memref_slice %arg2[%dma_wait3A, %dma_wait3A_18, %dma_wait3A_19] : memref<125000x8x64xf32, #tpu.memory_space<hbm>> -> memref<1x8x64xf32, #tpu.memory_space<hbm>>
    %dma_wait3A_21 = tpu.memref_squeeze %dma_wait3A_20 : memref<1x8x64xf32, #tpu.memory_space<hbm>> -> memref<8x64xf32, #tpu.memory_space<hbm>>
    tpu.wait_dma2 semaphore(%arg7 : memref<!tpu.dma_semaphore, #tpu.memory_space<semaphore_mem>>) src(%dma_wait3A_21 : memref<8x64xf32, #tpu.memory_space<hbm>>) dst(%dma_wait3A_17 : memref<8x64xf32, #tpu.memory_space<vmem>>)
    %dma_wait3A_22 = arith.constant 0 : i32
    %dma_wait3A_23 = arith.constant 0 : i32
    %dma_wait3A_24 = arith.constant 0 : i32
    %dma_wait3A_25 = tpu.memref_slice %arg6[%dma_wait3A_23, %dma_wait3A_24] : memref<800x64xf32, #tpu.memory_space<vmem>> -> memref<8x64xf32, #tpu.memory_space<vmem>>
    %dma_wait3A_26 = arith.constant 0 : i32
    %dma_wait3A_27 = arith.constant 0 : i32
    %dma_wait3A_28 = tpu.memref_slice %arg2[%dma_wait3A_22, %dma_wait3A_26, %dma_wait3A_27] : memref<125000x8x64xf32, #tpu.memory_space<hbm>> -> memref<1x8x64xf32, #tpu.memory_space<hbm>>
    %dma_wait3A_29 = tpu.memref_squeeze %dma_wait3A_28 : memref<1x8x64xf32, #tpu.memory_space<hbm>> -> memref<8x64xf32, #tpu.memory_space<hbm>>
    %dma_wait3A_30 = arith.constant 0 : i32
    %dma_wait3A_31 = arith.constant 0 : i32
    %dma_wait3A_32 = tpu.memref_slice %arg6[%dma_wait3A_30, %dma_wait3A_31] : memref<800x64xf32, #tpu.memory_space<vmem>> -> memref<8x64xf32, #tpu.memory_space<vmem>>
    %dma_wait3A_33 = arith.constant 0 : i32
    %dma_wait3A_34 = arith.constant 0 : i32
    %dma_wait3A_35 = tpu.memref_slice %arg2[%dma_wait3A_22, %dma_wait3A_33, %dma_wait3A_34] : memref<125000x8x64xf32, #tpu.memory_space<hbm>> -> memref<1x8x64xf32, #tpu.memory_space<hbm>>
    %dma_wait3A_36 = tpu.memref_squeeze %dma_wait3A_35 : memref<1x8x64xf32, #tpu.memory_space<hbm>> -> memref<8x64xf32, #tpu.memory_space<hbm>>
    tpu.wait_dma2 semaphore(%arg7 : memref<!tpu.dma_semaphore, #tpu.memory_space<semaphore_mem>>) src(%dma_wait3A_36 : memref<8x64xf32, #tpu.memory_space<hbm>>) dst(%dma_wait3A_32 : memref<8x64xf32, #tpu.memory_space<vmem>>)
    %dma_wait3A_37 = arith.constant 0 : i32
    %dma_wait3A_38 = arith.constant 0 : i32
    %dma_wait3A_39 = arith.constant 0 : i32
    %dma_wait3A_40 = tpu.memref_slice %arg6[%dma_wait3A_38, %dma_wait3A_39] : memref<800x64xf32, #tpu.memory_space<vmem>> -> memref<8x64xf32, #tpu.memory_space<vmem>>
    %dma_wait3A_41 = arith.constant 0 : i32
    %dma_wait3A_42 = arith.constant 0 : i32
    %dma_wait3A_43 = tpu.memref_slice %arg2[%dma_wait3A_37, %dma_wait3A_41, %dma_wait3A_42] : memref<125000x8x64xf32, #tpu.memory_space<hbm>> -> memref<1x8x64xf32, #tpu.memory_space<hbm>>
    %dma_wait3A_44 = tpu.memref_squeeze %dma_wait3A_43 : memref<1x8x64xf32, #tpu.memory_space<hbm>> -> memref<8x64xf32, #tpu.memory_space<hbm>>
    %dma_wait3A_45 = arith.constant 0 : i32
    %dma_wait3A_46 = arith.constant 0 : i32
    %dma_wait3A_47 = tpu.memref_slice %arg6[%dma_wait3A_45, %dma_wait3A_46] : memref<800x64xf32, #tpu.memory_space<vmem>> -> memref<8x64xf32, #tpu.memory_space<vmem>>
    %dma_wait3A_48 = arith.constant 0 : i32
    %dma_wait3A_49 = arith.constant 0 : i32
    %dma_wait3A_50 = tpu.memref_slice %arg2[%dma_wait3A_37, %dma_wait3A_48, %dma_wait3A_49] : memref<125000x8x64xf32, #tpu.memory_space<hbm>> -> memref<1x8x64xf32, #tpu.memory_space<hbm>>
    %dma_wait3A_51 = tpu.memref_squeeze %dma_wait3A_50 : memref<1x8x64xf32, #tpu.memory_space<hbm>> -> memref<8x64xf32, #tpu.memory_space<hbm>>
    tpu.wait_dma2 semaphore(%arg7 : memref<!tpu.dma_semaphore, #tpu.memory_space<semaphore_mem>>) src(%dma_wait3A_51 : memref<8x64xf32, #tpu.memory_space<hbm>>) dst(%dma_wait3A_47 : memref<8x64xf32, #tpu.memory_space<vmem>>)
    %dma_wait3A_52 = arith.constant 0 : i32
    %dma_wait3A_53 = arith.constant 0 : i32
    %dma_wait3A_54 = arith.constant 0 : i32
    %dma_wait3A_55 = tpu.memref_slice %arg6[%dma_wait3A_53, %dma_wait3A_54] : memref<800x64xf32, #tpu.memory_space<vmem>> -> memref<8x64xf32, #tpu.memory_space<vmem>>
    %dma_wait3A_56 = arith.constant 0 : i32
    %dma_wait3A_57 = arith.constant 0 : i32
    %dma_wait3A_58 = tpu.memref_slice %arg2[%dma_wait3A_52, %dma_wait3A_56, %dma_wait3A_57] : memref<125000x8x64xf32, #tpu.memory_space<hbm>> -> memref<1x8x64xf32, #tpu.memory_space<hbm>>
    %dma_wait3A_59 = tpu.memref_squeeze %dma_wait3A_58 : memref<1x8x64xf32, #tpu.memory_space<hbm>> -> memref<8x64xf32, #tpu.memory_space<hbm>>
    %dma_wait3A_60 = arith.constant 0 : i32
    %dma_wait3A_61 = arith.constant 0 : i32
    %dma_wait3A_62 = tpu.memref_slice %arg6[%dma_wait3A_60, %dma_wait3A_61] : memref<800x64xf32, #tpu.memory_space<vmem>> -> memref<8x64xf32, #tpu.memory_space<vmem>>
    %dma_wait3A_63 = arith.constant 0 : i32
    %dma_wait3A_64 = arith.constant 0 : i32
    %dma_wait3A_65 = tpu.memref_slice %arg2[%dma_wait3A_52, %dma_wait3A_63, %dma_wait3A_64] : memref<125000x8x64xf32, #tpu.memory_space<hbm>> -> memref<1x8x64xf32, #tpu.memory_space<hbm>>
    %dma_wait3A_66 = tpu.memref_squeeze %dma_wait3A_65 : memref<1x8x64xf32, #tpu.memory_space<hbm>> -> memref<8x64xf32, #tpu.memory_space<hbm>>
    tpu.wait_dma2 semaphore(%arg7 : memref<!tpu.dma_semaphore, #tpu.memory_space<semaphore_mem>>) src(%dma_wait3A_66 : memref<8x64xf32, #tpu.memory_space<hbm>>) dst(%dma_wait3A_62 : memref<8x64xf32, #tpu.memory_space<vmem>>)
    %dma_wait3A_67 = arith.constant 0 : i32
    %dma_wait3A_68 = arith.constant 0 : i32
    %dma_wait3A_69 = arith.constant 0 : i32
    %dma_wait3A_70 = tpu.memref_slice %arg6[%dma_wait3A_68, %dma_wait3A_69] : memref<800x64xf32, #tpu.memory_space<vmem>> -> memref<8x64xf32, #tpu.memory_space<vmem>>
    %dma_wait3A_71 = arith.constant 0 : i32
    %dma_wait3A_72 = arith.constant 0 : i32
    %dma_wait3A_73 = tpu.memref_slice %arg2[%dma_wait3A_67, %dma_wait3A_71, %dma_wait3A_72] : memref<125000x8x64xf32, #tpu.memory_space<hbm>> -> memref<1x8x64xf32, #tpu.memory_space<hbm>>
    %dma_wait3A_74 = tpu.memref_squeeze %dma_wait3A_73 : memref<1x8x64xf32, #tpu.memory_space<hbm>> -> memref<8x64xf32, #tpu.memory_space<hbm>>
    %dma_wait3A_75 = arith.constant 0 : i32
    %dma_wait3A_76 = arith.constant 0 : i32
    %dma_wait3A_77 = tpu.memref_slice %arg6[%dma_wait3A_75, %dma_wait3A_76] : memref<800x64xf32, #tpu.memory_space<vmem>> -> memref<8x64xf32, #tpu.memory_space<vmem>>
    %dma_wait3A_78 = arith.constant 0 : i32
    %dma_wait3A_79 = arith.constant 0 : i32
    %dma_wait3A_80 = tpu.memref_slice %arg2[%dma_wait3A_67, %dma_wait3A_78, %dma_wait3A_79] : memref<125000x8x64xf32, #tpu.memory_space<hbm>> -> memref<1x8x64xf32, #tpu.memory_space<hbm>>
    %dma_wait3A_81 = tpu.memref_squeeze %dma_wait3A_80 : memref<1x8x64xf32, #tpu.memory_space<hbm>> -> memref<8x64xf32, #tpu.memory_space<hbm>>
    tpu.wait_dma2 semaphore(%arg7 : memref<!tpu.dma_semaphore, #tpu.memory_space<semaphore_mem>>) src(%dma_wait3A_81 : memref<8x64xf32, #tpu.memory_space<hbm>>) dst(%dma_wait3A_77 : memref<8x64xf32, #tpu.memory_space<vmem>>)
    %dma_wait3A_82 = arith.constant 0 : i32
    %dma_wait3A_83 = arith.constant 0 : i32
    %dma_wait3A_84 = arith.constant 0 : i32
    %dma_wait3A_85 = tpu.memref_slice %arg6[%dma_wait3A_83, %dma_wait3A_84] : memref<800x64xf32, #tpu.memory_space<vmem>> -> memref<8x64xf32, #tpu.memory_space<vmem>>
    %dma_wait3A_86 = arith.constant 0 : i32
    %dma_wait3A_87 = arith.constant 0 : i32
    %dma_wait3A_88 = tpu.memref_slice %arg2[%dma_wait3A_82, %dma_wait3A_86, %dma_wait3A_87] : memref<125000x8x64xf32, #tpu.memory_space<hbm>> -> memref<1x8x64xf32, #tpu.memory_space<hbm>>
    %dma_wait3A_89 = tpu.memref_squeeze %dma_wait3A_88 : memref<1x8x64xf32, #tpu.memory_space<hbm>> -> memref<8x64xf32, #tpu.memory_space<hbm>>
    %dma_wait3A_90 = arith.constant 0 : i32
    %dma_wait3A_91 = arith.constant 0 : i32
    %dma_wait3A_92 = tpu.memref_slice %arg6[%dma_wait3A_90, %dma_wait3A_91] : memref<800x64xf32, #tpu.memory_space<vmem>> -> memref<8x64xf32, #tpu.memory_space<vmem>>
    %dma_wait3A_93 = arith.constant 0 : i32
    %dma_wait3A_94 = arith.constant 0 : i32
    %dma_wait3A_95 = tpu.memref_slice %arg2[%dma_wait3A_82, %dma_wait3A_93, %dma_wait3A_94] : memref<125000x8x64xf32, #tpu.memory_space<hbm>> -> memref<1x8x64xf32, #tpu.memory_space<hbm>>
    %dma_wait3A_96 = tpu.memref_squeeze %dma_wait3A_95 : memref<1x8x64xf32, #tpu.memory_space<hbm>> -> memref<8x64xf32, #tpu.memory_space<hbm>>
    tpu.wait_dma2 semaphore(%arg7 : memref<!tpu.dma_semaphore, #tpu.memory_space<semaphore_mem>>) src(%dma_wait3A_96 : memref<8x64xf32, #tpu.memory_space<hbm>>) dst(%dma_wait3A_92 : memref<8x64xf32, #tpu.memory_space<vmem>>)
    %dma_wait3A_97 = arith.constant 0 : i32
    %dma_wait3A_98 = arith.constant 0 : i32
    %dma_wait3A_99 = arith.constant 0 : i32
    %dma_wait3A_100 = tpu.memref_slice %arg6[%dma_wait3A_98, %dma_wait3A_99] : memref<800x64xf32, #tpu.memory_space<vmem>> -> memref<8x64xf32, #tpu.memory_space<vmem>>
    %dma_wait3A_101 = arith.constant 0 : i32
    %dma_wait3A_102 = arith.constant 0 : i32
    %dma_wait3A_103 = tpu.memref_slice %arg2[%dma_wait3A_97, %dma_wait3A_101, %dma_wait3A_102] : memref<125000x8x64xf32, #tpu.memory_space<hbm>> -> memref<1x8x64xf32, #tpu.memory_space<hbm>>
    %dma_wait3A_104 = tpu.memref_squeeze %dma_wait3A_103 : memref<1x8x64xf32, #tpu.memory_space<hbm>> -> memref<8x64xf32, #tpu.memory_space<hbm>>
    %dma_wait3A_105 = arith.constant 0 : i32
    %dma_wait3A_106 = arith.constant 0 : i32
    %dma_wait3A_107 = tpu.memref_slice %arg6[%dma_wait3A_105, %dma_wait3A_106] : memref<800x64xf32, #tpu.memory_space<vmem>> -> memref<8x64xf32, #tpu.memory_space<vmem>>
    %dma_wait3A_108 = arith.constant 0 : i32
    %dma_wait3A_109 = arith.constant 0 : i32
    %dma_wait3A_110 = tpu.memref_slice %arg2[%dma_wait3A_97, %dma_wait3A_108, %dma_wait3A_109] : memref<125000x8x64xf32, #tpu.memory_space<hbm>> -> memref<1x8x64xf32, #tpu.memory_space<hbm>>
    %dma_wait3A_111 = tpu.memref_squeeze %dma_wait3A_110 : memref<1x8x64xf32, #tpu.memory_space<hbm>> -> memref<8x64xf32, #tpu.memory_space<hbm>>
    tpu.wait_dma2 semaphore(%arg7 : memref<!tpu.dma_semaphore, #tpu.memory_space<semaphore_mem>>) src(%dma_wait3A_111 : memref<8x64xf32, #tpu.memory_space<hbm>>) dst(%dma_wait3A_107 : memref<8x64xf32, #tpu.memory_space<vmem>>)
    %dma_wait3A_112 = arith.constant 0 : i32
    %dma_wait3A_113 = arith.constant 0 : i32
    %dma_wait3A_114 = arith.constant 0 : i32
    %dma_wait3A_115 = tpu.memref_slice %arg6[%dma_wait3A_113, %dma_wait3A_114] : memref<800x64xf32, #tpu.memory_space<vmem>> -> memref<8x64xf32, #tpu.memory_space<vmem>>
    %dma_wait3A_116 = arith.constant 0 : i32
    %dma_wait3A_117 = arith.constant 0 : i32
    %dma_wait3A_118 = tpu.memref_slice %arg2[%dma_wait3A_112, %dma_wait3A_116, %dma_wait3A_117] : memref<125000x8x64xf32, #tpu.memory_space<hbm>> -> memref<1x8x64xf32, #tpu.memory_space<hbm>>
    %dma_wait3A_119 = tpu.memref_squeeze %dma_wait3A_118 : memref<1x8x64xf32, #tpu.memory_space<hbm>> -> memref<8x64xf32, #tpu.memory_space<hbm>>
    %dma_wait3A_120 = arith.constant 0 : i32
    %dma_wait3A_121 = arith.constant 0 : i32
    %dma_wait3A_122 = tpu.memref_slice %arg6[%dma_wait3A_120, %dma_wait3A_121] : memref<800x64xf32, #tpu.memory_space<vmem>> -> memref<8x64xf32, #tpu.memory_space<vmem>>
    %dma_wait3A_123 = arith.constant 0 : i32
    %dma_wait3A_124 = arith.constant 0 : i32
    %dma_wait3A_125 = tpu.memref_slice %arg2[%dma_wait3A_112, %dma_wait3A_123, %dma_wait3A_124] : memref<125000x8x64xf32, #tpu.memory_space<hbm>> -> memref<1x8x64xf32, #tpu.memory_space<hbm>>
    %dma_wait3A_126 = tpu.memref_squeeze %dma_wait3A_125 : memref<1x8x64xf32, #tpu.memory_space<hbm>> -> memref<8x64xf32, #tpu.memory_space<hbm>>
    tpu.wait_dma2 semaphore(%arg7 : memref<!tpu.dma_semaphore, #tpu.memory_space<semaphore_mem>>) src(%dma_wait3A_126 : memref<8x64xf32, #tpu.memory_space<hbm>>) dst(%dma_wait3A_122 : memref<8x64xf32, #tpu.memory_space<vmem>>)
    %dma_wait3A_127 = arith.constant 0 : i32
    %dma_wait3A_128 = arith.constant 0 : i32
    %dma_wait3A_129 = arith.constant 0 : i32
    %dma_wait3A_130 = tpu.memref_slice %arg6[%dma_wait3A_128, %dma_wait3A_129] : memref<800x64xf32, #tpu.memory_space<vmem>> -> memref<8x64xf32, #tpu.memory_space<vmem>>
    %dma_wait3A_131 = arith.constant 0 : i32
    %dma_wait3A_132 = arith.constant 0 : i32
    %dma_wait3A_133 = tpu.memref_slice %arg2[%dma_wait3A_127, %dma_wait3A_131, %dma_wait3A_132] : memref<125000x8x64xf32, #tpu.memory_space<hbm>> -> memref<1x8x64xf32, #tpu.memory_space<hbm>>
    %dma_wait3A_134 = tpu.memref_squeeze %dma_wait3A_133 : memref<1x8x64xf32, #tpu.memory_space<hbm>> -> memref<8x64xf32, #tpu.memory_space<hbm>>
    %dma_wait3A_135 = arith.constant 0 : i32
    %dma_wait3A_136 = arith.constant 0 : i32
    %dma_wait3A_137 = tpu.memref_slice %arg6[%dma_wait3A_135, %dma_wait3A_136] : memref<800x64xf32, #tpu.memory_space<vmem>> -> memref<8x64xf32, #tpu.memory_space<vmem>>
    %dma_wait3A_138 = arith.constant 0 : i32
    %dma_wait3A_139 = arith.constant 0 : i32
    %dma_wait3A_140 = tpu.memref_slice %arg2[%dma_wait3A_127, %dma_wait3A_138, %dma_wait3A_139] : memref<125000x8x64xf32, #tpu.memory_space<hbm>> -> memref<1x8x64xf32, #tpu.memory_space<hbm>>
    %dma_wait3A_141 = tpu.memref_squeeze %dma_wait3A_140 : memref<1x8x64xf32, #tpu.memory_space<hbm>> -> memref<8x64xf32, #tpu.memory_space<hbm>>
    tpu.wait_dma2 semaphore(%arg7 : memref<!tpu.dma_semaphore, #tpu.memory_space<semaphore_mem>>) src(%dma_wait3A_141 : memref<8x64xf32, #tpu.memory_space<hbm>>) dst(%dma_wait3A_137 : memref<8x64xf32, #tpu.memory_space<vmem>>)
    %dma_wait3A_142 = arith.constant 0 : i32
    %dma_wait3A_143 = arith.constant 0 : i32
    %dma_wait3A_144 = arith.constant 0 : i32
    %dma_wait3A_145 = tpu.memref_slice %arg6[%dma_wait3A_143, %dma_wait3A_144] : memref<800x64xf32, #tpu.memory_space<vmem>> -> memref<8x64xf32, #tpu.memory_space<vmem>>
    %dma_wait3A_146 = arith.constant 0 : i32
    %dma_wait3A_147 = arith.constant 0 : i32
    %dma_wait3A_148 = tpu.memref_slice %arg2[%dma_wait3A_142, %dma_wait3A_146, %dma_wait3A_147] : memref<125000x8x64xf32, #tpu.memory_space<hbm>> -> memref<1x8x64xf32, #tpu.memory_space<hbm>>
    %dma_wait3A_149 = tpu.memref_squeeze %dma_wait3A_148 : memref<1x8x64xf32, #tpu.memory_space<hbm>> -> memref<8x64xf32, #tpu.memory_space<hbm>>
    %dma_wait3A_150 = arith.constant 0 : i32
    %dma_wait3A_151 = arith.constant 0 : i32
    %dma_wait3A_152 = tpu.memref_slice %arg6[%dma_wait3A_150, %dma_wait3A_151] : memref<800x64xf32, #tpu.memory_space<vmem>> -> memref<8x64xf32, #tpu.memory_space<vmem>>
    %dma_wait3A_153 = arith.constant 0 : i32
    %dma_wait3A_154 = arith.constant 0 : i32
    %dma_wait3A_155 = tpu.memref_slice %arg2[%dma_wait3A_142, %dma_wait3A_153, %dma_wait3A_154] : memref<125000x8x64xf32, #tpu.memory_space<hbm>> -> memref<1x8x64xf32, #tpu.memory_space<hbm>>
    %dma_wait3A_156 = tpu.memref_squeeze %dma_wait3A_155 : memref<1x8x64xf32, #tpu.memory_space<hbm>> -> memref<8x64xf32, #tpu.memory_space<hbm>>
    tpu.wait_dma2 semaphore(%arg7 : memref<!tpu.dma_semaphore, #tpu.memory_space<semaphore_mem>>) src(%dma_wait3A_156 : memref<8x64xf32, #tpu.memory_space<hbm>>) dst(%dma_wait3A_152 : memref<8x64xf32, #tpu.memory_space<vmem>>)
    %dma_wait3A_157 = arith.constant 0 : i32
    %dma_wait3A_158 = arith.constant 0 : i32
    %dma_wait3A_159 = arith.constant 0 : i32
    %dma_wait3A_160 = tpu.memref_slice %arg6[%dma_wait3A_158, %dma_wait3A_159] : memref<800x64xf32, #tpu.memory_space<vmem>> -> memref<8x64xf32, #tpu.memory_space<vmem>>
    %dma_wait3A_161 = arith.constant 0 : i32
    %dma_wait3A_162 = arith.constant 0 : i32
    %dma_wait3A_163 = tpu.memref_slice %arg2[%dma_wait3A_157, %dma_wait3A_161, %dma_wait3A_162] : memref<125000x8x64xf32, #tpu.memory_space<hbm>> -> memref<1x8x64xf32, #tpu.memory_space<hbm>>
    %dma_wait3A_164 = tpu.memref_squeeze %dma_wait3A_163 : memref<1x8x64xf32, #tpu.memory_space<hbm>> -> memref<8x64xf32, #tpu.memory_space<hbm>>
    %dma_wait3A_165 = arith.constant 0 : i32
    %dma_wait3A_166 = arith.constant 0 : i32
    %dma_wait3A_167 = tpu.memref_slice %arg6[%dma_wait3A_165, %dma_wait3A_166] : memref<800x64xf32, #tpu.memory_space<vmem>> -> memref<8x64xf32, #tpu.memory_space<vmem>>
    %dma_wait3A_168 = arith.constant 0 : i32
    %dma_wait3A_169 = arith.constant 0 : i32
    %dma_wait3A_170 = tpu.memref_slice %arg2[%dma_wait3A_157, %dma_wait3A_168, %dma_wait3A_169] : memref<125000x8x64xf32, #tpu.memory_space<hbm>> -> memref<1x8x64xf32, #tpu.memory_space<hbm>>
    %dma_wait3A_171 = tpu.memref_squeeze %dma_wait3A_170 : memref<1x8x64xf32, #tpu.memory_space<hbm>> -> memref<8x64xf32, #tpu.memory_space<hbm>>
    tpu.wait_dma2 semaphore(%arg7 : memref<!tpu.dma_semaphore, #tpu.memory_space<semaphore_mem>>) src(%dma_wait3A_171 : memref<8x64xf32, #tpu.memory_space<hbm>>) dst(%dma_wait3A_167 : memref<8x64xf32, #tpu.memory_space<vmem>>)
    %dma_wait3A_172 = arith.constant 0 : i32
    %dma_wait3A_173 = arith.constant 0 : i32
    %dma_wait3A_174 = arith.constant 0 : i32
    %dma_wait3A_175 = tpu.memref_slice %arg6[%dma_wait3A_173, %dma_wait3A_174] : memref<800x64xf32, #tpu.memory_space<vmem>> -> memref<8x64xf32, #tpu.memory_space<vmem>>
    %dma_wait3A_176 = arith.constant 0 : i32
    %dma_wait3A_177 = arith.constant 0 : i32
    %dma_wait3A_178 = tpu.memref_slice %arg2[%dma_wait3A_172, %dma_wait3A_176, %dma_wait3A_177] : memref<125000x8x64xf32, #tpu.memory_space<hbm>> -> memref<1x8x64xf32, #tpu.memory_space<hbm>>
    %dma_wait3A_179 = tpu.memref_squeeze %dma_wait3A_178 : memref<1x8x64xf32, #tpu.memory_space<hbm>> -> memref<8x64xf32, #tpu.memory_space<hbm>>
    %dma_wait3A_180 = arith.constant 0 : i32
    %dma_wait3A_181 = arith.constant 0 : i32
    %dma_wait3A_182 = tpu.memref_slice %arg6[%dma_wait3A_180, %dma_wait3A_181] : memref<800x64xf32, #tpu.memory_space<vmem>> -> memref<8x64xf32, #tpu.memory_space<vmem>>
    %dma_wait3A_183 = arith.constant 0 : i32
    %dma_wait3A_184 = arith.constant 0 : i32
    %dma_wait3A_185 = tpu.memref_slice %arg2[%dma_wait3A_172, %dma_wait3A_183, %dma_wait3A_184] : memref<125000x8x64xf32, #tpu.memory_space<hbm>> -> memref<1x8x64xf32, #tpu.memory_space<hbm>>
    %dma_wait3A_186 = tpu.memref_squeeze %dma_wait3A_185 : memref<1x8x64xf32, #tpu.memory_space<hbm>> -> memref<8x64xf32, #tpu.memory_space<hbm>>
    tpu.wait_dma2 semaphore(%arg7 : memref<!tpu.dma_semaphore, #tpu.memory_space<semaphore_mem>>) src(%dma_wait3A_186 : memref<8x64xf32, #tpu.memory_space<hbm>>) dst(%dma_wait3A_182 : memref<8x64xf32, #tpu.memory_space<vmem>>)
    %dma_wait3A_187 = arith.constant 0 : i32
    %dma_wait3A_188 = arith.constant 0 : i32
    %dma_wait3A_189 = arith.constant 0 : i32
    %dma_wait3A_190 = tpu.memref_slice %arg6[%dma_wait3A_188, %dma_wait3A_189] : memref<800x64xf32, #tpu.memory_space<vmem>> -> memref<8x64xf32, #tpu.memory_space<vmem>>
    %dma_wait3A_191 = arith.constant 0 : i32
    %dma_wait3A_192 = arith.constant 0 : i32
    %dma_wait3A_193 = tpu.memref_slice %arg2[%dma_wait3A_187, %dma_wait3A_191, %dma_wait3A_192] : memref<125000x8x64xf32, #tpu.memory_space<hbm>> -> memref<1x8x64xf32, #tpu.memory_space<hbm>>
    %dma_wait3A_194 = tpu.memref_squeeze %dma_wait3A_193 : memref<1x8x64xf32, #tpu.memory_space<hbm>> -> memref<8x64xf32, #tpu.memory_space<hbm>>
    %dma_wait3A_195 = arith.constant 0 : i32
    %dma_wait3A_196 = arith.constant 0 : i32
    %dma_wait3A_197 = tpu.memref_slice %arg6[%dma_wait3A_195, %dma_wait3A_196] : memref<800x64xf32, #tpu.memory_space<vmem>> -> memref<8x64xf32, #tpu.memory_space<vmem>>
    %dma_wait3A_198 = arith.constant 0 : i32
    %dma_wait3A_199 = arith.constant 0 : i32
    %dma_wait3A_200 = tpu.memref_slice %arg2[%dma_wait3A_187, %dma_wait3A_198, %dma_wait3A_199] : memref<125000x8x64xf32, #tpu.memory_space<hbm>> -> memref<1x8x64xf32, #tpu.memory_space<hbm>>
    %dma_wait3A_201 = tpu.memref_squeeze %dma_wait3A_200 : memref<1x8x64xf32, #tpu.memory_space<hbm>> -> memref<8x64xf32, #tpu.memory_space<hbm>>
    tpu.wait_dma2 semaphore(%arg7 : memref<!tpu.dma_semaphore, #tpu.memory_space<semaphore_mem>>) src(%dma_wait3A_201 : memref<8x64xf32, #tpu.memory_space<hbm>>) dst(%dma_wait3A_197 : memref<8x64xf32, #tpu.memory_space<vmem>>)
    %dma_wait3A_202 = arith.constant 0 : i32
    %dma_wait3A_203 = arith.constant 0 : i32
    %dma_wait3A_204 = arith.constant 0 : i32
    %dma_wait3A_205 = tpu.memref_slice %arg6[%dma_wait3A_203, %dma_wait3A_204] : memref<800x64xf32, #tpu.memory_space<vmem>> -> memref<8x64xf32, #tpu.memory_space<vmem>>
    %dma_wait3A_206 = arith.constant 0 : i32
    %dma_wait3A_207 = arith.constant 0 : i32
    %dma_wait3A_208 = tpu.memref_slice %arg2[%dma_wait3A_202, %dma_wait3A_206, %dma_wait3A_207] : memref<125000x8x64xf32, #tpu.memory_space<hbm>> -> memref<1x8x64xf32, #tpu.memory_space<hbm>>
    %dma_wait3A_209 = tpu.memref_squeeze %dma_wait3A_208 : memref<1x8x64xf32, #tpu.memory_space<hbm>> -> memref<8x64xf32, #tpu.memory_space<hbm>>
    %dma_wait3A_210 = arith.constant 0 : i32
    %dma_wait3A_211 = arith.constant 0 : i32
    %dma_wait3A_212 = tpu.memref_slice %arg6[%dma_wait3A_210, %dma_wait3A_211] : memref<800x64xf32, #tpu.memory_space<vmem>> -> memref<8x64xf32, #tpu.memory_space<vmem>>
    %dma_wait3A_213 = arith.constant 0 : i32
    %dma_wait3A_214 = arith.constant 0 : i32
    %dma_wait3A_215 = tpu.memref_slice %arg2[%dma_wait3A_202, %dma_wait3A_213, %dma_wait3A_214] : memref<125000x8x64xf32, #tpu.memory_space<hbm>> -> memref<1x8x64xf32, #tpu.memory_space<hbm>>
    %dma_wait3A_216 = tpu.memref_squeeze %dma_wait3A_215 : memref<1x8x64xf32, #tpu.memory_space<hbm>> -> memref<8x64xf32, #tpu.memory_space<hbm>>
    tpu.wait_dma2 semaphore(%arg7 : memref<!tpu.dma_semaphore, #tpu.memory_space<semaphore_mem>>) src(%dma_wait3A_216 : memref<8x64xf32, #tpu.memory_space<hbm>>) dst(%dma_wait3A_212 : memref<8x64xf32, #tpu.memory_space<vmem>>)
    %dma_wait3A_217 = arith.constant 0 : i32
    %dma_wait3A_218 = arith.constant 0 : i32
    %dma_wait3A_219 = arith.constant 0 : i32
    %dma_wait3A_220 = tpu.memref_slice %arg6[%dma_wait3A_218, %dma_wait3A_219] : memref<800x64xf32, #tpu.memory_space<vmem>> -> memref<8x64xf32, #tpu.memory_space<vmem>>
    %dma_wait3A_221 = arith.constant 0 : i32
    %dma_wait3A_222 = arith.constant 0 : i32
    %dma_wait3A_223 = tpu.memref_slice %arg2[%dma_wait3A_217, %dma_wait3A_221, %dma_wait3A_222] : memref<125000x8x64xf32, #tpu.memory_space<hbm>> -> memref<1x8x64xf32, #tpu.memory_space<hbm>>
    %dma_wait3A_224 = tpu.memref_squeeze %dma_wait3A_223 : memref<1x8x64xf32, #tpu.memory_space<hbm>> -> memref<8x64xf32, #tpu.memory_space<hbm>>
    %dma_wait3A_225 = arith.constant 0 : i32
    %dma_wait3A_226 = arith.constant 0 : i32
    %dma_wait3A_227 = tpu.memref_slice %arg6[%dma_wait3A_225, %dma_wait3A_226] : memref<800x64xf32, #tpu.memory_space<vmem>> -> memref<8x64xf32, #tpu.memory_space<vmem>>
    %dma_wait3A_228 = arith.constant 0 : i32
    %dma_wait3A_229 = arith.constant 0 : i32
    %dma_wait3A_230 = tpu.memref_slice %arg2[%dma_wait3A_217, %dma_wait3A_228, %dma_wait3A_229] : memref<125000x8x64xf32, #tpu.memory_space<hbm>> -> memref<1x8x64xf32, #tpu.memory_space<hbm>>
    %dma_wait3A_231 = tpu.memref_squeeze %dma_wait3A_230 : memref<1x8x64xf32, #tpu.memory_space<hbm>> -> memref<8x64xf32, #tpu.memory_space<hbm>>
    tpu.wait_dma2 semaphore(%arg7 : memref<!tpu.dma_semaphore, #tpu.memory_space<semaphore_mem>>) src(%dma_wait3A_231 : memref<8x64xf32, #tpu.memory_space<hbm>>) dst(%dma_wait3A_227 : memref<8x64xf32, #tpu.memory_space<vmem>>)
    %dma_wait3A_232 = arith.constant 0 : i32
    %dma_wait3A_233 = arith.constant 0 : i32
    %dma_wait3A_234 = arith.constant 0 : i32
    %dma_wait3A_235 = tpu.memref_slice %arg6[%dma_wait3A_233, %dma_wait3A_234] : memref<800x64xf32, #tpu.memory_space<vmem>> -> memref<8x64xf32, #tpu.memory_space<vmem>>
    %dma_wait3A_236 = arith.constant 0 : i32
    %dma_wait3A_237 = arith.constant 0 : i32
    %dma_wait3A_238 = tpu.memref_slice %arg2[%dma_wait3A_232, %dma_wait3A_236, %dma_wait3A_237] : memref<125000x8x64xf32, #tpu.memory_space<hbm>> -> memref<1x8x64xf32, #tpu.memory_space<hbm>>
    %dma_wait3A_239 = tpu.memref_squeeze %dma_wait3A_238 : memref<1x8x64xf32, #tpu.memory_space<hbm>> -> memref<8x64xf32, #tpu.memory_space<hbm>>
    %dma_wait3A_240 = arith.constant 0 : i32
    %dma_wait3A_241 = arith.constant 0 : i32
    %dma_wait3A_242 = tpu.memref_slice %arg6[%dma_wait3A_240, %dma_wait3A_241] : memref<800x64xf32, #tpu.memory_space<vmem>> -> memref<8x64xf32, #tpu.memory_space<vmem>>
    %dma_wait3A_243 = arith.constant 0 : i32
    %dma_wait3A_244 = arith.constant 0 : i32
    %dma_wait3A_245 = tpu.memref_slice %arg2[%dma_wait3A_232, %dma_wait3A_243, %dma_wait3A_244] : memref<125000x8x64xf32, #tpu.memory_space<hbm>> -> memref<1x8x64xf32, #tpu.memory_space<hbm>>
    %dma_wait3A_246 = tpu.memref_squeeze %dma_wait3A_245 : memref<1x8x64xf32, #tpu.memory_space<hbm>> -> memref<8x64xf32, #tpu.memory_space<hbm>>
    tpu.wait_dma2 semaphore(%arg7 : memref<!tpu.dma_semaphore, #tpu.memory_space<semaphore_mem>>) src(%dma_wait3A_246 : memref<8x64xf32, #tpu.memory_space<hbm>>) dst(%dma_wait3A_242 : memref<8x64xf32, #tpu.memory_space<vmem>>)
    %add3A_247 = arith.constant 0 : i32
    %add3A_248 = arith.addi %mul3A_2, %add3A_247 : i32
    "tpu.region"() ({
      %run_scoped3A = tpu.sem_alloc : memref<!tpu.dma_semaphore, #tpu.memory_space<semaphore_mem>>
      %dma_start3A = arith.constant 0 : i32
      %dma_start3A_497 = tpu.memref_slice %arg4[%add3A_248, %dma_start3A] : memref<51200x64xf32, #tpu.memory_space<hbm>> -> memref<800x64xf32, #tpu.memory_space<hbm>>
      %dma_start3A_498 = arith.constant 0 : i32
      %dma_start3A_499 = tpu.memref_slice %arg4[%add3A_248, %dma_start3A_498] : memref<51200x64xf32, #tpu.memory_space<hbm>> -> memref<800x64xf32, #tpu.memory_space<hbm>>
      tpu.enqueue_dma source(%arg6 : memref<800x64xf32, #tpu.memory_space<vmem>>) target(%dma_start3A_499 : memref<800x64xf32, #tpu.memory_space<hbm>>) target_semaphore(%run_scoped3A : memref<!tpu.dma_semaphore, #tpu.memory_space<semaphore_mem>>)
      %dma_wait3A_500 = arith.constant 0 : i32
      %dma_wait3A_501 = tpu.memref_slice %arg4[%add3A_248, %dma_wait3A_500] : memref<51200x64xf32, #tpu.memory_space<hbm>> -> memref<800x64xf32, #tpu.memory_space<hbm>>
      %dma_wait3A_502 = arith.constant 0 : i32
      %dma_wait3A_503 = tpu.memref_slice %arg4[%add3A_248, %dma_wait3A_502] : memref<51200x64xf32, #tpu.memory_space<hbm>> -> memref<800x64xf32, #tpu.memory_space<hbm>>
      tpu.wait_dma2 semaphore(%run_scoped3A : memref<!tpu.dma_semaphore, #tpu.memory_space<semaphore_mem>>) src(%arg6 : memref<800x64xf32, #tpu.memory_space<vmem>>) dst(%dma_wait3A_503 : memref<800x64xf32, #tpu.memory_space<hbm>>)
      tpu.yield
    }) : () -> ()
    %scan3A_249 = arith.constant 0 : i32
    %scan3A_250 = arith.constant 0 : i32
    %scan3A_251 = arith.constant 50 : i32
    %scan3A_252 = arith.addi %scan3A_250, %scan3A_251 : i32
    %scan3A_253 = arith.constant 1 : i32
    scf.for %scan3A_497 = %scan3A_250 to %scan3A_252 step %scan3A_253  : i32 {
      %mul3A_498 = arith.constant 16 : i32
      %mul3A_499 = arith.muli %scan3A_497, %mul3A_498 : i32
      %add3A_500 = arith.constant 800 : i32
      %add3A_501 = arith.addi %add3A_500, %mul3A_499 : i32
      %get3A = arith.index_cast %add3A_501 : i32 to index
      %get3A_502 = tpu.vector_load %arg5[%get3A] {strides = array<i32>} : memref<1600xi32, #tpu.memory_space<vmem>>, vector<16xi32>,
      %get3A_503 = vector.shape_cast %get3A_502 : vector<16xi32> to vector<16xi32>
      %slice3A = vector.extract_strided_slice %get3A_503 {offsets = [0], sizes = [1], strides = [1]} : vector<16xi32> to vector<1xi32>
      %squeeze3A = vector.extract %slice3A[0] : i32 from vector<1xi32>
      %shift_right_arithmetic3A = arith.constant 3 : i32
      %shift_right_arithmetic3A_504 = arith.shrsi %squeeze3A, %shift_right_arithmetic3A : i32
      %and3A = arith.constant 7 : i32
      %and3A_505 = arith.andi %squeeze3A, %and3A : i32
      %mul3A_506 = arith.constant 16 : i32
      %mul3A_507 = arith.muli %scan3A_497, %mul3A_506 : i32
      %add3A_508 = arith.constant 0 : i32
      %add3A_509 = arith.addi %mul3A_507, %add3A_508 : i32
      %dma_start3A = arith.constant 0 : i32
      %dma_start3A_510 = tpu.memref_slice %arg6[%add3A_509, %dma_start3A] : memref<800x64xf32, #tpu.memory_space<vmem>> -> memref<1x64xf32, #tpu.memory_space<vmem>>
      %dma_start3A_511 = arith.constant 0 : i32
      %dma_start3A_512 = tpu.memref_slice %arg2[%shift_right_arithmetic3A_504, %and3A_505, %dma_start3A_511] : memref<125000x8x64xf32, #tpu.memory_space<hbm>> -> memref<1x1x64xf32, #tpu.memory_space<hbm>>
      %dma_start3A_513 = tpu.memref_squeeze %dma_start3A_512 : memref<1x1x64xf32, #tpu.memory_space<hbm>> -> memref<1x64xf32, #tpu.memory_space<hbm>>
      %dma_start3A_514 = arith.constant 0 : i32
      %dma_start3A_515 = tpu.memref_slice %arg6[%add3A_509, %dma_start3A_514] : memref<800x64xf32, #tpu.memory_space<vmem>> -> memref<1x64xf32, #tpu.memory_space<vmem>>
      %dma_start3A_516 = arith.constant 0 : i32
      %dma_start3A_517 = tpu.memref_slice %arg2[%shift_right_arithmetic3A_504, %and3A_505, %dma_start3A_516] : memref<125000x8x64xf32, #tpu.memory_space<hbm>> -> memref<1x1x64xf32, #tpu.memory_space<hbm>>
      %dma_start3A_518 = tpu.memref_squeeze %dma_start3A_517 : memref<1x1x64xf32, #tpu.memory_space<hbm>> -> memref<1x64xf32, #tpu.memory_space<hbm>>
      tpu.enqueue_dma source(%dma_start3A_518 : memref<1x64xf32, #tpu.memory_space<hbm>>) target(%dma_start3A_515 : memref<1x64xf32, #tpu.memory_space<vmem>>) target_semaphore(%arg7 : memref<!tpu.dma_semaphore, #tpu.memory_space<semaphore_mem>>)
      %slice3A_519 = vector.extract_strided_slice %get3A_503 {offsets = [1], sizes = [1], strides = [1]} : vector<16xi32> to vector<1xi32>
      %squeeze3A_520 = vector.extract %slice3A_519[0] : i32 from vector<1xi32>
      %shift_right_arithmetic3A_521 = arith.constant 3 : i32
      %shift_right_arithmetic3A_522 = arith.shrsi %squeeze3A_520, %shift_right_arithmetic3A_521 : i32
      %and3A_523 = arith.constant 7 : i32
      %and3A_524 = arith.andi %squeeze3A_520, %and3A_523 : i32
      %mul3A_525 = arith.constant 16 : i32
      %mul3A_526 = arith.muli %scan3A_497, %mul3A_525 : i32
      %add3A_527 = arith.constant 1 : i32
      %add3A_528 = arith.addi %mul3A_526, %add3A_527 : i32
      %dma_start3A_529 = arith.constant 0 : i32
      %dma_start3A_530 = tpu.memref_slice %arg6[%add3A_528, %dma_start3A_529] : memref<800x64xf32, #tpu.memory_space<vmem>> -> memref<1x64xf32, #tpu.memory_space<vmem>>
      %dma_start3A_531 = arith.constant 0 : i32
      %dma_start3A_532 = tpu.memref_slice %arg2[%shift_right_arithmetic3A_522, %and3A_524, %dma_start3A_531] : memref<125000x8x64xf32, #tpu.memory_space<hbm>> -> memref<1x1x64xf32, #tpu.memory_space<hbm>>
      %dma_start3A_533 = tpu.memref_squeeze %dma_start3A_532 : memref<1x1x64xf32, #tpu.memory_space<hbm>> -> memref<1x64xf32, #tpu.memory_space<hbm>>
      %dma_start3A_534 = arith.constant 0 : i32
      %dma_start3A_535 = tpu.memref_slice %arg6[%add3A_528, %dma_start3A_534] : memref<800x64xf32, #tpu.memory_space<vmem>> -> memref<1x64xf32, #tpu.memory_space<vmem>>
      %dma_start3A_536 = arith.constant 0 : i32
      %dma_start3A_537 = tpu.memref_slice %arg2[%shift_right_arithmetic3A_522, %and3A_524, %dma_start3A_536] : memref<125000x8x64xf32, #tpu.memory_space<hbm>> -> memref<1x1x64xf32, #tpu.memory_space<hbm>>
      %dma_start3A_538 = tpu.memref_squeeze %dma_start3A_537 : memref<1x1x64xf32, #tpu.memory_space<hbm>> -> memref<1x64xf32, #tpu.memory_space<hbm>>
      tpu.enqueue_dma source(%dma_start3A_538 : memref<1x64xf32, #tpu.memory_space<hbm>>) target(%dma_start3A_535 : memref<1x64xf32, #tpu.memory_space<vmem>>) target_semaphore(%arg7 : memref<!tpu.dma_semaphore, #tpu.memory_space<semaphore_mem>>)
      %slice3A_539 = vector.extract_strided_slice %get3A_503 {offsets = [2], sizes = [1], strides = [1]} : vector<16xi32> to vector<1xi32>
      %squeeze3A_540 = vector.extract %slice3A_539[0] : i32 from vector<1xi32>
      %shift_right_arithmetic3A_541 = arith.constant 3 : i32
      %shift_right_arithmetic3A_542 = arith.shrsi %squeeze3A_540, %shift_right_arithmetic3A_541 : i32
      %and3A_543 = arith.constant 7 : i32
      %and3A_544 = arith.andi %squeeze3A_540, %and3A_543 : i32
      %mul3A_545 = arith.constant 16 : i32
      %mul3A_546 = arith.muli %scan3A_497, %mul3A_545 : i32
      %add3A_547 = arith.constant 2 : i32
      %add3A_548 = arith.addi %mul3A_546, %add3A_547 : i32
      %dma_start3A_549 = arith.constant 0 : i32
      %dma_start3A_550 = tpu.memref_slice %arg6[%add3A_548, %dma_start3A_549] : memref<800x64xf32, #tpu.memory_space<vmem>> -> memref<1x64xf32, #tpu.memory_space<vmem>>
      %dma_start3A_551 = arith.constant 0 : i32
      %dma_start3A_552 = tpu.memref_slice %arg2[%shift_right_arithmetic3A_542, %and3A_544, %dma_start3A_551] : memref<125000x8x64xf32, #tpu.memory_space<hbm>> -> memref<1x1x64xf32, #tpu.memory_space<hbm>>
      %dma_start3A_553 = tpu.memref_squeeze %dma_start3A_552 : memref<1x1x64xf32, #tpu.memory_space<hbm>> -> memref<1x64xf32, #tpu.memory_space<hbm>>
      %dma_start3A_554 = arith.constant 0 : i32
      %dma_start3A_555 = tpu.memref_slice %arg6[%add3A_548, %dma_start3A_554] : memref<800x64xf32, #tpu.memory_space<vmem>> -> memref<1x64xf32, #tpu.memory_space<vmem>>
      %dma_start3A_556 = arith.constant 0 : i32
      %dma_start3A_557 = tpu.memref_slice %arg2[%shift_right_arithmetic3A_542, %and3A_544, %dma_start3A_556] : memref<125000x8x64xf32, #tpu.memory_space<hbm>> -> memref<1x1x64xf32, #tpu.memory_space<hbm>>
      %dma_start3A_558 = tpu.memref_squeeze %dma_start3A_557 : memref<1x1x64xf32, #tpu.memory_space<hbm>> -> memref<1x64xf32, #tpu.memory_space<hbm>>
      tpu.enqueue_dma source(%dma_start3A_558 : memref<1x64xf32, #tpu.memory_space<hbm>>) target(%dma_start3A_555 : memref<1x64xf32, #tpu.memory_space<vmem>>) target_semaphore(%arg7 : memref<!tpu.dma_semaphore, #tpu.memory_space<semaphore_mem>>)
      %slice3A_559 = vector.extract_strided_slice %get3A_503 {offsets = [3], sizes = [1], strides = [1]} : vector<16xi32> to vector<1xi32>
      %squeeze3A_560 = vector.extract %slice3A_559[0] : i32 from vector<1xi32>
      %shift_right_arithmetic3A_561 = arith.constant 3 : i32
      %shift_right_arithmetic3A_562 = arith.shrsi %squeeze3A_560, %shift_right_arithmetic3A_561 : i32
      %and3A_563 = arith.constant 7 : i32
      %and3A_564 = arith.andi %squeeze3A_560, %and3A_563 : i32
      %mul3A_565 = arith.constant 16 : i32
      %mul3A_566 = arith.muli %scan3A_497, %mul3A_565 : i32
      %add3A_567 = arith.constant 3 : i32
      %add3A_568 = arith.addi %mul3A_566, %add3A_567 : i32
      %dma_start3A_569 = arith.constant 0 : i32
      %dma_start3A_570 = tpu.memref_slice %arg6[%add3A_568, %dma_start3A_569] : memref<800x64xf32, #tpu.memory_space<vmem>> -> memref<1x64xf32, #tpu.memory_space<vmem>>
      %dma_start3A_571 = arith.constant 0 : i32
      %dma_start3A_572 = tpu.memref_slice %arg2[%shift_right_arithmetic3A_562, %and3A_564, %dma_start3A_571] : memref<125000x8x64xf32, #tpu.memory_space<hbm>> -> memref<1x1x64xf32, #tpu.memory_space<hbm>>
      %dma_start3A_573 = tpu.memref_squeeze %dma_start3A_572 : memref<1x1x64xf32, #tpu.memory_space<hbm>> -> memref<1x64xf32, #tpu.memory_space<hbm>>
      %dma_start3A_574 = arith.constant 0 : i32
      %dma_start3A_575 = tpu.memref_slice %arg6[%add3A_568, %dma_start3A_574] : memref<800x64xf32, #tpu.memory_space<vmem>> -> memref<1x64xf32, #tpu.memory_space<vmem>>
      %dma_start3A_576 = arith.constant 0 : i32
      %dma_start3A_577 = tpu.memref_slice %arg2[%shift_right_arithmetic3A_562, %and3A_564, %dma_start3A_576] : memref<125000x8x64xf32, #tpu.memory_space<hbm>> -> memref<1x1x64xf32, #tpu.memory_space<hbm>>
      %dma_start3A_578 = tpu.memref_squeeze %dma_start3A_577 : memref<1x1x64xf32, #tpu.memory_space<hbm>> -> memref<1x64xf32, #tpu.memory_space<hbm>>
      tpu.enqueue_dma source(%dma_start3A_578 : memref<1x64xf32, #tpu.memory_space<hbm>>) target(%dma_start3A_575 : memref<1x64xf32, #tpu.memory_space<vmem>>) target_semaphore(%arg7 : memref<!tpu.dma_semaphore, #tpu.memory_space<semaphore_mem>>)
      %slice3A_579 = vector.extract_strided_slice %get3A_503 {offsets = [4], sizes = [1], strides = [1]} : vector<16xi32> to vector<1xi32>
      %squeeze3A_580 = vector.extract %slice3A_579[0] : i32 from vector<1xi32>
      %shift_right_arithmetic3A_581 = arith.constant 3 : i32
      %shift_right_arithmetic3A_582 = arith.shrsi %squeeze3A_580, %shift_right_arithmetic3A_581 : i32
      %and3A_583 = arith.constant 7 : i32
      %and3A_584 = arith.andi %squeeze3A_580, %and3A_583 : i32
      %mul3A_585 = arith.constant 16 : i32
      %mul3A_586 = arith.muli %scan3A_497, %mul3A_585 : i32
      %add3A_587 = arith.constant 4 : i32
      %add3A_588 = arith.addi %mul3A_586, %add3A_587 : i32
      %dma_start3A_589 = arith.constant 0 : i32
      %dma_start3A_590 = tpu.memref_slice %arg6[%add3A_588, %dma_start3A_589] : memref<800x64xf32, #tpu.memory_space<vmem>> -> memref<1x64xf32, #tpu.memory_space<vmem>>
      %dma_start3A_591 = arith.constant 0 : i32
      %dma_start3A_592 = tpu.memref_slice %arg2[%shift_right_arithmetic3A_582, %and3A_584, %dma_start3A_591] : memref<125000x8x64xf32, #tpu.memory_space<hbm>> -> memref<1x1x64xf32, #tpu.memory_space<hbm>>
      %dma_start3A_593 = tpu.memref_squeeze %dma_start3A_592 : memref<1x1x64xf32, #tpu.memory_space<hbm>> -> memref<1x64xf32, #tpu.memory_space<hbm>>
      %dma_start3A_594 = arith.constant 0 : i32
      %dma_start3A_595 = tpu.memref_slice %arg6[%add3A_588, %dma_start3A_594] : memref<800x64xf32, #tpu.memory_space<vmem>> -> memref<1x64xf32, #tpu.memory_space<vmem>>
      %dma_start3A_596 = arith.constant 0 : i32
      %dma_start3A_597 = tpu.memref_slice %arg2[%shift_right_arithmetic3A_582, %and3A_584, %dma_start3A_596] : memref<125000x8x64xf32, #tpu.memory_space<hbm>> -> memref<1x1x64xf32, #tpu.memory_space<hbm>>
      %dma_start3A_598 = tpu.memref_squeeze %dma_start3A_597 : memref<1x1x64xf32, #tpu.memory_space<hbm>> -> memref<1x64xf32, #tpu.memory_space<hbm>>
      tpu.enqueue_dma source(%dma_start3A_598 : memref<1x64xf32, #tpu.memory_space<hbm>>) target(%dma_start3A_595 : memref<1x64xf32, #tpu.memory_space<vmem>>) target_semaphore(%arg7 : memref<!tpu.dma_semaphore, #tpu.memory_space<semaphore_mem>>)
      %slice3A_599 = vector.extract_strided_slice %get3A_503 {offsets = [5], sizes = [1], strides = [1]} : vector<16xi32> to vector<1xi32>
      %squeeze3A_600 = vector.extract %slice3A_599[0] : i32 from vector<1xi32>
      %shift_right_arithmetic3A_601 = arith.constant 3 : i32
      %shift_right_arithmetic3A_602 = arith.shrsi %squeeze3A_600, %shift_right_arithmetic3A_601 : i32
      %and3A_603 = arith.constant 7 : i32
      %and3A_604 = arith.andi %squeeze3A_600, %and3A_603 : i32
      %mul3A_605 = arith.constant 16 : i32
      %mul3A_606 = arith.muli %scan3A_497, %mul3A_605 : i32
      %add3A_607 = arith.constant 5 : i32
      %add3A_608 = arith.addi %mul3A_606, %add3A_607 : i32
      %dma_start3A_609 = arith.constant 0 : i32
      %dma_start3A_610 = tpu.memref_slice %arg6[%add3A_608, %dma_start3A_609] : memref<800x64xf32, #tpu.memory_space<vmem>> -> memref<1x64xf32, #tpu.memory_space<vmem>>
      %dma_start3A_611 = arith.constant 0 : i32
      %dma_start3A_612 = tpu.memref_slice %arg2[%shift_right_arithmetic3A_602, %and3A_604, %dma_start3A_611] : memref<125000x8x64xf32, #tpu.memory_space<hbm>> -> memref<1x1x64xf32, #tpu.memory_space<hbm>>
      %dma_start3A_613 = tpu.memref_squeeze %dma_start3A_612 : memref<1x1x64xf32, #tpu.memory_space<hbm>> -> memref<1x64xf32, #tpu.memory_space<hbm>>
      %dma_start3A_614 = arith.constant 0 : i32
      %dma_start3A_615 = tpu.memref_slice %arg6[%add3A_608, %dma_start3A_614] : memref<800x64xf32, #tpu.memory_space<vmem>> -> memref<1x64xf32, #tpu.memory_space<vmem>>
      %dma_start3A_616 = arith.constant 0 : i32
      %dma_start3A_617 = tpu.memref_slice %arg2[%shift_right_arithmetic3A_602, %and3A_604, %dma_start3A_616] : memref<125000x8x64xf32, #tpu.memory_space<hbm>> -> memref<1x1x64xf32, #tpu.memory_space<hbm>>
      %dma_start3A_618 = tpu.memref_squeeze %dma_start3A_617 : memref<1x1x64xf32, #tpu.memory_space<hbm>> -> memref<1x64xf32, #tpu.memory_space<hbm>>
      tpu.enqueue_dma source(%dma_start3A_618 : memref<1x64xf32, #tpu.memory_space<hbm>>) target(%dma_start3A_615 : memref<1x64xf32, #tpu.memory_space<vmem>>) target_semaphore(%arg7 : memref<!tpu.dma_semaphore, #tpu.memory_space<semaphore_mem>>)
      %slice3A_619 = vector.extract_strided_slice %get3A_503 {offsets = [6], sizes = [1], strides = [1]} : vector<16xi32> to vector<1xi32>
      %squeeze3A_620 = vector.extract %slice3A_619[0] : i32 from vector<1xi32>
      %shift_right_arithmetic3A_621 = arith.constant 3 : i32
      %shift_right_arithmetic3A_622 = arith.shrsi %squeeze3A_620, %shift_right_arithmetic3A_621 : i32
      %and3A_623 = arith.constant 7 : i32
      %and3A_624 = arith.andi %squeeze3A_620, %and3A_623 : i32
      %mul3A_625 = arith.constant 16 : i32
      %mul3A_626 = arith.muli %scan3A_497, %mul3A_625 : i32
      %add3A_627 = arith.constant 6 : i32
      %add3A_628 = arith.addi %mul3A_626, %add3A_627 : i32
      %dma_start3A_629 = arith.constant 0 : i32
      %dma_start3A_630 = tpu.memref_slice %arg6[%add3A_628, %dma_start3A_629] : memref<800x64xf32, #tpu.memory_space<vmem>> -> memref<1x64xf32, #tpu.memory_space<vmem>>
      %dma_start3A_631 = arith.constant 0 : i32
      %dma_start3A_632 = tpu.memref_slice %arg2[%shift_right_arithmetic3A_622, %and3A_624, %dma_start3A_631] : memref<125000x8x64xf32, #tpu.memory_space<hbm>> -> memref<1x1x64xf32, #tpu.memory_space<hbm>>
      %dma_start3A_633 = tpu.memref_squeeze %dma_start3A_632 : memref<1x1x64xf32, #tpu.memory_space<hbm>> -> memref<1x64xf32, #tpu.memory_space<hbm>>
      %dma_start3A_634 = arith.constant 0 : i32
      %dma_start3A_635 = tpu.memref_slice %arg6[%add3A_628, %dma_start3A_634] : memref<800x64xf32, #tpu.memory_space<vmem>> -> memref<1x64xf32, #tpu.memory_space<vmem>>
      %dma_start3A_636 = arith.constant 0 : i32
      %dma_start3A_637 = tpu.memref_slice %arg2[%shift_right_arithmetic3A_622, %and3A_624, %dma_start3A_636] : memref<125000x8x64xf32, #tpu.memory_space<hbm>> -> memref<1x1x64xf32, #tpu.memory_space<hbm>>
      %dma_start3A_638 = tpu.memref_squeeze %dma_start3A_637 : memref<1x1x64xf32, #tpu.memory_space<hbm>> -> memref<1x64xf32, #tpu.memory_space<hbm>>
      tpu.enqueue_dma source(%dma_start3A_638 : memref<1x64xf32, #tpu.memory_space<hbm>>) target(%dma_start3A_635 : memref<1x64xf32, #tpu.memory_space<vmem>>) target_semaphore(%arg7 : memref<!tpu.dma_semaphore, #tpu.memory_space<semaphore_mem>>)
      %slice3A_639 = vector.extract_strided_slice %get3A_503 {offsets = [7], sizes = [1], strides = [1]} : vector<16xi32> to vector<1xi32>
      %squeeze3A_640 = vector.extract %slice3A_639[0] : i32 from vector<1xi32>
      %shift_right_arithmetic3A_641 = arith.constant 3 : i32
      %shift_right_arithmetic3A_642 = arith.shrsi %squeeze3A_640, %shift_right_arithmetic3A_641 : i32
      %and3A_643 = arith.constant 7 : i32
      %and3A_644 = arith.andi %squeeze3A_640, %and3A_643 : i32
      %mul3A_645 = arith.constant 16 : i32
      %mul3A_646 = arith.muli %scan3A_497, %mul3A_645 : i32
      %add3A_647 = arith.constant 7 : i32
      %add3A_648 = arith.addi %mul3A_646, %add3A_647 : i32
      %dma_start3A_649 = arith.constant 0 : i32
      %dma_start3A_650 = tpu.memref_slice %arg6[%add3A_648, %dma_start3A_649] : memref<800x64xf32, #tpu.memory_space<vmem>> -> memref<1x64xf32, #tpu.memory_space<vmem>>
      %dma_start3A_651 = arith.constant 0 : i32
      %dma_start3A_652 = tpu.memref_slice %arg2[%shift_right_arithmetic3A_642, %and3A_644, %dma_start3A_651] : memref<125000x8x64xf32, #tpu.memory_space<hbm>> -> memref<1x1x64xf32, #tpu.memory_space<hbm>>
      %dma_start3A_653 = tpu.memref_squeeze %dma_start3A_652 : memref<1x1x64xf32, #tpu.memory_space<hbm>> -> memref<1x64xf32, #tpu.memory_space<hbm>>
      %dma_start3A_654 = arith.constant 0 : i32
      %dma_start3A_655 = tpu.memref_slice %arg6[%add3A_648, %dma_start3A_654] : memref<800x64xf32, #tpu.memory_space<vmem>> -> memref<1x64xf32, #tpu.memory_space<vmem>>
      %dma_start3A_656 = arith.constant 0 : i32
      %dma_start3A_657 = tpu.memref_slice %arg2[%shift_right_arithmetic3A_642, %and3A_644, %dma_start3A_656] : memref<125000x8x64xf32, #tpu.memory_space<hbm>> -> memref<1x1x64xf32, #tpu.memory_space<hbm>>
      %dma_start3A_658 = tpu.memref_squeeze %dma_start3A_657 : memref<1x1x64xf32, #tpu.memory_space<hbm>> -> memref<1x64xf32, #tpu.memory_space<hbm>>
      tpu.enqueue_dma source(%dma_start3A_658 : memref<1x64xf32, #tpu.memory_space<hbm>>) target(%dma_start3A_655 : memref<1x64xf32, #tpu.memory_space<vmem>>) target_semaphore(%arg7 : memref<!tpu.dma_semaphore, #tpu.memory_space<semaphore_mem>>)
      %slice3A_659 = vector.extract_strided_slice %get3A_503 {offsets = [8], sizes = [1], strides = [1]} : vector<16xi32> to vector<1xi32>
      %squeeze3A_660 = vector.extract %slice3A_659[0] : i32 from vector<1xi32>
      %shift_right_arithmetic3A_661 = arith.constant 3 : i32
      %shift_right_arithmetic3A_662 = arith.shrsi %squeeze3A_660, %shift_right_arithmetic3A_661 : i32
      %and3A_663 = arith.constant 7 : i32
      %and3A_664 = arith.andi %squeeze3A_660, %and3A_663 : i32
      %mul3A_665 = arith.constant 16 : i32
      %mul3A_666 = arith.muli %scan3A_497, %mul3A_665 : i32
      %add3A_667 = arith.constant 8 : i32
      %add3A_668 = arith.addi %mul3A_666, %add3A_667 : i32
      %dma_start3A_669 = arith.constant 0 : i32
      %dma_start3A_670 = tpu.memref_slice %arg6[%add3A_668, %dma_start3A_669] : memref<800x64xf32, #tpu.memory_space<vmem>> -> memref<1x64xf32, #tpu.memory_space<vmem>>
      %dma_start3A_671 = arith.constant 0 : i32
      %dma_start3A_672 = tpu.memref_slice %arg2[%shift_right_arithmetic3A_662, %and3A_664, %dma_start3A_671] : memref<125000x8x64xf32, #tpu.memory_space<hbm>> -> memref<1x1x64xf32, #tpu.memory_space<hbm>>
      %dma_start3A_673 = tpu.memref_squeeze %dma_start3A_672 : memref<1x1x64xf32, #tpu.memory_space<hbm>> -> memref<1x64xf32, #tpu.memory_space<hbm>>
      %dma_start3A_674 = arith.constant 0 : i32
      %dma_start3A_675 = tpu.memref_slice %arg6[%add3A_668, %dma_start3A_674] : memref<800x64xf32, #tpu.memory_space<vmem>> -> memref<1x64xf32, #tpu.memory_space<vmem>>
      %dma_start3A_676 = arith.constant 0 : i32
      %dma_start3A_677 = tpu.memref_slice %arg2[%shift_right_arithmetic3A_662, %and3A_664, %dma_start3A_676] : memref<125000x8x64xf32, #tpu.memory_space<hbm>> -> memref<1x1x64xf32, #tpu.memory_space<hbm>>
      %dma_start3A_678 = tpu.memref_squeeze %dma_start3A_677 : memref<1x1x64xf32, #tpu.memory_space<hbm>> -> memref<1x64xf32, #tpu.memory_space<hbm>>
      tpu.enqueue_dma source(%dma_start3A_678 : memref<1x64xf32, #tpu.memory_space<hbm>>) target(%dma_start3A_675 : memref<1x64xf32, #tpu.memory_space<vmem>>) target_semaphore(%arg7 : memref<!tpu.dma_semaphore, #tpu.memory_space<semaphore_mem>>)
      %slice3A_679 = vector.extract_strided_slice %get3A_503 {offsets = [9], sizes = [1], strides = [1]} : vector<16xi32> to vector<1xi32>
      %squeeze3A_680 = vector.extract %slice3A_679[0] : i32 from vector<1xi32>
      %shift_right_arithmetic3A_681 = arith.constant 3 : i32
      %shift_right_arithmetic3A_682 = arith.shrsi %squeeze3A_680, %shift_right_arithmetic3A_681 : i32
      %and3A_683 = arith.constant 7 : i32
      %and3A_684 = arith.andi %squeeze3A_680, %and3A_683 : i32
      %mul3A_685 = arith.constant 16 : i32
      %mul3A_686 = arith.muli %scan3A_497, %mul3A_685 : i32
      %add3A_687 = arith.constant 9 : i32
      %add3A_688 = arith.addi %mul3A_686, %add3A_687 : i32
      %dma_start3A_689 = arith.constant 0 : i32
      %dma_start3A_690 = tpu.memref_slice %arg6[%add3A_688, %dma_start3A_689] : memref<800x64xf32, #tpu.memory_space<vmem>> -> memref<1x64xf32, #tpu.memory_space<vmem>>
      %dma_start3A_691 = arith.constant 0 : i32
      %dma_start3A_692 = tpu.memref_slice %arg2[%shift_right_arithmetic3A_682, %and3A_684, %dma_start3A_691] : memref<125000x8x64xf32, #tpu.memory_space<hbm>> -> memref<1x1x64xf32, #tpu.memory_space<hbm>>
      %dma_start3A_693 = tpu.memref_squeeze %dma_start3A_692 : memref<1x1x64xf32, #tpu.memory_space<hbm>> -> memref<1x64xf32, #tpu.memory_space<hbm>>
      %dma_start3A_694 = arith.constant 0 : i32
      %dma_start3A_695 = tpu.memref_slice %arg6[%add3A_688, %dma_start3A_694] : memref<800x64xf32, #tpu.memory_space<vmem>> -> memref<1x64xf32, #tpu.memory_space<vmem>>
      %dma_start3A_696 = arith.constant 0 : i32
      %dma_start3A_697 = tpu.memref_slice %arg2[%shift_right_arithmetic3A_682, %and3A_684, %dma_start3A_696] : memref<125000x8x64xf32, #tpu.memory_space<hbm>> -> memref<1x1x64xf32, #tpu.memory_space<hbm>>
      %dma_start3A_698 = tpu.memref_squeeze %dma_start3A_697 : memref<1x1x64xf32, #tpu.memory_space<hbm>> -> memref<1x64xf32, #tpu.memory_space<hbm>>
      tpu.enqueue_dma source(%dma_start3A_698 : memref<1x64xf32, #tpu.memory_space<hbm>>) target(%dma_start3A_695 : memref<1x64xf32, #tpu.memory_space<vmem>>) target_semaphore(%arg7 : memref<!tpu.dma_semaphore, #tpu.memory_space<semaphore_mem>>)
      %slice3A_699 = vector.extract_strided_slice %get3A_503 {offsets = [10], sizes = [1], strides = [1]} : vector<16xi32> to vector<1xi32>
      %squeeze3A_700 = vector.extract %slice3A_699[0] : i32 from vector<1xi32>
      %shift_right_arithmetic3A_701 = arith.constant 3 : i32
      %shift_right_arithmetic3A_702 = arith.shrsi %squeeze3A_700, %shift_right_arithmetic3A_701 : i32
      %and3A_703 = arith.constant 7 : i32
      %and3A_704 = arith.andi %squeeze3A_700, %and3A_703 : i32
      %mul3A_705 = arith.constant 16 : i32
      %mul3A_706 = arith.muli %scan3A_497, %mul3A_705 : i32
      %add3A_707 = arith.constant 10 : i32
      %add3A_708 = arith.addi %mul3A_706, %add3A_707 : i32
      %dma_start3A_709 = arith.constant 0 : i32
      %dma_start3A_710 = tpu.memref_slice %arg6[%add3A_708, %dma_start3A_709] : memref<800x64xf32, #tpu.memory_space<vmem>> -> memref<1x64xf32, #tpu.memory_space<vmem>>
      %dma_start3A_711 = arith.constant 0 : i32
      %dma_start3A_712 = tpu.memref_slice %arg2[%shift_right_arithmetic3A_702, %and3A_704, %dma_start3A_711] : memref<125000x8x64xf32, #tpu.memory_space<hbm>> -> memref<1x1x64xf32, #tpu.memory_space<hbm>>
      %dma_start3A_713 = tpu.memref_squeeze %dma_start3A_712 : memref<1x1x64xf32, #tpu.memory_space<hbm>> -> memref<1x64xf32, #tpu.memory_space<hbm>>
      %dma_start3A_714 = arith.constant 0 : i32
      %dma_start3A_715 = tpu.memref_slice %arg6[%add3A_708, %dma_start3A_714] : memref<800x64xf32, #tpu.memory_space<vmem>> -> memref<1x64xf32, #tpu.memory_space<vmem>>
      %dma_start3A_716 = arith.constant 0 : i32
      %dma_start3A_717 = tpu.memref_slice %arg2[%shift_right_arithmetic3A_702, %and3A_704, %dma_start3A_716] : memref<125000x8x64xf32, #tpu.memory_space<hbm>> -> memref<1x1x64xf32, #tpu.memory_space<hbm>>
      %dma_start3A_718 = tpu.memref_squeeze %dma_start3A_717 : memref<1x1x64xf32, #tpu.memory_space<hbm>> -> memref<1x64xf32, #tpu.memory_space<hbm>>
      tpu.enqueue_dma source(%dma_start3A_718 : memref<1x64xf32, #tpu.memory_space<hbm>>) target(%dma_start3A_715 : memref<1x64xf32, #tpu.memory_space<vmem>>) target_semaphore(%arg7 : memref<!tpu.dma_semaphore, #tpu.memory_space<semaphore_mem>>)
      %slice3A_719 = vector.extract_strided_slice %get3A_503 {offsets = [11], sizes = [1], strides = [1]} : vector<16xi32> to vector<1xi32>
      %squeeze3A_720 = vector.extract %slice3A_719[0] : i32 from vector<1xi32>
      %shift_right_arithmetic3A_721 = arith.constant 3 : i32
      %shift_right_arithmetic3A_722 = arith.shrsi %squeeze3A_720, %shift_right_arithmetic3A_721 : i32
      %and3A_723 = arith.constant 7 : i32
      %and3A_724 = arith.andi %squeeze3A_720, %and3A_723 : i32
      %mul3A_725 = arith.constant 16 : i32
      %mul3A_726 = arith.muli %scan3A_497, %mul3A_725 : i32
      %add3A_727 = arith.constant 11 : i32
      %add3A_728 = arith.addi %mul3A_726, %add3A_727 : i32
      %dma_start3A_729 = arith.constant 0 : i32
      %dma_start3A_730 = tpu.memref_slice %arg6[%add3A_728, %dma_start3A_729] : memref<800x64xf32, #tpu.memory_space<vmem>> -> memref<1x64xf32, #tpu.memory_space<vmem>>
      %dma_start3A_731 = arith.constant 0 : i32
      %dma_start3A_732 = tpu.memref_slice %arg2[%shift_right_arithmetic3A_722, %and3A_724, %dma_start3A_731] : memref<125000x8x64xf32, #tpu.memory_space<hbm>> -> memref<1x1x64xf32, #tpu.memory_space<hbm>>
      %dma_start3A_733 = tpu.memref_squeeze %dma_start3A_732 : memref<1x1x64xf32, #tpu.memory_space<hbm>> -> memref<1x64xf32, #tpu.memory_space<hbm>>
      %dma_start3A_734 = arith.constant 0 : i32
      %dma_start3A_735 = tpu.memref_slice %arg6[%add3A_728, %dma_start3A_734] : memref<800x64xf32, #tpu.memory_space<vmem>> -> memref<1x64xf32, #tpu.memory_space<vmem>>
      %dma_start3A_736 = arith.constant 0 : i32
      %dma_start3A_737 = tpu.memref_slice %arg2[%shift_right_arithmetic3A_722, %and3A_724, %dma_start3A_736] : memref<125000x8x64xf32, #tpu.memory_space<hbm>> -> memref<1x1x64xf32, #tpu.memory_space<hbm>>
      %dma_start3A_738 = tpu.memref_squeeze %dma_start3A_737 : memref<1x1x64xf32, #tpu.memory_space<hbm>> -> memref<1x64xf32, #tpu.memory_space<hbm>>
      tpu.enqueue_dma source(%dma_start3A_738 : memref<1x64xf32, #tpu.memory_space<hbm>>) target(%dma_start3A_735 : memref<1x64xf32, #tpu.memory_space<vmem>>) target_semaphore(%arg7 : memref<!tpu.dma_semaphore, #tpu.memory_space<semaphore_mem>>)
      %slice3A_739 = vector.extract_strided_slice %get3A_503 {offsets = [12], sizes = [1], strides = [1]} : vector<16xi32> to vector<1xi32>
      %squeeze3A_740 = vector.extract %slice3A_739[0] : i32 from vector<1xi32>
      %shift_right_arithmetic3A_741 = arith.constant 3 : i32
      %shift_right_arithmetic3A_742 = arith.shrsi %squeeze3A_740, %shift_right_arithmetic3A_741 : i32
      %and3A_743 = arith.constant 7 : i32
      %and3A_744 = arith.andi %squeeze3A_740, %and3A_743 : i32
      %mul3A_745 = arith.constant 16 : i32
      %mul3A_746 = arith.muli %scan3A_497, %mul3A_745 : i32
      %add3A_747 = arith.constant 12 : i32
      %add3A_748 = arith.addi %mul3A_746, %add3A_747 : i32
      %dma_start3A_749 = arith.constant 0 : i32
      %dma_start3A_750 = tpu.memref_slice %arg6[%add3A_748, %dma_start3A_749] : memref<800x64xf32, #tpu.memory_space<vmem>> -> memref<1x64xf32, #tpu.memory_space<vmem>>
      %dma_start3A_751 = arith.constant 0 : i32
      %dma_start3A_752 = tpu.memref_slice %arg2[%shift_right_arithmetic3A_742, %and3A_744, %dma_start3A_751] : memref<125000x8x64xf32, #tpu.memory_space<hbm>> -> memref<1x1x64xf32, #tpu.memory_space<hbm>>
      %dma_start3A_753 = tpu.memref_squeeze %dma_start3A_752 : memref<1x1x64xf32, #tpu.memory_space<hbm>> -> memref<1x64xf32, #tpu.memory_space<hbm>>
      %dma_start3A_754 = arith.constant 0 : i32
      %dma_start3A_755 = tpu.memref_slice %arg6[%add3A_748, %dma_start3A_754] : memref<800x64xf32, #tpu.memory_space<vmem>> -> memref<1x64xf32, #tpu.memory_space<vmem>>
      %dma_start3A_756 = arith.constant 0 : i32
      %dma_start3A_757 = tpu.memref_slice %arg2[%shift_right_arithmetic3A_742, %and3A_744, %dma_start3A_756] : memref<125000x8x64xf32, #tpu.memory_space<hbm>> -> memref<1x1x64xf32, #tpu.memory_space<hbm>>
      %dma_start3A_758 = tpu.memref_squeeze %dma_start3A_757 : memref<1x1x64xf32, #tpu.memory_space<hbm>> -> memref<1x64xf32, #tpu.memory_space<hbm>>
      tpu.enqueue_dma source(%dma_start3A_758 : memref<1x64xf32, #tpu.memory_space<hbm>>) target(%dma_start3A_755 : memref<1x64xf32, #tpu.memory_space<vmem>>) target_semaphore(%arg7 : memref<!tpu.dma_semaphore, #tpu.memory_space<semaphore_mem>>)
      %slice3A_759 = vector.extract_strided_slice %get3A_503 {offsets = [13], sizes = [1], strides = [1]} : vector<16xi32> to vector<1xi32>
      %squeeze3A_760 = vector.extract %slice3A_759[0] : i32 from vector<1xi32>
      %shift_right_arithmetic3A_761 = arith.constant 3 : i32
      %shift_right_arithmetic3A_762 = arith.shrsi %squeeze3A_760, %shift_right_arithmetic3A_761 : i32
      %and3A_763 = arith.constant 7 : i32
      %and3A_764 = arith.andi %squeeze3A_760, %and3A_763 : i32
      %mul3A_765 = arith.constant 16 : i32
      %mul3A_766 = arith.muli %scan3A_497, %mul3A_765 : i32
      %add3A_767 = arith.constant 13 : i32
      %add3A_768 = arith.addi %mul3A_766, %add3A_767 : i32
      %dma_start3A_769 = arith.constant 0 : i32
      %dma_start3A_770 = tpu.memref_slice %arg6[%add3A_768, %dma_start3A_769] : memref<800x64xf32, #tpu.memory_space<vmem>> -> memref<1x64xf32, #tpu.memory_space<vmem>>
      %dma_start3A_771 = arith.constant 0 : i32
      %dma_start3A_772 = tpu.memref_slice %arg2[%shift_right_arithmetic3A_762, %and3A_764, %dma_start3A_771] : memref<125000x8x64xf32, #tpu.memory_space<hbm>> -> memref<1x1x64xf32, #tpu.memory_space<hbm>>
      %dma_start3A_773 = tpu.memref_squeeze %dma_start3A_772 : memref<1x1x64xf32, #tpu.memory_space<hbm>> -> memref<1x64xf32, #tpu.memory_space<hbm>>
      %dma_start3A_774 = arith.constant 0 : i32
      %dma_start3A_775 = tpu.memref_slice %arg6[%add3A_768, %dma_start3A_774] : memref<800x64xf32, #tpu.memory_space<vmem>> -> memref<1x64xf32, #tpu.memory_space<vmem>>
      %dma_start3A_776 = arith.constant 0 : i32
      %dma_start3A_777 = tpu.memref_slice %arg2[%shift_right_arithmetic3A_762, %and3A_764, %dma_start3A_776] : memref<125000x8x64xf32, #tpu.memory_space<hbm>> -> memref<1x1x64xf32, #tpu.memory_space<hbm>>
      %dma_start3A_778 = tpu.memref_squeeze %dma_start3A_777 : memref<1x1x64xf32, #tpu.memory_space<hbm>> -> memref<1x64xf32, #tpu.memory_space<hbm>>
      tpu.enqueue_dma source(%dma_start3A_778 : memref<1x64xf32, #tpu.memory_space<hbm>>) target(%dma_start3A_775 : memref<1x64xf32, #tpu.memory_space<vmem>>) target_semaphore(%arg7 : memref<!tpu.dma_semaphore, #tpu.memory_space<semaphore_mem>>)
      %slice3A_779 = vector.extract_strided_slice %get3A_503 {offsets = [14], sizes = [1], strides = [1]} : vector<16xi32> to vector<1xi32>
      %squeeze3A_780 = vector.extract %slice3A_779[0] : i32 from vector<1xi32>
      %shift_right_arithmetic3A_781 = arith.constant 3 : i32
      %shift_right_arithmetic3A_782 = arith.shrsi %squeeze3A_780, %shift_right_arithmetic3A_781 : i32
      %and3A_783 = arith.constant 7 : i32
      %and3A_784 = arith.andi %squeeze3A_780, %and3A_783 : i32
      %mul3A_785 = arith.constant 16 : i32
      %mul3A_786 = arith.muli %scan3A_497, %mul3A_785 : i32
      %add3A_787 = arith.constant 14 : i32
      %add3A_788 = arith.addi %mul3A_786, %add3A_787 : i32
      %dma_start3A_789 = arith.constant 0 : i32
      %dma_start3A_790 = tpu.memref_slice %arg6[%add3A_788, %dma_start3A_789] : memref<800x64xf32, #tpu.memory_space<vmem>> -> memref<1x64xf32, #tpu.memory_space<vmem>>
      %dma_start3A_791 = arith.constant 0 : i32
      %dma_start3A_792 = tpu.memref_slice %arg2[%shift_right_arithmetic3A_782, %and3A_784, %dma_start3A_791] : memref<125000x8x64xf32, #tpu.memory_space<hbm>> -> memref<1x1x64xf32, #tpu.memory_space<hbm>>
      %dma_start3A_793 = tpu.memref_squeeze %dma_start3A_792 : memref<1x1x64xf32, #tpu.memory_space<hbm>> -> memref<1x64xf32, #tpu.memory_space<hbm>>
      %dma_start3A_794 = arith.constant 0 : i32
      %dma_start3A_795 = tpu.memref_slice %arg6[%add3A_788, %dma_start3A_794] : memref<800x64xf32, #tpu.memory_space<vmem>> -> memref<1x64xf32, #tpu.memory_space<vmem>>
      %dma_start3A_796 = arith.constant 0 : i32
      %dma_start3A_797 = tpu.memref_slice %arg2[%shift_right_arithmetic3A_782, %and3A_784, %dma_start3A_796] : memref<125000x8x64xf32, #tpu.memory_space<hbm>> -> memref<1x1x64xf32, #tpu.memory_space<hbm>>
      %dma_start3A_798 = tpu.memref_squeeze %dma_start3A_797 : memref<1x1x64xf32, #tpu.memory_space<hbm>> -> memref<1x64xf32, #tpu.memory_space<hbm>>
      tpu.enqueue_dma source(%dma_start3A_798 : memref<1x64xf32, #tpu.memory_space<hbm>>) target(%dma_start3A_795 : memref<1x64xf32, #tpu.memory_space<vmem>>) target_semaphore(%arg7 : memref<!tpu.dma_semaphore, #tpu.memory_space<semaphore_mem>>)
      %slice3A_799 = vector.extract_strided_slice %get3A_503 {offsets = [15], sizes = [1], strides = [1]} : vector<16xi32> to vector<1xi32>
      %squeeze3A_800 = vector.extract %slice3A_799[0] : i32 from vector<1xi32>
      %shift_right_arithmetic3A_801 = arith.constant 3 : i32
      %shift_right_arithmetic3A_802 = arith.shrsi %squeeze3A_800, %shift_right_arithmetic3A_801 : i32
      %and3A_803 = arith.constant 7 : i32
      %and3A_804 = arith.andi %squeeze3A_800, %and3A_803 : i32
      %mul3A_805 = arith.constant 16 : i32
      %mul3A_806 = arith.muli %scan3A_497, %mul3A_805 : i32
      %add3A_807 = arith.constant 15 : i32
      %add3A_808 = arith.addi %mul3A_806, %add3A_807 : i32
      %dma_start3A_809 = arith.constant 0 : i32
      %dma_start3A_810 = tpu.memref_slice %arg6[%add3A_808, %dma_start3A_809] : memref<800x64xf32, #tpu.memory_space<vmem>> -> memref<1x64xf32, #tpu.memory_space<vmem>>
      %dma_start3A_811 = arith.constant 0 : i32
      %dma_start3A_812 = tpu.memref_slice %arg2[%shift_right_arithmetic3A_802, %and3A_804, %dma_start3A_811] : memref<125000x8x64xf32, #tpu.memory_space<hbm>> -> memref<1x1x64xf32, #tpu.memory_space<hbm>>
      %dma_start3A_813 = tpu.memref_squeeze %dma_start3A_812 : memref<1x1x64xf32, #tpu.memory_space<hbm>> -> memref<1x64xf32, #tpu.memory_space<hbm>>
      %dma_start3A_814 = arith.constant 0 : i32
      %dma_start3A_815 = tpu.memref_slice %arg6[%add3A_808, %dma_start3A_814] : memref<800x64xf32, #tpu.memory_space<vmem>> -> memref<1x64xf32, #tpu.memory_space<vmem>>
      %dma_start3A_816 = arith.constant 0 : i32
      %dma_start3A_817 = tpu.memref_slice %arg2[%shift_right_arithmetic3A_802, %and3A_804, %dma_start3A_816] : memref<125000x8x64xf32, #tpu.memory_space<hbm>> -> memref<1x1x64xf32, #tpu.memory_space<hbm>>
      %dma_start3A_818 = tpu.memref_squeeze %dma_start3A_817 : memref<1x1x64xf32, #tpu.memory_space<hbm>> -> memref<1x64xf32, #tpu.memory_space<hbm>>
      tpu.enqueue_dma source(%dma_start3A_818 : memref<1x64xf32, #tpu.memory_space<hbm>>) target(%dma_start3A_815 : memref<1x64xf32, #tpu.memory_space<vmem>>) target_semaphore(%arg7 : memref<!tpu.dma_semaphore, #tpu.memory_space<semaphore_mem>>)
      %ge3A = arith.constant 8 : i32
      %ge3A_819 = arith.cmpi sge, %scan3A_497, %ge3A : i32
      %convert_element_type3A = arith.extui %ge3A_819 : i1 to i32
      %cond3A = arith.constant 0 : i32
      %cond3A_820 = arith.cmpi ne, %convert_element_type3A, %cond3A : i32
      scf.if %cond3A_820 {
        %dma_wait3A_821 = arith.constant 0 : i32
        %dma_wait3A_822 = arith.constant 0 : i32
        %dma_wait3A_823 = arith.constant 0 : i32
        %dma_wait3A_824 = tpu.memref_slice %arg6[%dma_wait3A_822, %dma_wait3A_823] : memref<800x64xf32, #tpu.memory_space<vmem>> -> memref<8x64xf32, #tpu.memory_space<vmem>>
        %dma_wait3A_825 = arith.constant 0 : i32
        %dma_wait3A_826 = arith.constant 0 : i32
        %dma_wait3A_827 = tpu.memref_slice %arg2[%dma_wait3A_821, %dma_wait3A_825, %dma_wait3A_826] : memref<125000x8x64xf32, #tpu.memory_space<hbm>> -> memref<1x8x64xf32, #tpu.memory_space<hbm>>
        %dma_wait3A_828 = tpu.memref_squeeze %dma_wait3A_827 : memref<1x8x64xf32, #tpu.memory_space<hbm>> -> memref<8x64xf32, #tpu.memory_space<hbm>>
        %dma_wait3A_829 = arith.constant 0 : i32
        %dma_wait3A_830 = arith.constant 0 : i32
        %dma_wait3A_831 = tpu.memref_slice %arg6[%dma_wait3A_829, %dma_wait3A_830] : memref<800x64xf32, #tpu.memory_space<vmem>> -> memref<8x64xf32, #tpu.memory_space<vmem>>
        %dma_wait3A_832 = arith.constant 0 : i32
        %dma_wait3A_833 = arith.constant 0 : i32
        %dma_wait3A_834 = tpu.memref_slice %arg2[%dma_wait3A_821, %dma_wait3A_832, %dma_wait3A_833] : memref<125000x8x64xf32, #tpu.memory_space<hbm>> -> memref<1x8x64xf32, #tpu.memory_space<hbm>>
        %dma_wait3A_835 = tpu.memref_squeeze %dma_wait3A_834 : memref<1x8x64xf32, #tpu.memory_space<hbm>> -> memref<8x64xf32, #tpu.memory_space<hbm>>
        tpu.wait_dma2 semaphore(%arg7 : memref<!tpu.dma_semaphore, #tpu.memory_space<semaphore_mem>>) src(%dma_wait3A_835 : memref<8x64xf32, #tpu.memory_space<hbm>>) dst(%dma_wait3A_831 : memref<8x64xf32, #tpu.memory_space<vmem>>)
        %dma_wait3A_836 = arith.constant 0 : i32
        %dma_wait3A_837 = arith.constant 0 : i32
        %dma_wait3A_838 = arith.constant 0 : i32
        %dma_wait3A_839 = tpu.memref_slice %arg6[%dma_wait3A_837, %dma_wait3A_838] : memref<800x64xf32, #tpu.memory_space<vmem>> -> memref<8x64xf32, #tpu.memory_space<vmem>>
        %dma_wait3A_840 = arith.constant 0 : i32
        %dma_wait3A_841 = arith.constant 0 : i32
        %dma_wait3A_842 = tpu.memref_slice %arg2[%dma_wait3A_836, %dma_wait3A_840, %dma_wait3A_841] : memref<125000x8x64xf32, #tpu.memory_space<hbm>> -> memref<1x8x64xf32, #tpu.memory_space<hbm>>
        %dma_wait3A_843 = tpu.memref_squeeze %dma_wait3A_842 : memref<1x8x64xf32, #tpu.memory_space<hbm>> -> memref<8x64xf32, #tpu.memory_space<hbm>>
        %dma_wait3A_844 = arith.constant 0 : i32
        %dma_wait3A_845 = arith.constant 0 : i32
        %dma_wait3A_846 = tpu.memref_slice %arg6[%dma_wait3A_844, %dma_wait3A_845] : memref<800x64xf32, #tpu.memory_space<vmem>> -> memref<8x64xf32, #tpu.memory_space<vmem>>
        %dma_wait3A_847 = arith.constant 0 : i32
        %dma_wait3A_848 = arith.constant 0 : i32
        %dma_wait3A_849 = tpu.memref_slice %arg2[%dma_wait3A_836, %dma_wait3A_847, %dma_wait3A_848] : memref<125000x8x64xf32, #tpu.memory_space<hbm>> -> memref<1x8x64xf32, #tpu.memory_space<hbm>>
        %dma_wait3A_850 = tpu.memref_squeeze %dma_wait3A_849 : memref<1x8x64xf32, #tpu.memory_space<hbm>> -> memref<8x64xf32, #tpu.memory_space<hbm>>
        tpu.wait_dma2 semaphore(%arg7 : memref<!tpu.dma_semaphore, #tpu.memory_space<semaphore_mem>>) src(%dma_wait3A_850 : memref<8x64xf32, #tpu.memory_space<hbm>>) dst(%dma_wait3A_846 : memref<8x64xf32, #tpu.memory_space<vmem>>)
      } else {
      }
    }
    %scan3A_254 = arith.constant 50 : i32
    %dma_wait3A_255 = arith.constant 0 : i32
    %dma_wait3A_256 = arith.constant 0 : i32
    %dma_wait3A_257 = arith.constant 0 : i32
    %dma_wait3A_258 = tpu.memref_slice %arg6[%dma_wait3A_256, %dma_wait3A_257] : memref<800x64xf32, #tpu.memory_space<vmem>> -> memref<8x64xf32, #tpu.memory_space<vmem>>
    %dma_wait3A_259 = arith.constant 0 : i32
    %dma_wait3A_260 = arith.constant 0 : i32
    %dma_wait3A_261 = tpu.memref_slice %arg2[%dma_wait3A_255, %dma_wait3A_259, %dma_wait3A_260] : memref<125000x8x64xf32, #tpu.memory_space<hbm>> -> memref<1x8x64xf32, #tpu.memory_space<hbm>>
    %dma_wait3A_262 = tpu.memref_squeeze %dma_wait3A_261 : memref<1x8x64xf32, #tpu.memory_space<hbm>> -> memref<8x64xf32, #tpu.memory_space<hbm>>
    %dma_wait3A_263 = arith.constant 0 : i32
    %dma_wait3A_264 = arith.constant 0 : i32
    %dma_wait3A_265 = tpu.memref_slice %arg6[%dma_wait3A_263, %dma_wait3A_264] : memref<800x64xf32, #tpu.memory_space<vmem>> -> memref<8x64xf32, #tpu.memory_space<vmem>>
    %dma_wait3A_266 = arith.constant 0 : i32
    %dma_wait3A_267 = arith.constant 0 : i32
    %dma_wait3A_268 = tpu.memref_slice %arg2[%dma_wait3A_255, %dma_wait3A_266, %dma_wait3A_267] : memref<125000x8x64xf32, #tpu.memory_space<hbm>> -> memref<1x8x64xf32, #tpu.memory_space<hbm>>
    %dma_wait3A_269 = tpu.memref_squeeze %dma_wait3A_268 : memref<1x8x64xf32, #tpu.memory_space<hbm>> -> memref<8x64xf32, #tpu.memory_space<hbm>>
    tpu.wait_dma2 semaphore(%arg7 : memref<!tpu.dma_semaphore, #tpu.memory_space<semaphore_mem>>) src(%dma_wait3A_269 : memref<8x64xf32, #tpu.memory_space<hbm>>) dst(%dma_wait3A_265 : memref<8x64xf32, #tpu.memory_space<vmem>>)
    %dma_wait3A_270 = arith.constant 0 : i32
    %dma_wait3A_271 = arith.constant 0 : i32
    %dma_wait3A_272 = arith.constant 0 : i32
    %dma_wait3A_273 = tpu.memref_slice %arg6[%dma_wait3A_271, %dma_wait3A_272] : memref<800x64xf32, #tpu.memory_space<vmem>> -> memref<8x64xf32, #tpu.memory_space<vmem>>
    %dma_wait3A_274 = arith.constant 0 : i32
    %dma_wait3A_275 = arith.constant 0 : i32
    %dma_wait3A_276 = tpu.memref_slice %arg2[%dma_wait3A_270, %dma_wait3A_274, %dma_wait3A_275] : memref<125000x8x64xf32, #tpu.memory_space<hbm>> -> memref<1x8x64xf32, #tpu.memory_space<hbm>>
    %dma_wait3A_277 = tpu.memref_squeeze %dma_wait3A_276 : memref<1x8x64xf32, #tpu.memory_space<hbm>> -> memref<8x64xf32, #tpu.memory_space<hbm>>
    %dma_wait3A_278 = arith.constant 0 : i32
    %dma_wait3A_279 = arith.constant 0 : i32
    %dma_wait3A_280 = tpu.memref_slice %arg6[%dma_wait3A_278, %dma_wait3A_279] : memref<800x64xf32, #tpu.memory_space<vmem>> -> memref<8x64xf32, #tpu.memory_space<vmem>>
    %dma_wait3A_281 = arith.constant 0 : i32
    %dma_wait3A_282 = arith.constant 0 : i32
    %dma_wait3A_283 = tpu.memref_slice %arg2[%dma_wait3A_270, %dma_wait3A_281, %dma_wait3A_282] : memref<125000x8x64xf32, #tpu.memory_space<hbm>> -> memref<1x8x64xf32, #tpu.memory_space<hbm>>
    %dma_wait3A_284 = tpu.memref_squeeze %dma_wait3A_283 : memref<1x8x64xf32, #tpu.memory_space<hbm>> -> memref<8x64xf32, #tpu.memory_space<hbm>>
    tpu.wait_dma2 semaphore(%arg7 : memref<!tpu.dma_semaphore, #tpu.memory_space<semaphore_mem>>) src(%dma_wait3A_284 : memref<8x64xf32, #tpu.memory_space<hbm>>) dst(%dma_wait3A_280 : memref<8x64xf32, #tpu.memory_space<vmem>>)
    %dma_wait3A_285 = arith.constant 0 : i32
    %dma_wait3A_286 = arith.constant 0 : i32
    %dma_wait3A_287 = arith.constant 0 : i32
    %dma_wait3A_288 = tpu.memref_slice %arg6[%dma_wait3A_286, %dma_wait3A_287] : memref<800x64xf32, #tpu.memory_space<vmem>> -> memref<8x64xf32, #tpu.memory_space<vmem>>
    %dma_wait3A_289 = arith.constant 0 : i32
    %dma_wait3A_290 = arith.constant 0 : i32
    %dma_wait3A_291 = tpu.memref_slice %arg2[%dma_wait3A_285, %dma_wait3A_289, %dma_wait3A_290] : memref<125000x8x64xf32, #tpu.memory_space<hbm>> -> memref<1x8x64xf32, #tpu.memory_space<hbm>>
    %dma_wait3A_292 = tpu.memref_squeeze %dma_wait3A_291 : memref<1x8x64xf32, #tpu.memory_space<hbm>> -> memref<8x64xf32, #tpu.memory_space<hbm>>
    %dma_wait3A_293 = arith.constant 0 : i32
    %dma_wait3A_294 = arith.constant 0 : i32
    %dma_wait3A_295 = tpu.memref_slice %arg6[%dma_wait3A_293, %dma_wait3A_294] : memref<800x64xf32, #tpu.memory_space<vmem>> -> memref<8x64xf32, #tpu.memory_space<vmem>>
    %dma_wait3A_296 = arith.constant 0 : i32
    %dma_wait3A_297 = arith.constant 0 : i32
    %dma_wait3A_298 = tpu.memref_slice %arg2[%dma_wait3A_285, %dma_wait3A_296, %dma_wait3A_297] : memref<125000x8x64xf32, #tpu.memory_space<hbm>> -> memref<1x8x64xf32, #tpu.memory_space<hbm>>
    %dma_wait3A_299 = tpu.memref_squeeze %dma_wait3A_298 : memref<1x8x64xf32, #tpu.memory_space<hbm>> -> memref<8x64xf32, #tpu.memory_space<hbm>>
    tpu.wait_dma2 semaphore(%arg7 : memref<!tpu.dma_semaphore, #tpu.memory_space<semaphore_mem>>) src(%dma_wait3A_299 : memref<8x64xf32, #tpu.memory_space<hbm>>) dst(%dma_wait3A_295 : memref<8x64xf32, #tpu.memory_space<vmem>>)
    %dma_wait3A_300 = arith.constant 0 : i32
    %dma_wait3A_301 = arith.constant 0 : i32
    %dma_wait3A_302 = arith.constant 0 : i32
    %dma_wait3A_303 = tpu.memref_slice %arg6[%dma_wait3A_301, %dma_wait3A_302] : memref<800x64xf32, #tpu.memory_space<vmem>> -> memref<8x64xf32, #tpu.memory_space<vmem>>
    %dma_wait3A_304 = arith.constant 0 : i32
    %dma_wait3A_305 = arith.constant 0 : i32
    %dma_wait3A_306 = tpu.memref_slice %arg2[%dma_wait3A_300, %dma_wait3A_304, %dma_wait3A_305] : memref<125000x8x64xf32, #tpu.memory_space<hbm>> -> memref<1x8x64xf32, #tpu.memory_space<hbm>>
    %dma_wait3A_307 = tpu.memref_squeeze %dma_wait3A_306 : memref<1x8x64xf32, #tpu.memory_space<hbm>> -> memref<8x64xf32, #tpu.memory_space<hbm>>
    %dma_wait3A_308 = arith.constant 0 : i32
    %dma_wait3A_309 = arith.constant 0 : i32
    %dma_wait3A_310 = tpu.memref_slice %arg6[%dma_wait3A_308, %dma_wait3A_309] : memref<800x64xf32, #tpu.memory_space<vmem>> -> memref<8x64xf32, #tpu.memory_space<vmem>>
    %dma_wait3A_311 = arith.constant 0 : i32
    %dma_wait3A_312 = arith.constant 0 : i32
    %dma_wait3A_313 = tpu.memref_slice %arg2[%dma_wait3A_300, %dma_wait3A_311, %dma_wait3A_312] : memref<125000x8x64xf32, #tpu.memory_space<hbm>> -> memref<1x8x64xf32, #tpu.memory_space<hbm>>
    %dma_wait3A_314 = tpu.memref_squeeze %dma_wait3A_313 : memref<1x8x64xf32, #tpu.memory_space<hbm>> -> memref<8x64xf32, #tpu.memory_space<hbm>>
    tpu.wait_dma2 semaphore(%arg7 : memref<!tpu.dma_semaphore, #tpu.memory_space<semaphore_mem>>) src(%dma_wait3A_314 : memref<8x64xf32, #tpu.memory_space<hbm>>) dst(%dma_wait3A_310 : memref<8x64xf32, #tpu.memory_space<vmem>>)
    %dma_wait3A_315 = arith.constant 0 : i32
    %dma_wait3A_316 = arith.constant 0 : i32
    %dma_wait3A_317 = arith.constant 0 : i32
    %dma_wait3A_318 = tpu.memref_slice %arg6[%dma_wait3A_316, %dma_wait3A_317] : memref<800x64xf32, #tpu.memory_space<vmem>> -> memref<8x64xf32, #tpu.memory_space<vmem>>
    %dma_wait3A_319 = arith.constant 0 : i32
    %dma_wait3A_320 = arith.constant 0 : i32
    %dma_wait3A_321 = tpu.memref_slice %arg2[%dma_wait3A_315, %dma_wait3A_319, %dma_wait3A_320] : memref<125000x8x64xf32, #tpu.memory_space<hbm>> -> memref<1x8x64xf32, #tpu.memory_space<hbm>>
    %dma_wait3A_322 = tpu.memref_squeeze %dma_wait3A_321 : memref<1x8x64xf32, #tpu.memory_space<hbm>> -> memref<8x64xf32, #tpu.memory_space<hbm>>
    %dma_wait3A_323 = arith.constant 0 : i32
    %dma_wait3A_324 = arith.constant 0 : i32
    %dma_wait3A_325 = tpu.memref_slice %arg6[%dma_wait3A_323, %dma_wait3A_324] : memref<800x64xf32, #tpu.memory_space<vmem>> -> memref<8x64xf32, #tpu.memory_space<vmem>>
    %dma_wait3A_326 = arith.constant 0 : i32
    %dma_wait3A_327 = arith.constant 0 : i32
    %dma_wait3A_328 = tpu.memref_slice %arg2[%dma_wait3A_315, %dma_wait3A_326, %dma_wait3A_327] : memref<125000x8x64xf32, #tpu.memory_space<hbm>> -> memref<1x8x64xf32, #tpu.memory_space<hbm>>
    %dma_wait3A_329 = tpu.memref_squeeze %dma_wait3A_328 : memref<1x8x64xf32, #tpu.memory_space<hbm>> -> memref<8x64xf32, #tpu.memory_space<hbm>>
    tpu.wait_dma2 semaphore(%arg7 : memref<!tpu.dma_semaphore, #tpu.memory_space<semaphore_mem>>) src(%dma_wait3A_329 : memref<8x64xf32, #tpu.memory_space<hbm>>) dst(%dma_wait3A_325 : memref<8x64xf32, #tpu.memory_space<vmem>>)
    %dma_wait3A_330 = arith.constant 0 : i32
    %dma_wait3A_331 = arith.constant 0 : i32
    %dma_wait3A_332 = arith.constant 0 : i32
    %dma_wait3A_333 = tpu.memref_slice %arg6[%dma_wait3A_331, %dma_wait3A_332] : memref<800x64xf32, #tpu.memory_space<vmem>> -> memref<8x64xf32, #tpu.memory_space<vmem>>
    %dma_wait3A_334 = arith.constant 0 : i32
    %dma_wait3A_335 = arith.constant 0 : i32
    %dma_wait3A_336 = tpu.memref_slice %arg2[%dma_wait3A_330, %dma_wait3A_334, %dma_wait3A_335] : memref<125000x8x64xf32, #tpu.memory_space<hbm>> -> memref<1x8x64xf32, #tpu.memory_space<hbm>>
    %dma_wait3A_337 = tpu.memref_squeeze %dma_wait3A_336 : memref<1x8x64xf32, #tpu.memory_space<hbm>> -> memref<8x64xf32, #tpu.memory_space<hbm>>
    %dma_wait3A_338 = arith.constant 0 : i32
    %dma_wait3A_339 = arith.constant 0 : i32
    %dma_wait3A_340 = tpu.memref_slice %arg6[%dma_wait3A_338, %dma_wait3A_339] : memref<800x64xf32, #tpu.memory_space<vmem>> -> memref<8x64xf32, #tpu.memory_space<vmem>>
    %dma_wait3A_341 = arith.constant 0 : i32
    %dma_wait3A_342 = arith.constant 0 : i32
    %dma_wait3A_343 = tpu.memref_slice %arg2[%dma_wait3A_330, %dma_wait3A_341, %dma_wait3A_342] : memref<125000x8x64xf32, #tpu.memory_space<hbm>> -> memref<1x8x64xf32, #tpu.memory_space<hbm>>
    %dma_wait3A_344 = tpu.memref_squeeze %dma_wait3A_343 : memref<1x8x64xf32, #tpu.memory_space<hbm>> -> memref<8x64xf32, #tpu.memory_space<hbm>>
    tpu.wait_dma2 semaphore(%arg7 : memref<!tpu.dma_semaphore, #tpu.memory_space<semaphore_mem>>) src(%dma_wait3A_344 : memref<8x64xf32, #tpu.memory_space<hbm>>) dst(%dma_wait3A_340 : memref<8x64xf32, #tpu.memory_space<vmem>>)
    %dma_wait3A_345 = arith.constant 0 : i32
    %dma_wait3A_346 = arith.constant 0 : i32
    %dma_wait3A_347 = arith.constant 0 : i32
    %dma_wait3A_348 = tpu.memref_slice %arg6[%dma_wait3A_346, %dma_wait3A_347] : memref<800x64xf32, #tpu.memory_space<vmem>> -> memref<8x64xf32, #tpu.memory_space<vmem>>
    %dma_wait3A_349 = arith.constant 0 : i32
    %dma_wait3A_350 = arith.constant 0 : i32
    %dma_wait3A_351 = tpu.memref_slice %arg2[%dma_wait3A_345, %dma_wait3A_349, %dma_wait3A_350] : memref<125000x8x64xf32, #tpu.memory_space<hbm>> -> memref<1x8x64xf32, #tpu.memory_space<hbm>>
    %dma_wait3A_352 = tpu.memref_squeeze %dma_wait3A_351 : memref<1x8x64xf32, #tpu.memory_space<hbm>> -> memref<8x64xf32, #tpu.memory_space<hbm>>
    %dma_wait3A_353 = arith.constant 0 : i32
    %dma_wait3A_354 = arith.constant 0 : i32
    %dma_wait3A_355 = tpu.memref_slice %arg6[%dma_wait3A_353, %dma_wait3A_354] : memref<800x64xf32, #tpu.memory_space<vmem>> -> memref<8x64xf32, #tpu.memory_space<vmem>>
    %dma_wait3A_356 = arith.constant 0 : i32
    %dma_wait3A_357 = arith.constant 0 : i32
    %dma_wait3A_358 = tpu.memref_slice %arg2[%dma_wait3A_345, %dma_wait3A_356, %dma_wait3A_357] : memref<125000x8x64xf32, #tpu.memory_space<hbm>> -> memref<1x8x64xf32, #tpu.memory_space<hbm>>
    %dma_wait3A_359 = tpu.memref_squeeze %dma_wait3A_358 : memref<1x8x64xf32, #tpu.memory_space<hbm>> -> memref<8x64xf32, #tpu.memory_space<hbm>>
    tpu.wait_dma2 semaphore(%arg7 : memref<!tpu.dma_semaphore, #tpu.memory_space<semaphore_mem>>) src(%dma_wait3A_359 : memref<8x64xf32, #tpu.memory_space<hbm>>) dst(%dma_wait3A_355 : memref<8x64xf32, #tpu.memory_space<vmem>>)
    %dma_wait3A_360 = arith.constant 0 : i32
    %dma_wait3A_361 = arith.constant 0 : i32
    %dma_wait3A_362 = arith.constant 0 : i32
    %dma_wait3A_363 = tpu.memref_slice %arg6[%dma_wait3A_361, %dma_wait3A_362] : memref<800x64xf32, #tpu.memory_space<vmem>> -> memref<8x64xf32, #tpu.memory_space<vmem>>
    %dma_wait3A_364 = arith.constant 0 : i32
    %dma_wait3A_365 = arith.constant 0 : i32
    %dma_wait3A_366 = tpu.memref_slice %arg2[%dma_wait3A_360, %dma_wait3A_364, %dma_wait3A_365] : memref<125000x8x64xf32, #tpu.memory_space<hbm>> -> memref<1x8x64xf32, #tpu.memory_space<hbm>>
    %dma_wait3A_367 = tpu.memref_squeeze %dma_wait3A_366 : memref<1x8x64xf32, #tpu.memory_space<hbm>> -> memref<8x64xf32, #tpu.memory_space<hbm>>
    %dma_wait3A_368 = arith.constant 0 : i32
    %dma_wait3A_369 = arith.constant 0 : i32
    %dma_wait3A_370 = tpu.memref_slice %arg6[%dma_wait3A_368, %dma_wait3A_369] : memref<800x64xf32, #tpu.memory_space<vmem>> -> memref<8x64xf32, #tpu.memory_space<vmem>>
    %dma_wait3A_371 = arith.constant 0 : i32
    %dma_wait3A_372 = arith.constant 0 : i32
    %dma_wait3A_373 = tpu.memref_slice %arg2[%dma_wait3A_360, %dma_wait3A_371, %dma_wait3A_372] : memref<125000x8x64xf32, #tpu.memory_space<hbm>> -> memref<1x8x64xf32, #tpu.memory_space<hbm>>
    %dma_wait3A_374 = tpu.memref_squeeze %dma_wait3A_373 : memref<1x8x64xf32, #tpu.memory_space<hbm>> -> memref<8x64xf32, #tpu.memory_space<hbm>>
    tpu.wait_dma2 semaphore(%arg7 : memref<!tpu.dma_semaphore, #tpu.memory_space<semaphore_mem>>) src(%dma_wait3A_374 : memref<8x64xf32, #tpu.memory_space<hbm>>) dst(%dma_wait3A_370 : memref<8x64xf32, #tpu.memory_space<vmem>>)
    %dma_wait3A_375 = arith.constant 0 : i32
    %dma_wait3A_376 = arith.constant 0 : i32
    %dma_wait3A_377 = arith.constant 0 : i32
    %dma_wait3A_378 = tpu.memref_slice %arg6[%dma_wait3A_376, %dma_wait3A_377] : memref<800x64xf32, #tpu.memory_space<vmem>> -> memref<8x64xf32, #tpu.memory_space<vmem>>
    %dma_wait3A_379 = arith.constant 0 : i32
    %dma_wait3A_380 = arith.constant 0 : i32
    %dma_wait3A_381 = tpu.memref_slice %arg2[%dma_wait3A_375, %dma_wait3A_379, %dma_wait3A_380] : memref<125000x8x64xf32, #tpu.memory_space<hbm>> -> memref<1x8x64xf32, #tpu.memory_space<hbm>>
    %dma_wait3A_382 = tpu.memref_squeeze %dma_wait3A_381 : memref<1x8x64xf32, #tpu.memory_space<hbm>> -> memref<8x64xf32, #tpu.memory_space<hbm>>
    %dma_wait3A_383 = arith.constant 0 : i32
    %dma_wait3A_384 = arith.constant 0 : i32
    %dma_wait3A_385 = tpu.memref_slice %arg6[%dma_wait3A_383, %dma_wait3A_384] : memref<800x64xf32, #tpu.memory_space<vmem>> -> memref<8x64xf32, #tpu.memory_space<vmem>>
    %dma_wait3A_386 = arith.constant 0 : i32
    %dma_wait3A_387 = arith.constant 0 : i32
    %dma_wait3A_388 = tpu.memref_slice %arg2[%dma_wait3A_375, %dma_wait3A_386, %dma_wait3A_387] : memref<125000x8x64xf32, #tpu.memory_space<hbm>> -> memref<1x8x64xf32, #tpu.memory_space<hbm>>
    %dma_wait3A_389 = tpu.memref_squeeze %dma_wait3A_388 : memref<1x8x64xf32, #tpu.memory_space<hbm>> -> memref<8x64xf32, #tpu.memory_space<hbm>>
    tpu.wait_dma2 semaphore(%arg7 : memref<!tpu.dma_semaphore, #tpu.memory_space<semaphore_mem>>) src(%dma_wait3A_389 : memref<8x64xf32, #tpu.memory_space<hbm>>) dst(%dma_wait3A_385 : memref<8x64xf32, #tpu.memory_space<vmem>>)
    %dma_wait3A_390 = arith.constant 0 : i32
    %dma_wait3A_391 = arith.constant 0 : i32
    %dma_wait3A_392 = arith.constant 0 : i32
    %dma_wait3A_393 = tpu.memref_slice %arg6[%dma_wait3A_391, %dma_wait3A_392] : memref<800x64xf32, #tpu.memory_space<vmem>> -> memref<8x64xf32, #tpu.memory_space<vmem>>
    %dma_wait3A_394 = arith.constant 0 : i32
    %dma_wait3A_395 = arith.constant 0 : i32
    %dma_wait3A_396 = tpu.memref_slice %arg2[%dma_wait3A_390, %dma_wait3A_394, %dma_wait3A_395] : memref<125000x8x64xf32, #tpu.memory_space<hbm>> -> memref<1x8x64xf32, #tpu.memory_space<hbm>>
    %dma_wait3A_397 = tpu.memref_squeeze %dma_wait3A_396 : memref<1x8x64xf32, #tpu.memory_space<hbm>> -> memref<8x64xf32, #tpu.memory_space<hbm>>
    %dma_wait3A_398 = arith.constant 0 : i32
    %dma_wait3A_399 = arith.constant 0 : i32
    %dma_wait3A_400 = tpu.memref_slice %arg6[%dma_wait3A_398, %dma_wait3A_399] : memref<800x64xf32, #tpu.memory_space<vmem>> -> memref<8x64xf32, #tpu.memory_space<vmem>>
    %dma_wait3A_401 = arith.constant 0 : i32
    %dma_wait3A_402 = arith.constant 0 : i32
    %dma_wait3A_403 = tpu.memref_slice %arg2[%dma_wait3A_390, %dma_wait3A_401, %dma_wait3A_402] : memref<125000x8x64xf32, #tpu.memory_space<hbm>> -> memref<1x8x64xf32, #tpu.memory_space<hbm>>
    %dma_wait3A_404 = tpu.memref_squeeze %dma_wait3A_403 : memref<1x8x64xf32, #tpu.memory_space<hbm>> -> memref<8x64xf32, #tpu.memory_space<hbm>>
    tpu.wait_dma2 semaphore(%arg7 : memref<!tpu.dma_semaphore, #tpu.memory_space<semaphore_mem>>) src(%dma_wait3A_404 : memref<8x64xf32, #tpu.memory_space<hbm>>) dst(%dma_wait3A_400 : memref<8x64xf32, #tpu.memory_space<vmem>>)
    %dma_wait3A_405 = arith.constant 0 : i32
    %dma_wait3A_406 = arith.constant 0 : i32
    %dma_wait3A_407 = arith.constant 0 : i32
    %dma_wait3A_408 = tpu.memref_slice %arg6[%dma_wait3A_406, %dma_wait3A_407] : memref<800x64xf32, #tpu.memory_space<vmem>> -> memref<8x64xf32, #tpu.memory_space<vmem>>
    %dma_wait3A_409 = arith.constant 0 : i32
    %dma_wait3A_410 = arith.constant 0 : i32
    %dma_wait3A_411 = tpu.memref_slice %arg2[%dma_wait3A_405, %dma_wait3A_409, %dma_wait3A_410] : memref<125000x8x64xf32, #tpu.memory_space<hbm>> -> memref<1x8x64xf32, #tpu.memory_space<hbm>>
    %dma_wait3A_412 = tpu.memref_squeeze %dma_wait3A_411 : memref<1x8x64xf32, #tpu.memory_space<hbm>> -> memref<8x64xf32, #tpu.memory_space<hbm>>
    %dma_wait3A_413 = arith.constant 0 : i32
    %dma_wait3A_414 = arith.constant 0 : i32
    %dma_wait3A_415 = tpu.memref_slice %arg6[%dma_wait3A_413, %dma_wait3A_414] : memref<800x64xf32, #tpu.memory_space<vmem>> -> memref<8x64xf32, #tpu.memory_space<vmem>>
    %dma_wait3A_416 = arith.constant 0 : i32
    %dma_wait3A_417 = arith.constant 0 : i32
    %dma_wait3A_418 = tpu.memref_slice %arg2[%dma_wait3A_405, %dma_wait3A_416, %dma_wait3A_417] : memref<125000x8x64xf32, #tpu.memory_space<hbm>> -> memref<1x8x64xf32, #tpu.memory_space<hbm>>
    %dma_wait3A_419 = tpu.memref_squeeze %dma_wait3A_418 : memref<1x8x64xf32, #tpu.memory_space<hbm>> -> memref<8x64xf32, #tpu.memory_space<hbm>>
    tpu.wait_dma2 semaphore(%arg7 : memref<!tpu.dma_semaphore, #tpu.memory_space<semaphore_mem>>) src(%dma_wait3A_419 : memref<8x64xf32, #tpu.memory_space<hbm>>) dst(%dma_wait3A_415 : memref<8x64xf32, #tpu.memory_space<vmem>>)
    %dma_wait3A_420 = arith.constant 0 : i32
    %dma_wait3A_421 = arith.constant 0 : i32
    %dma_wait3A_422 = arith.constant 0 : i32
    %dma_wait3A_423 = tpu.memref_slice %arg6[%dma_wait3A_421, %dma_wait3A_422] : memref<800x64xf32, #tpu.memory_space<vmem>> -> memref<8x64xf32, #tpu.memory_space<vmem>>
    %dma_wait3A_424 = arith.constant 0 : i32
    %dma_wait3A_425 = arith.constant 0 : i32
    %dma_wait3A_426 = tpu.memref_slice %arg2[%dma_wait3A_420, %dma_wait3A_424, %dma_wait3A_425] : memref<125000x8x64xf32, #tpu.memory_space<hbm>> -> memref<1x8x64xf32, #tpu.memory_space<hbm>>
    %dma_wait3A_427 = tpu.memref_squeeze %dma_wait3A_426 : memref<1x8x64xf32, #tpu.memory_space<hbm>> -> memref<8x64xf32, #tpu.memory_space<hbm>>
    %dma_wait3A_428 = arith.constant 0 : i32
    %dma_wait3A_429 = arith.constant 0 : i32
    %dma_wait3A_430 = tpu.memref_slice %arg6[%dma_wait3A_428, %dma_wait3A_429] : memref<800x64xf32, #tpu.memory_space<vmem>> -> memref<8x64xf32, #tpu.memory_space<vmem>>
    %dma_wait3A_431 = arith.constant 0 : i32
    %dma_wait3A_432 = arith.constant 0 : i32
    %dma_wait3A_433 = tpu.memref_slice %arg2[%dma_wait3A_420, %dma_wait3A_431, %dma_wait3A_432] : memref<125000x8x64xf32, #tpu.memory_space<hbm>> -> memref<1x8x64xf32, #tpu.memory_space<hbm>>
    %dma_wait3A_434 = tpu.memref_squeeze %dma_wait3A_433 : memref<1x8x64xf32, #tpu.memory_space<hbm>> -> memref<8x64xf32, #tpu.memory_space<hbm>>
    tpu.wait_dma2 semaphore(%arg7 : memref<!tpu.dma_semaphore, #tpu.memory_space<semaphore_mem>>) src(%dma_wait3A_434 : memref<8x64xf32, #tpu.memory_space<hbm>>) dst(%dma_wait3A_430 : memref<8x64xf32, #tpu.memory_space<vmem>>)
    %dma_wait3A_435 = arith.constant 0 : i32
    %dma_wait3A_436 = arith.constant 0 : i32
    %dma_wait3A_437 = arith.constant 0 : i32
    %dma_wait3A_438 = tpu.memref_slice %arg6[%dma_wait3A_436, %dma_wait3A_437] : memref<800x64xf32, #tpu.memory_space<vmem>> -> memref<8x64xf32, #tpu.memory_space<vmem>>
    %dma_wait3A_439 = arith.constant 0 : i32
    %dma_wait3A_440 = arith.constant 0 : i32
    %dma_wait3A_441 = tpu.memref_slice %arg2[%dma_wait3A_435, %dma_wait3A_439, %dma_wait3A_440] : memref<125000x8x64xf32, #tpu.memory_space<hbm>> -> memref<1x8x64xf32, #tpu.memory_space<hbm>>
    %dma_wait3A_442 = tpu.memref_squeeze %dma_wait3A_441 : memref<1x8x64xf32, #tpu.memory_space<hbm>> -> memref<8x64xf32, #tpu.memory_space<hbm>>
    %dma_wait3A_443 = arith.constant 0 : i32
    %dma_wait3A_444 = arith.constant 0 : i32
    %dma_wait3A_445 = tpu.memref_slice %arg6[%dma_wait3A_443, %dma_wait3A_444] : memref<800x64xf32, #tpu.memory_space<vmem>> -> memref<8x64xf32, #tpu.memory_space<vmem>>
    %dma_wait3A_446 = arith.constant 0 : i32
    %dma_wait3A_447 = arith.constant 0 : i32
    %dma_wait3A_448 = tpu.memref_slice %arg2[%dma_wait3A_435, %dma_wait3A_446, %dma_wait3A_447] : memref<125000x8x64xf32, #tpu.memory_space<hbm>> -> memref<1x8x64xf32, #tpu.memory_space<hbm>>
    %dma_wait3A_449 = tpu.memref_squeeze %dma_wait3A_448 : memref<1x8x64xf32, #tpu.memory_space<hbm>> -> memref<8x64xf32, #tpu.memory_space<hbm>>
    tpu.wait_dma2 semaphore(%arg7 : memref<!tpu.dma_semaphore, #tpu.memory_space<semaphore_mem>>) src(%dma_wait3A_449 : memref<8x64xf32, #tpu.memory_space<hbm>>) dst(%dma_wait3A_445 : memref<8x64xf32, #tpu.memory_space<vmem>>)
    %dma_wait3A_450 = arith.constant 0 : i32
    %dma_wait3A_451 = arith.constant 0 : i32
    %dma_wait3A_452 = arith.constant 0 : i32
    %dma_wait3A_453 = tpu.memref_slice %arg6[%dma_wait3A_451, %dma_wait3A_452] : memref<800x64xf32, #tpu.memory_space<vmem>> -> memref<8x64xf32, #tpu.memory_space<vmem>>
    %dma_wait3A_454 = arith.constant 0 : i32
    %dma_wait3A_455 = arith.constant 0 : i32
    %dma_wait3A_456 = tpu.memref_slice %arg2[%dma_wait3A_450, %dma_wait3A_454, %dma_wait3A_455] : memref<125000x8x64xf32, #tpu.memory_space<hbm>> -> memref<1x8x64xf32, #tpu.memory_space<hbm>>
    %dma_wait3A_457 = tpu.memref_squeeze %dma_wait3A_456 : memref<1x8x64xf32, #tpu.memory_space<hbm>> -> memref<8x64xf32, #tpu.memory_space<hbm>>
    %dma_wait3A_458 = arith.constant 0 : i32
    %dma_wait3A_459 = arith.constant 0 : i32
    %dma_wait3A_460 = tpu.memref_slice %arg6[%dma_wait3A_458, %dma_wait3A_459] : memref<800x64xf32, #tpu.memory_space<vmem>> -> memref<8x64xf32, #tpu.memory_space<vmem>>
    %dma_wait3A_461 = arith.constant 0 : i32
    %dma_wait3A_462 = arith.constant 0 : i32
    %dma_wait3A_463 = tpu.memref_slice %arg2[%dma_wait3A_450, %dma_wait3A_461, %dma_wait3A_462] : memref<125000x8x64xf32, #tpu.memory_space<hbm>> -> memref<1x8x64xf32, #tpu.memory_space<hbm>>
    %dma_wait3A_464 = tpu.memref_squeeze %dma_wait3A_463 : memref<1x8x64xf32, #tpu.memory_space<hbm>> -> memref<8x64xf32, #tpu.memory_space<hbm>>
    tpu.wait_dma2 semaphore(%arg7 : memref<!tpu.dma_semaphore, #tpu.memory_space<semaphore_mem>>) src(%dma_wait3A_464 : memref<8x64xf32, #tpu.memory_space<hbm>>) dst(%dma_wait3A_460 : memref<8x64xf32, #tpu.memory_space<vmem>>)
    %dma_wait3A_465 = arith.constant 0 : i32
    %dma_wait3A_466 = arith.constant 0 : i32
    %dma_wait3A_467 = arith.constant 0 : i32
    %dma_wait3A_468 = tpu.memref_slice %arg6[%dma_wait3A_466, %dma_wait3A_467] : memref<800x64xf32, #tpu.memory_space<vmem>> -> memref<8x64xf32, #tpu.memory_space<vmem>>
    %dma_wait3A_469 = arith.constant 0 : i32
    %dma_wait3A_470 = arith.constant 0 : i32
    %dma_wait3A_471 = tpu.memref_slice %arg2[%dma_wait3A_465, %dma_wait3A_469, %dma_wait3A_470] : memref<125000x8x64xf32, #tpu.memory_space<hbm>> -> memref<1x8x64xf32, #tpu.memory_space<hbm>>
    %dma_wait3A_472 = tpu.memref_squeeze %dma_wait3A_471 : memref<1x8x64xf32, #tpu.memory_space<hbm>> -> memref<8x64xf32, #tpu.memory_space<hbm>>
    %dma_wait3A_473 = arith.constant 0 : i32
    %dma_wait3A_474 = arith.constant 0 : i32
    %dma_wait3A_475 = tpu.memref_slice %arg6[%dma_wait3A_473, %dma_wait3A_474] : memref<800x64xf32, #tpu.memory_space<vmem>> -> memref<8x64xf32, #tpu.memory_space<vmem>>
    %dma_wait3A_476 = arith.constant 0 : i32
    %dma_wait3A_477 = arith.constant 0 : i32
    %dma_wait3A_478 = tpu.memref_slice %arg2[%dma_wait3A_465, %dma_wait3A_476, %dma_wait3A_477] : memref<125000x8x64xf32, #tpu.memory_space<hbm>> -> memref<1x8x64xf32, #tpu.memory_space<hbm>>
    %dma_wait3A_479 = tpu.memref_squeeze %dma_wait3A_478 : memref<1x8x64xf32, #tpu.memory_space<hbm>> -> memref<8x64xf32, #tpu.memory_space<hbm>>
    tpu.wait_dma2 semaphore(%arg7 : memref<!tpu.dma_semaphore, #tpu.memory_space<semaphore_mem>>) src(%dma_wait3A_479 : memref<8x64xf32, #tpu.memory_space<hbm>>) dst(%dma_wait3A_475 : memref<8x64xf32, #tpu.memory_space<vmem>>)
    %dma_wait3A_480 = arith.constant 0 : i32
    %dma_wait3A_481 = arith.constant 0 : i32
    %dma_wait3A_482 = arith.constant 0 : i32
    %dma_wait3A_483 = tpu.memref_slice %arg6[%dma_wait3A_481, %dma_wait3A_482] : memref<800x64xf32, #tpu.memory_space<vmem>> -> memref<8x64xf32, #tpu.memory_space<vmem>>
    %dma_wait3A_484 = arith.constant 0 : i32
    %dma_wait3A_485 = arith.constant 0 : i32
    %dma_wait3A_486 = tpu.memref_slice %arg2[%dma_wait3A_480, %dma_wait3A_484, %dma_wait3A_485] : memref<125000x8x64xf32, #tpu.memory_space<hbm>> -> memref<1x8x64xf32, #tpu.memory_space<hbm>>
    %dma_wait3A_487 = tpu.memref_squeeze %dma_wait3A_486 : memref<1x8x64xf32, #tpu.memory_space<hbm>> -> memref<8x64xf32, #tpu.memory_space<hbm>>
    %dma_wait3A_488 = arith.constant 0 : i32
    %dma_wait3A_489 = arith.constant 0 : i32
    %dma_wait3A_490 = tpu.memref_slice %arg6[%dma_wait3A_488, %dma_wait3A_489] : memref<800x64xf32, #tpu.memory_space<vmem>> -> memref<8x64xf32, #tpu.memory_space<vmem>>
    %dma_wait3A_491 = arith.constant 0 : i32
    %dma_wait3A_492 = arith.constant 0 : i32
    %dma_wait3A_493 = tpu.memref_slice %arg2[%dma_wait3A_480, %dma_wait3A_491, %dma_wait3A_492] : memref<125000x8x64xf32, #tpu.memory_space<hbm>> -> memref<1x8x64xf32, #tpu.memory_space<hbm>>
    %dma_wait3A_494 = tpu.memref_squeeze %dma_wait3A_493 : memref<1x8x64xf32, #tpu.memory_space<hbm>> -> memref<8x64xf32, #tpu.memory_space<hbm>>
    tpu.wait_dma2 semaphore(%arg7 : memref<!tpu.dma_semaphore, #tpu.memory_space<semaphore_mem>>) src(%dma_wait3A_494 : memref<8x64xf32, #tpu.memory_space<hbm>>) dst(%dma_wait3A_490 : memref<8x64xf32, #tpu.memory_space<vmem>>)
    %add3A_495 = arith.constant 800 : i32
    %add3A_496 = arith.addi %mul3A_2, %add3A_495 : i32
    "tpu.region"() ({
      %run_scoped3A = tpu.sem_alloc : memref<!tpu.dma_semaphore, #tpu.memory_space<semaphore_mem>>
      %dma_start3A = arith.constant 0 : i32
      %dma_start3A_497 = tpu.memref_slice %arg4[%add3A_496, %dma_start3A] : memref<51200x64xf32, #tpu.memory_space<hbm>> -> memref<800x64xf32, #tpu.memory_space<hbm>>
      %dma_start3A_498 = arith.constant 0 : i32
      %dma_start3A_499 = tpu.memref_slice %arg4[%add3A_496, %dma_start3A_498] : memref<51200x64xf32, #tpu.memory_space<hbm>> -> memref<800x64xf32, #tpu.memory_space<hbm>>
      tpu.enqueue_dma source(%arg6 : memref<800x64xf32, #tpu.memory_space<vmem>>) target(%dma_start3A_499 : memref<800x64xf32, #tpu.memory_space<hbm>>) target_semaphore(%run_scoped3A : memref<!tpu.dma_semaphore, #tpu.memory_space<semaphore_mem>>)
      %dma_wait3A_500 = arith.constant 0 : i32
      %dma_wait3A_501 = tpu.memref_slice %arg4[%add3A_496, %dma_wait3A_500] : memref<51200x64xf32, #tpu.memory_space<hbm>> -> memref<800x64xf32, #tpu.memory_space<hbm>>
      %dma_wait3A_502 = arith.constant 0 : i32
      %dma_wait3A_503 = tpu.memref_slice %arg4[%add3A_496, %dma_wait3A_502] : memref<51200x64xf32, #tpu.memory_space<hbm>> -> memref<800x64xf32, #tpu.memory_space<hbm>>
      tpu.wait_dma2 semaphore(%run_scoped3A : memref<!tpu.dma_semaphore, #tpu.memory_space<semaphore_mem>>) src(%arg6 : memref<800x64xf32, #tpu.memory_space<vmem>>) dst(%dma_wait3A_503 : memref<800x64xf32, #tpu.memory_space<hbm>>)
      tpu.yield
    }) : () -> ()
    return
  }
}

module attributes {stable_mosaic.version = 14 : i64} {
  func.func @_gru_body(%arg0: i32, %arg1: memref<10x1024x64xf32, #tpu.memory_space<vmem>>, %arg2: memref<1024x128xf32, #tpu.memory_space<vmem>>, %arg3: memref<64x384xbf16, #tpu.memory_space<vmem>>, %arg4: memref<128x384xbf16, #tpu.memory_space<vmem>>, %arg5: memref<1x384xf32, #tpu.memory_space<vmem>>, %arg6: memref<1x384xf32, #tpu.memory_space<vmem>>, %arg7: memref<10x1024x128xf32, #tpu.memory_space<vmem>>, %arg8: memref<1024x128xf32, #tpu.memory_space<vmem>>) attributes {dimension_semantics = [#tpu.dimension_semantics<arbitrary>], iteration_bounds = array<i64: 5>, scalar_prefetch = 0 : i64, scratch_operands = 1 : i64, tpu.core_type = #tpu.core_type<tc>, window_params = [{transform_indices = @transform_0, window_bounds = array<i64: 10, 1024, 64>}, {pipeline_mode = #tpu.pipeline_mode<synchronous>, transform_indices = @transform_1, window_bounds = array<i64: 1024, 128>}, {pipeline_mode = #tpu.pipeline_mode<synchronous>, transform_indices = @transform_2, window_bounds = array<i64: 64, 384>}, {pipeline_mode = #tpu.pipeline_mode<synchronous>, transform_indices = @transform_3, window_bounds = array<i64: 128, 384>}, {pipeline_mode = #tpu.pipeline_mode<synchronous>, transform_indices = @transform_4, window_bounds = array<i64: 1, 384>}, {pipeline_mode = #tpu.pipeline_mode<synchronous>, transform_indices = @transform_5, window_bounds = array<i64: 1, 384>}, {transform_indices = @transform_6, window_bounds = array<i64: 10, 1024, 128>}]} {
    %eq3A = arith.constant 0 : i32
    %eq3A_0 = arith.cmpi eq, %arg0, %eq3A : i32
    %convert_element_type3A = arith.extui %eq3A_0 : i1 to i32
    %cond3A = arith.constant 0 : i32
    %cond3A_1 = arith.cmpi ne, %convert_element_type3A, %cond3A : i32
    scf.if %cond3A_1 {
      %get3A_511 = arith.constant 0 : index
      %get3A_512 = arith.constant 0 : index
      %get3A_513 = vector.load %arg2[%get3A_511, %get3A_512] : memref<1024x128xf32, #tpu.memory_space<vmem>>, vector<1024x128xf32>
      %swap3A_514 = arith.constant 0 : index
      %swap3A_515 = arith.constant 0 : index
      %swap3A_516 = vector.load %arg8[%swap3A_514, %swap3A_515] : memref<1024x128xf32, #tpu.memory_space<vmem>>, vector<1024x128xf32>
      tpu.vector_store %arg8[%swap3A_514, %swap3A_515], %get3A_513 {strides = array<i32>} : memref<1024x128xf32, #tpu.memory_space<vmem>>, vector<1024x128xf32>,
    } else {
    }
    %get3A = arith.constant 0 : index
    %get3A_2 = arith.constant 0 : index
    %get3A_3 = vector.load %arg8[%get3A, %get3A_2] : memref<1024x128xf32, #tpu.memory_space<vmem>>, vector<1024x128xf32>
    %get3A_4 = arith.constant 0 : index
    %get3A_5 = arith.constant 0 : index
    %get3A_6 = vector.load %arg3[%get3A_4, %get3A_5] : memref<64x384xbf16, #tpu.memory_space<vmem>>, vector<64x384xbf16>
    %get3A_7 = arith.constant 0 : index
    %get3A_8 = arith.constant 0 : index
    %get3A_9 = vector.load %arg4[%get3A_7, %get3A_8] : memref<128x384xbf16, #tpu.memory_space<vmem>>, vector<128x384xbf16>
    %get3A_10 = arith.constant 0 : index
    %get3A_11 = arith.constant 0 : index
    %get3A_12 = vector.load %arg5[%get3A_10, %get3A_11] : memref<1x384xf32, #tpu.memory_space<vmem>>, vector<1x384xf32>
    %get3A_13 = arith.constant 0 : index
    %get3A_14 = arith.constant 0 : index
    %get3A_15 = vector.load %arg6[%get3A_13, %get3A_14] : memref<1x384xf32, #tpu.memory_space<vmem>>, vector<1x384xf32>
    %get3A_16 = arith.constant 0 : index
    %get3A_17 = arith.constant 0 : index
    %get3A_18 = arith.constant 0 : index
    %get3A_19 = vector.load %arg1[%get3A_16, %get3A_17, %get3A_18] : memref<10x1024x64xf32, #tpu.memory_space<vmem>>, vector<1x1024x64xf32>
    %get3A_20 = vector.shape_cast %get3A_19 : vector<1x1024x64xf32> to vector<1024x64xf32>
    %convert_element_type3A_21 = arith.truncf %get3A_20 : vector<1024x64xf32> to vector<1024x64xbf16>
    %dot_general3A = arith.constant dense<0.000000e+00> : vector<1024x384xf32>
    %dot_general3A_22 = tpu.matmul %convert_element_type3A_21, %get3A_6, %dot_general3A {dimension_numbers = #tpu.dot_dimension_numbers<[1], [0], [0], [1], [0, 0, 1, 1], [], []>, transpose_lhs_hint = false} : vector<1024x64xbf16>, vector<64x384xbf16>, vector<1024x384xf32> -> vector<1024x384xf32>
    %add3A = vector.broadcast %get3A_12 : vector<1x384xf32> to vector<1024x384xf32>
    %add3A_23 = arith.addf %dot_general3A_22, %add3A : vector<1024x384xf32>
    %convert_element_type3A_24 = arith.truncf %get3A_3 : vector<1024x128xf32> to vector<1024x128xbf16>
    %dot_general3A_25 = arith.constant dense<0.000000e+00> : vector<1024x384xf32>
    %dot_general3A_26 = tpu.matmul %convert_element_type3A_24, %get3A_9, %dot_general3A_25 {dimension_numbers = #tpu.dot_dimension_numbers<[1], [0], [0], [1], [0, 0, 1, 1], [], []>, transpose_lhs_hint = false} : vector<1024x128xbf16>, vector<128x384xbf16>, vector<1024x384xf32> -> vector<1024x384xf32>
    %add3A_27 = vector.broadcast %get3A_15 : vector<1x384xf32> to vector<1024x384xf32>
    %add3A_28 = arith.addf %dot_general3A_26, %add3A_27 : vector<1024x384xf32>
    %slice3A = vector.extract_strided_slice %add3A_23 {offsets = [0, 0], sizes = [1024, 128], strides = [1, 1]} : vector<1024x384xf32> to vector<1024x128xf32>
    %slice3A_29 = vector.extract_strided_slice %add3A_23 {offsets = [0, 128], sizes = [1024, 128], strides = [1, 1]} : vector<1024x384xf32> to vector<1024x128xf32>
    %slice3A_30 = vector.extract_strided_slice %add3A_23 {offsets = [0, 256], sizes = [1024, 128], strides = [1, 1]} : vector<1024x384xf32> to vector<1024x128xf32>
    %slice3A_31 = vector.extract_strided_slice %add3A_28 {offsets = [0, 0], sizes = [1024, 128], strides = [1, 1]} : vector<1024x384xf32> to vector<1024x128xf32>
    %slice3A_32 = vector.extract_strided_slice %add3A_28 {offsets = [0, 128], sizes = [1024, 128], strides = [1, 1]} : vector<1024x384xf32> to vector<1024x128xf32>
    %slice3A_33 = vector.extract_strided_slice %add3A_28 {offsets = [0, 256], sizes = [1024, 128], strides = [1, 1]} : vector<1024x384xf32> to vector<1024x128xf32>
    %add3A_34 = arith.addf %slice3A, %slice3A_31 : vector<1024x128xf32>
    %logistic3A = arith.negf %add3A_34 : vector<1024x128xf32>
    %logistic3A_35 = math.exp %logistic3A : vector<1024x128xf32>
    %logistic3A_36 = arith.constant 1.000000e+00 : f32
    %logistic3A_37 = vector.broadcast %logistic3A_36 : f32 to vector<1024x128xf32>
    %logistic3A_38 = arith.addf %logistic3A_37, %logistic3A_35 : vector<1024x128xf32>
    %logistic3A_39 = arith.divf %logistic3A_37, %logistic3A_38 : vector<1024x128xf32>
    %add3A_40 = arith.addf %slice3A_29, %slice3A_32 : vector<1024x128xf32>
    %logistic3A_41 = arith.negf %add3A_40 : vector<1024x128xf32>
    %logistic3A_42 = math.exp %logistic3A_41 : vector<1024x128xf32>
    %logistic3A_43 = arith.constant 1.000000e+00 : f32
    %logistic3A_44 = vector.broadcast %logistic3A_43 : f32 to vector<1024x128xf32>
    %logistic3A_45 = arith.addf %logistic3A_44, %logistic3A_42 : vector<1024x128xf32>
    %logistic3A_46 = arith.divf %logistic3A_44, %logistic3A_45 : vector<1024x128xf32>
    %mul3A = arith.mulf %logistic3A_46, %slice3A_33 : vector<1024x128xf32>
    %add3A_47 = arith.addf %slice3A_30, %mul3A : vector<1024x128xf32>
    %tanh3A = math.tanh %add3A_47 : vector<1024x128xf32>
    %mul3A_48 = arith.mulf %logistic3A_39, %get3A_3 : vector<1024x128xf32>
    %sub3A = arith.constant 1.000000e+00 : f32
    %sub3A_49 = vector.broadcast %sub3A : f32 to vector<1024x128xf32>
    %sub3A_50 = arith.subf %sub3A_49, %logistic3A_39 : vector<1024x128xf32>
    %mul3A_51 = arith.mulf %sub3A_50, %tanh3A : vector<1024x128xf32>
    %add3A_52 = arith.addf %mul3A_48, %mul3A_51 : vector<1024x128xf32>
    %swap3A = arith.constant 0 : index
    %swap3A_53 = arith.constant 0 : index
    %swap3A_54 = arith.constant 0 : index
    %swap3A_55 = vector.load %arg7[%swap3A, %swap3A_53, %swap3A_54] : memref<10x1024x128xf32, #tpu.memory_space<vmem>>, vector<1x1024x128xf32>
    %swap3A_56 = vector.shape_cast %swap3A_55 : vector<1x1024x128xf32> to vector<1024x128xf32>
    %swap3A_57 = vector.shape_cast %add3A_52 : vector<1024x128xf32> to vector<1x1024x128xf32>
    tpu.vector_store %arg7[%swap3A, %swap3A_53, %swap3A_54], %swap3A_57 {strides = array<i32>} : memref<10x1024x128xf32, #tpu.memory_space<vmem>>, vector<1x1024x128xf32>,
    %get3A_58 = arith.constant 1 : index
    %get3A_59 = arith.constant 0 : index
    %get3A_60 = arith.constant 0 : index
    %get3A_61 = vector.load %arg1[%get3A_58, %get3A_59, %get3A_60] : memref<10x1024x64xf32, #tpu.memory_space<vmem>>, vector<1x1024x64xf32>
    %get3A_62 = vector.shape_cast %get3A_61 : vector<1x1024x64xf32> to vector<1024x64xf32>
    %convert_element_type3A_63 = arith.truncf %get3A_62 : vector<1024x64xf32> to vector<1024x64xbf16>
    %dot_general3A_64 = arith.constant dense<0.000000e+00> : vector<1024x384xf32>
    %dot_general3A_65 = tpu.matmul %convert_element_type3A_63, %get3A_6, %dot_general3A_64 {dimension_numbers = #tpu.dot_dimension_numbers<[1], [0], [0], [1], [0, 0, 1, 1], [], []>, transpose_lhs_hint = false} : vector<1024x64xbf16>, vector<64x384xbf16>, vector<1024x384xf32> -> vector<1024x384xf32>
    %add3A_66 = vector.broadcast %get3A_12 : vector<1x384xf32> to vector<1024x384xf32>
    %add3A_67 = arith.addf %dot_general3A_65, %add3A_66 : vector<1024x384xf32>
    %convert_element_type3A_68 = arith.truncf %add3A_52 : vector<1024x128xf32> to vector<1024x128xbf16>
    %dot_general3A_69 = arith.constant dense<0.000000e+00> : vector<1024x384xf32>
    %dot_general3A_70 = tpu.matmul %convert_element_type3A_68, %get3A_9, %dot_general3A_69 {dimension_numbers = #tpu.dot_dimension_numbers<[1], [0], [0], [1], [0, 0, 1, 1], [], []>, transpose_lhs_hint = false} : vector<1024x128xbf16>, vector<128x384xbf16>, vector<1024x384xf32> -> vector<1024x384xf32>
    %add3A_71 = vector.broadcast %get3A_15 : vector<1x384xf32> to vector<1024x384xf32>
    %add3A_72 = arith.addf %dot_general3A_70, %add3A_71 : vector<1024x384xf32>
    %slice3A_73 = vector.extract_strided_slice %add3A_67 {offsets = [0, 0], sizes = [1024, 128], strides = [1, 1]} : vector<1024x384xf32> to vector<1024x128xf32>
    %slice3A_74 = vector.extract_strided_slice %add3A_67 {offsets = [0, 128], sizes = [1024, 128], strides = [1, 1]} : vector<1024x384xf32> to vector<1024x128xf32>
    %slice3A_75 = vector.extract_strided_slice %add3A_67 {offsets = [0, 256], sizes = [1024, 128], strides = [1, 1]} : vector<1024x384xf32> to vector<1024x128xf32>
    %slice3A_76 = vector.extract_strided_slice %add3A_72 {offsets = [0, 0], sizes = [1024, 128], strides = [1, 1]} : vector<1024x384xf32> to vector<1024x128xf32>
    %slice3A_77 = vector.extract_strided_slice %add3A_72 {offsets = [0, 128], sizes = [1024, 128], strides = [1, 1]} : vector<1024x384xf32> to vector<1024x128xf32>
    %slice3A_78 = vector.extract_strided_slice %add3A_72 {offsets = [0, 256], sizes = [1024, 128], strides = [1, 1]} : vector<1024x384xf32> to vector<1024x128xf32>
    %add3A_79 = arith.addf %slice3A_73, %slice3A_76 : vector<1024x128xf32>
    %logistic3A_80 = arith.negf %add3A_79 : vector<1024x128xf32>
    %logistic3A_81 = math.exp %logistic3A_80 : vector<1024x128xf32>
    %logistic3A_82 = arith.constant 1.000000e+00 : f32
    %logistic3A_83 = vector.broadcast %logistic3A_82 : f32 to vector<1024x128xf32>
    %logistic3A_84 = arith.addf %logistic3A_83, %logistic3A_81 : vector<1024x128xf32>
    %logistic3A_85 = arith.divf %logistic3A_83, %logistic3A_84 : vector<1024x128xf32>
    %add3A_86 = arith.addf %slice3A_74, %slice3A_77 : vector<1024x128xf32>
    %logistic3A_87 = arith.negf %add3A_86 : vector<1024x128xf32>
    %logistic3A_88 = math.exp %logistic3A_87 : vector<1024x128xf32>
    %logistic3A_89 = arith.constant 1.000000e+00 : f32
    %logistic3A_90 = vector.broadcast %logistic3A_89 : f32 to vector<1024x128xf32>
    %logistic3A_91 = arith.addf %logistic3A_90, %logistic3A_88 : vector<1024x128xf32>
    %logistic3A_92 = arith.divf %logistic3A_90, %logistic3A_91 : vector<1024x128xf32>
    %mul3A_93 = arith.mulf %logistic3A_92, %slice3A_78 : vector<1024x128xf32>
    %add3A_94 = arith.addf %slice3A_75, %mul3A_93 : vector<1024x128xf32>
    %tanh3A_95 = math.tanh %add3A_94 : vector<1024x128xf32>
    %mul3A_96 = arith.mulf %logistic3A_85, %add3A_52 : vector<1024x128xf32>
    %sub3A_97 = arith.constant 1.000000e+00 : f32
    %sub3A_98 = vector.broadcast %sub3A_97 : f32 to vector<1024x128xf32>
    %sub3A_99 = arith.subf %sub3A_98, %logistic3A_85 : vector<1024x128xf32>
    %mul3A_100 = arith.mulf %sub3A_99, %tanh3A_95 : vector<1024x128xf32>
    %add3A_101 = arith.addf %mul3A_96, %mul3A_100 : vector<1024x128xf32>
    %swap3A_102 = arith.constant 1 : index
    %swap3A_103 = arith.constant 0 : index
    %swap3A_104 = arith.constant 0 : index
    %swap3A_105 = vector.load %arg7[%swap3A_102, %swap3A_103, %swap3A_104] : memref<10x1024x128xf32, #tpu.memory_space<vmem>>, vector<1x1024x128xf32>
    %swap3A_106 = vector.shape_cast %swap3A_105 : vector<1x1024x128xf32> to vector<1024x128xf32>
    %swap3A_107 = vector.shape_cast %add3A_101 : vector<1024x128xf32> to vector<1x1024x128xf32>
    tpu.vector_store %arg7[%swap3A_102, %swap3A_103, %swap3A_104], %swap3A_107 {strides = array<i32>} : memref<10x1024x128xf32, #tpu.memory_space<vmem>>, vector<1x1024x128xf32>,
    %get3A_108 = arith.constant 2 : index
    %get3A_109 = arith.constant 0 : index
    %get3A_110 = arith.constant 0 : index
    %get3A_111 = vector.load %arg1[%get3A_108, %get3A_109, %get3A_110] : memref<10x1024x64xf32, #tpu.memory_space<vmem>>, vector<1x1024x64xf32>
    %get3A_112 = vector.shape_cast %get3A_111 : vector<1x1024x64xf32> to vector<1024x64xf32>
    %convert_element_type3A_113 = arith.truncf %get3A_112 : vector<1024x64xf32> to vector<1024x64xbf16>
    %dot_general3A_114 = arith.constant dense<0.000000e+00> : vector<1024x384xf32>
    %dot_general3A_115 = tpu.matmul %convert_element_type3A_113, %get3A_6, %dot_general3A_114 {dimension_numbers = #tpu.dot_dimension_numbers<[1], [0], [0], [1], [0, 0, 1, 1], [], []>, transpose_lhs_hint = false} : vector<1024x64xbf16>, vector<64x384xbf16>, vector<1024x384xf32> -> vector<1024x384xf32>
    %add3A_116 = vector.broadcast %get3A_12 : vector<1x384xf32> to vector<1024x384xf32>
    %add3A_117 = arith.addf %dot_general3A_115, %add3A_116 : vector<1024x384xf32>
    %convert_element_type3A_118 = arith.truncf %add3A_101 : vector<1024x128xf32> to vector<1024x128xbf16>
    %dot_general3A_119 = arith.constant dense<0.000000e+00> : vector<1024x384xf32>
    %dot_general3A_120 = tpu.matmul %convert_element_type3A_118, %get3A_9, %dot_general3A_119 {dimension_numbers = #tpu.dot_dimension_numbers<[1], [0], [0], [1], [0, 0, 1, 1], [], []>, transpose_lhs_hint = false} : vector<1024x128xbf16>, vector<128x384xbf16>, vector<1024x384xf32> -> vector<1024x384xf32>
    %add3A_121 = vector.broadcast %get3A_15 : vector<1x384xf32> to vector<1024x384xf32>
    %add3A_122 = arith.addf %dot_general3A_120, %add3A_121 : vector<1024x384xf32>
    %slice3A_123 = vector.extract_strided_slice %add3A_117 {offsets = [0, 0], sizes = [1024, 128], strides = [1, 1]} : vector<1024x384xf32> to vector<1024x128xf32>
    %slice3A_124 = vector.extract_strided_slice %add3A_117 {offsets = [0, 128], sizes = [1024, 128], strides = [1, 1]} : vector<1024x384xf32> to vector<1024x128xf32>
    %slice3A_125 = vector.extract_strided_slice %add3A_117 {offsets = [0, 256], sizes = [1024, 128], strides = [1, 1]} : vector<1024x384xf32> to vector<1024x128xf32>
    %slice3A_126 = vector.extract_strided_slice %add3A_122 {offsets = [0, 0], sizes = [1024, 128], strides = [1, 1]} : vector<1024x384xf32> to vector<1024x128xf32>
    %slice3A_127 = vector.extract_strided_slice %add3A_122 {offsets = [0, 128], sizes = [1024, 128], strides = [1, 1]} : vector<1024x384xf32> to vector<1024x128xf32>
    %slice3A_128 = vector.extract_strided_slice %add3A_122 {offsets = [0, 256], sizes = [1024, 128], strides = [1, 1]} : vector<1024x384xf32> to vector<1024x128xf32>
    %add3A_129 = arith.addf %slice3A_123, %slice3A_126 : vector<1024x128xf32>
    %logistic3A_130 = arith.negf %add3A_129 : vector<1024x128xf32>
    %logistic3A_131 = math.exp %logistic3A_130 : vector<1024x128xf32>
    %logistic3A_132 = arith.constant 1.000000e+00 : f32
    %logistic3A_133 = vector.broadcast %logistic3A_132 : f32 to vector<1024x128xf32>
    %logistic3A_134 = arith.addf %logistic3A_133, %logistic3A_131 : vector<1024x128xf32>
    %logistic3A_135 = arith.divf %logistic3A_133, %logistic3A_134 : vector<1024x128xf32>
    %add3A_136 = arith.addf %slice3A_124, %slice3A_127 : vector<1024x128xf32>
    %logistic3A_137 = arith.negf %add3A_136 : vector<1024x128xf32>
    %logistic3A_138 = math.exp %logistic3A_137 : vector<1024x128xf32>
    %logistic3A_139 = arith.constant 1.000000e+00 : f32
    %logistic3A_140 = vector.broadcast %logistic3A_139 : f32 to vector<1024x128xf32>
    %logistic3A_141 = arith.addf %logistic3A_140, %logistic3A_138 : vector<1024x128xf32>
    %logistic3A_142 = arith.divf %logistic3A_140, %logistic3A_141 : vector<1024x128xf32>
    %mul3A_143 = arith.mulf %logistic3A_142, %slice3A_128 : vector<1024x128xf32>
    %add3A_144 = arith.addf %slice3A_125, %mul3A_143 : vector<1024x128xf32>
    %tanh3A_145 = math.tanh %add3A_144 : vector<1024x128xf32>
    %mul3A_146 = arith.mulf %logistic3A_135, %add3A_101 : vector<1024x128xf32>
    %sub3A_147 = arith.constant 1.000000e+00 : f32
    %sub3A_148 = vector.broadcast %sub3A_147 : f32 to vector<1024x128xf32>
    %sub3A_149 = arith.subf %sub3A_148, %logistic3A_135 : vector<1024x128xf32>
    %mul3A_150 = arith.mulf %sub3A_149, %tanh3A_145 : vector<1024x128xf32>
    %add3A_151 = arith.addf %mul3A_146, %mul3A_150 : vector<1024x128xf32>
    %swap3A_152 = arith.constant 2 : index
    %swap3A_153 = arith.constant 0 : index
    %swap3A_154 = arith.constant 0 : index
    %swap3A_155 = vector.load %arg7[%swap3A_152, %swap3A_153, %swap3A_154] : memref<10x1024x128xf32, #tpu.memory_space<vmem>>, vector<1x1024x128xf32>
    %swap3A_156 = vector.shape_cast %swap3A_155 : vector<1x1024x128xf32> to vector<1024x128xf32>
    %swap3A_157 = vector.shape_cast %add3A_151 : vector<1024x128xf32> to vector<1x1024x128xf32>
    tpu.vector_store %arg7[%swap3A_152, %swap3A_153, %swap3A_154], %swap3A_157 {strides = array<i32>} : memref<10x1024x128xf32, #tpu.memory_space<vmem>>, vector<1x1024x128xf32>,
    %get3A_158 = arith.constant 3 : index
    %get3A_159 = arith.constant 0 : index
    %get3A_160 = arith.constant 0 : index
    %get3A_161 = vector.load %arg1[%get3A_158, %get3A_159, %get3A_160] : memref<10x1024x64xf32, #tpu.memory_space<vmem>>, vector<1x1024x64xf32>
    %get3A_162 = vector.shape_cast %get3A_161 : vector<1x1024x64xf32> to vector<1024x64xf32>
    %convert_element_type3A_163 = arith.truncf %get3A_162 : vector<1024x64xf32> to vector<1024x64xbf16>
    %dot_general3A_164 = arith.constant dense<0.000000e+00> : vector<1024x384xf32>
    %dot_general3A_165 = tpu.matmul %convert_element_type3A_163, %get3A_6, %dot_general3A_164 {dimension_numbers = #tpu.dot_dimension_numbers<[1], [0], [0], [1], [0, 0, 1, 1], [], []>, transpose_lhs_hint = false} : vector<1024x64xbf16>, vector<64x384xbf16>, vector<1024x384xf32> -> vector<1024x384xf32>
    %add3A_166 = vector.broadcast %get3A_12 : vector<1x384xf32> to vector<1024x384xf32>
    %add3A_167 = arith.addf %dot_general3A_165, %add3A_166 : vector<1024x384xf32>
    %convert_element_type3A_168 = arith.truncf %add3A_151 : vector<1024x128xf32> to vector<1024x128xbf16>
    %dot_general3A_169 = arith.constant dense<0.000000e+00> : vector<1024x384xf32>
    %dot_general3A_170 = tpu.matmul %convert_element_type3A_168, %get3A_9, %dot_general3A_169 {dimension_numbers = #tpu.dot_dimension_numbers<[1], [0], [0], [1], [0, 0, 1, 1], [], []>, transpose_lhs_hint = false} : vector<1024x128xbf16>, vector<128x384xbf16>, vector<1024x384xf32> -> vector<1024x384xf32>
    %add3A_171 = vector.broadcast %get3A_15 : vector<1x384xf32> to vector<1024x384xf32>
    %add3A_172 = arith.addf %dot_general3A_170, %add3A_171 : vector<1024x384xf32>
    %slice3A_173 = vector.extract_strided_slice %add3A_167 {offsets = [0, 0], sizes = [1024, 128], strides = [1, 1]} : vector<1024x384xf32> to vector<1024x128xf32>
    %slice3A_174 = vector.extract_strided_slice %add3A_167 {offsets = [0, 128], sizes = [1024, 128], strides = [1, 1]} : vector<1024x384xf32> to vector<1024x128xf32>
    %slice3A_175 = vector.extract_strided_slice %add3A_167 {offsets = [0, 256], sizes = [1024, 128], strides = [1, 1]} : vector<1024x384xf32> to vector<1024x128xf32>
    %slice3A_176 = vector.extract_strided_slice %add3A_172 {offsets = [0, 0], sizes = [1024, 128], strides = [1, 1]} : vector<1024x384xf32> to vector<1024x128xf32>
    %slice3A_177 = vector.extract_strided_slice %add3A_172 {offsets = [0, 128], sizes = [1024, 128], strides = [1, 1]} : vector<1024x384xf32> to vector<1024x128xf32>
    %slice3A_178 = vector.extract_strided_slice %add3A_172 {offsets = [0, 256], sizes = [1024, 128], strides = [1, 1]} : vector<1024x384xf32> to vector<1024x128xf32>
    %add3A_179 = arith.addf %slice3A_173, %slice3A_176 : vector<1024x128xf32>
    %logistic3A_180 = arith.negf %add3A_179 : vector<1024x128xf32>
    %logistic3A_181 = math.exp %logistic3A_180 : vector<1024x128xf32>
    %logistic3A_182 = arith.constant 1.000000e+00 : f32
    %logistic3A_183 = vector.broadcast %logistic3A_182 : f32 to vector<1024x128xf32>
    %logistic3A_184 = arith.addf %logistic3A_183, %logistic3A_181 : vector<1024x128xf32>
    %logistic3A_185 = arith.divf %logistic3A_183, %logistic3A_184 : vector<1024x128xf32>
    %add3A_186 = arith.addf %slice3A_174, %slice3A_177 : vector<1024x128xf32>
    %logistic3A_187 = arith.negf %add3A_186 : vector<1024x128xf32>
    %logistic3A_188 = math.exp %logistic3A_187 : vector<1024x128xf32>
    %logistic3A_189 = arith.constant 1.000000e+00 : f32
    %logistic3A_190 = vector.broadcast %logistic3A_189 : f32 to vector<1024x128xf32>
    %logistic3A_191 = arith.addf %logistic3A_190, %logistic3A_188 : vector<1024x128xf32>
    %logistic3A_192 = arith.divf %logistic3A_190, %logistic3A_191 : vector<1024x128xf32>
    %mul3A_193 = arith.mulf %logistic3A_192, %slice3A_178 : vector<1024x128xf32>
    %add3A_194 = arith.addf %slice3A_175, %mul3A_193 : vector<1024x128xf32>
    %tanh3A_195 = math.tanh %add3A_194 : vector<1024x128xf32>
    %mul3A_196 = arith.mulf %logistic3A_185, %add3A_151 : vector<1024x128xf32>
    %sub3A_197 = arith.constant 1.000000e+00 : f32
    %sub3A_198 = vector.broadcast %sub3A_197 : f32 to vector<1024x128xf32>
    %sub3A_199 = arith.subf %sub3A_198, %logistic3A_185 : vector<1024x128xf32>
    %mul3A_200 = arith.mulf %sub3A_199, %tanh3A_195 : vector<1024x128xf32>
    %add3A_201 = arith.addf %mul3A_196, %mul3A_200 : vector<1024x128xf32>
    %swap3A_202 = arith.constant 3 : index
    %swap3A_203 = arith.constant 0 : index
    %swap3A_204 = arith.constant 0 : index
    %swap3A_205 = vector.load %arg7[%swap3A_202, %swap3A_203, %swap3A_204] : memref<10x1024x128xf32, #tpu.memory_space<vmem>>, vector<1x1024x128xf32>
    %swap3A_206 = vector.shape_cast %swap3A_205 : vector<1x1024x128xf32> to vector<1024x128xf32>
    %swap3A_207 = vector.shape_cast %add3A_201 : vector<1024x128xf32> to vector<1x1024x128xf32>
    tpu.vector_store %arg7[%swap3A_202, %swap3A_203, %swap3A_204], %swap3A_207 {strides = array<i32>} : memref<10x1024x128xf32, #tpu.memory_space<vmem>>, vector<1x1024x128xf32>,
    %get3A_208 = arith.constant 4 : index
    %get3A_209 = arith.constant 0 : index
    %get3A_210 = arith.constant 0 : index
    %get3A_211 = vector.load %arg1[%get3A_208, %get3A_209, %get3A_210] : memref<10x1024x64xf32, #tpu.memory_space<vmem>>, vector<1x1024x64xf32>
    %get3A_212 = vector.shape_cast %get3A_211 : vector<1x1024x64xf32> to vector<1024x64xf32>
    %convert_element_type3A_213 = arith.truncf %get3A_212 : vector<1024x64xf32> to vector<1024x64xbf16>
    %dot_general3A_214 = arith.constant dense<0.000000e+00> : vector<1024x384xf32>
    %dot_general3A_215 = tpu.matmul %convert_element_type3A_213, %get3A_6, %dot_general3A_214 {dimension_numbers = #tpu.dot_dimension_numbers<[1], [0], [0], [1], [0, 0, 1, 1], [], []>, transpose_lhs_hint = false} : vector<1024x64xbf16>, vector<64x384xbf16>, vector<1024x384xf32> -> vector<1024x384xf32>
    %add3A_216 = vector.broadcast %get3A_12 : vector<1x384xf32> to vector<1024x384xf32>
    %add3A_217 = arith.addf %dot_general3A_215, %add3A_216 : vector<1024x384xf32>
    %convert_element_type3A_218 = arith.truncf %add3A_201 : vector<1024x128xf32> to vector<1024x128xbf16>
    %dot_general3A_219 = arith.constant dense<0.000000e+00> : vector<1024x384xf32>
    %dot_general3A_220 = tpu.matmul %convert_element_type3A_218, %get3A_9, %dot_general3A_219 {dimension_numbers = #tpu.dot_dimension_numbers<[1], [0], [0], [1], [0, 0, 1, 1], [], []>, transpose_lhs_hint = false} : vector<1024x128xbf16>, vector<128x384xbf16>, vector<1024x384xf32> -> vector<1024x384xf32>
    %add3A_221 = vector.broadcast %get3A_15 : vector<1x384xf32> to vector<1024x384xf32>
    %add3A_222 = arith.addf %dot_general3A_220, %add3A_221 : vector<1024x384xf32>
    %slice3A_223 = vector.extract_strided_slice %add3A_217 {offsets = [0, 0], sizes = [1024, 128], strides = [1, 1]} : vector<1024x384xf32> to vector<1024x128xf32>
    %slice3A_224 = vector.extract_strided_slice %add3A_217 {offsets = [0, 128], sizes = [1024, 128], strides = [1, 1]} : vector<1024x384xf32> to vector<1024x128xf32>
    %slice3A_225 = vector.extract_strided_slice %add3A_217 {offsets = [0, 256], sizes = [1024, 128], strides = [1, 1]} : vector<1024x384xf32> to vector<1024x128xf32>
    %slice3A_226 = vector.extract_strided_slice %add3A_222 {offsets = [0, 0], sizes = [1024, 128], strides = [1, 1]} : vector<1024x384xf32> to vector<1024x128xf32>
    %slice3A_227 = vector.extract_strided_slice %add3A_222 {offsets = [0, 128], sizes = [1024, 128], strides = [1, 1]} : vector<1024x384xf32> to vector<1024x128xf32>
    %slice3A_228 = vector.extract_strided_slice %add3A_222 {offsets = [0, 256], sizes = [1024, 128], strides = [1, 1]} : vector<1024x384xf32> to vector<1024x128xf32>
    %add3A_229 = arith.addf %slice3A_223, %slice3A_226 : vector<1024x128xf32>
    %logistic3A_230 = arith.negf %add3A_229 : vector<1024x128xf32>
    %logistic3A_231 = math.exp %logistic3A_230 : vector<1024x128xf32>
    %logistic3A_232 = arith.constant 1.000000e+00 : f32
    %logistic3A_233 = vector.broadcast %logistic3A_232 : f32 to vector<1024x128xf32>
    %logistic3A_234 = arith.addf %logistic3A_233, %logistic3A_231 : vector<1024x128xf32>
    %logistic3A_235 = arith.divf %logistic3A_233, %logistic3A_234 : vector<1024x128xf32>
    %add3A_236 = arith.addf %slice3A_224, %slice3A_227 : vector<1024x128xf32>
    %logistic3A_237 = arith.negf %add3A_236 : vector<1024x128xf32>
    %logistic3A_238 = math.exp %logistic3A_237 : vector<1024x128xf32>
    %logistic3A_239 = arith.constant 1.000000e+00 : f32
    %logistic3A_240 = vector.broadcast %logistic3A_239 : f32 to vector<1024x128xf32>
    %logistic3A_241 = arith.addf %logistic3A_240, %logistic3A_238 : vector<1024x128xf32>
    %logistic3A_242 = arith.divf %logistic3A_240, %logistic3A_241 : vector<1024x128xf32>
    %mul3A_243 = arith.mulf %logistic3A_242, %slice3A_228 : vector<1024x128xf32>
    %add3A_244 = arith.addf %slice3A_225, %mul3A_243 : vector<1024x128xf32>
    %tanh3A_245 = math.tanh %add3A_244 : vector<1024x128xf32>
    %mul3A_246 = arith.mulf %logistic3A_235, %add3A_201 : vector<1024x128xf32>
    %sub3A_247 = arith.constant 1.000000e+00 : f32
    %sub3A_248 = vector.broadcast %sub3A_247 : f32 to vector<1024x128xf32>
    %sub3A_249 = arith.subf %sub3A_248, %logistic3A_235 : vector<1024x128xf32>
    %mul3A_250 = arith.mulf %sub3A_249, %tanh3A_245 : vector<1024x128xf32>
    %add3A_251 = arith.addf %mul3A_246, %mul3A_250 : vector<1024x128xf32>
    %swap3A_252 = arith.constant 4 : index
    %swap3A_253 = arith.constant 0 : index
    %swap3A_254 = arith.constant 0 : index
    %swap3A_255 = vector.load %arg7[%swap3A_252, %swap3A_253, %swap3A_254] : memref<10x1024x128xf32, #tpu.memory_space<vmem>>, vector<1x1024x128xf32>
    %swap3A_256 = vector.shape_cast %swap3A_255 : vector<1x1024x128xf32> to vector<1024x128xf32>
    %swap3A_257 = vector.shape_cast %add3A_251 : vector<1024x128xf32> to vector<1x1024x128xf32>
    tpu.vector_store %arg7[%swap3A_252, %swap3A_253, %swap3A_254], %swap3A_257 {strides = array<i32>} : memref<10x1024x128xf32, #tpu.memory_space<vmem>>, vector<1x1024x128xf32>,
    %get3A_258 = arith.constant 5 : index
    %get3A_259 = arith.constant 0 : index
    %get3A_260 = arith.constant 0 : index
    %get3A_261 = vector.load %arg1[%get3A_258, %get3A_259, %get3A_260] : memref<10x1024x64xf32, #tpu.memory_space<vmem>>, vector<1x1024x64xf32>
    %get3A_262 = vector.shape_cast %get3A_261 : vector<1x1024x64xf32> to vector<1024x64xf32>
    %convert_element_type3A_263 = arith.truncf %get3A_262 : vector<1024x64xf32> to vector<1024x64xbf16>
    %dot_general3A_264 = arith.constant dense<0.000000e+00> : vector<1024x384xf32>
    %dot_general3A_265 = tpu.matmul %convert_element_type3A_263, %get3A_6, %dot_general3A_264 {dimension_numbers = #tpu.dot_dimension_numbers<[1], [0], [0], [1], [0, 0, 1, 1], [], []>, transpose_lhs_hint = false} : vector<1024x64xbf16>, vector<64x384xbf16>, vector<1024x384xf32> -> vector<1024x384xf32>
    %add3A_266 = vector.broadcast %get3A_12 : vector<1x384xf32> to vector<1024x384xf32>
    %add3A_267 = arith.addf %dot_general3A_265, %add3A_266 : vector<1024x384xf32>
    %convert_element_type3A_268 = arith.truncf %add3A_251 : vector<1024x128xf32> to vector<1024x128xbf16>
    %dot_general3A_269 = arith.constant dense<0.000000e+00> : vector<1024x384xf32>
    %dot_general3A_270 = tpu.matmul %convert_element_type3A_268, %get3A_9, %dot_general3A_269 {dimension_numbers = #tpu.dot_dimension_numbers<[1], [0], [0], [1], [0, 0, 1, 1], [], []>, transpose_lhs_hint = false} : vector<1024x128xbf16>, vector<128x384xbf16>, vector<1024x384xf32> -> vector<1024x384xf32>
    %add3A_271 = vector.broadcast %get3A_15 : vector<1x384xf32> to vector<1024x384xf32>
    %add3A_272 = arith.addf %dot_general3A_270, %add3A_271 : vector<1024x384xf32>
    %slice3A_273 = vector.extract_strided_slice %add3A_267 {offsets = [0, 0], sizes = [1024, 128], strides = [1, 1]} : vector<1024x384xf32> to vector<1024x128xf32>
    %slice3A_274 = vector.extract_strided_slice %add3A_267 {offsets = [0, 128], sizes = [1024, 128], strides = [1, 1]} : vector<1024x384xf32> to vector<1024x128xf32>
    %slice3A_275 = vector.extract_strided_slice %add3A_267 {offsets = [0, 256], sizes = [1024, 128], strides = [1, 1]} : vector<1024x384xf32> to vector<1024x128xf32>
    %slice3A_276 = vector.extract_strided_slice %add3A_272 {offsets = [0, 0], sizes = [1024, 128], strides = [1, 1]} : vector<1024x384xf32> to vector<1024x128xf32>
    %slice3A_277 = vector.extract_strided_slice %add3A_272 {offsets = [0, 128], sizes = [1024, 128], strides = [1, 1]} : vector<1024x384xf32> to vector<1024x128xf32>
    %slice3A_278 = vector.extract_strided_slice %add3A_272 {offsets = [0, 256], sizes = [1024, 128], strides = [1, 1]} : vector<1024x384xf32> to vector<1024x128xf32>
    %add3A_279 = arith.addf %slice3A_273, %slice3A_276 : vector<1024x128xf32>
    %logistic3A_280 = arith.negf %add3A_279 : vector<1024x128xf32>
    %logistic3A_281 = math.exp %logistic3A_280 : vector<1024x128xf32>
    %logistic3A_282 = arith.constant 1.000000e+00 : f32
    %logistic3A_283 = vector.broadcast %logistic3A_282 : f32 to vector<1024x128xf32>
    %logistic3A_284 = arith.addf %logistic3A_283, %logistic3A_281 : vector<1024x128xf32>
    %logistic3A_285 = arith.divf %logistic3A_283, %logistic3A_284 : vector<1024x128xf32>
    %add3A_286 = arith.addf %slice3A_274, %slice3A_277 : vector<1024x128xf32>
    %logistic3A_287 = arith.negf %add3A_286 : vector<1024x128xf32>
    %logistic3A_288 = math.exp %logistic3A_287 : vector<1024x128xf32>
    %logistic3A_289 = arith.constant 1.000000e+00 : f32
    %logistic3A_290 = vector.broadcast %logistic3A_289 : f32 to vector<1024x128xf32>
    %logistic3A_291 = arith.addf %logistic3A_290, %logistic3A_288 : vector<1024x128xf32>
    %logistic3A_292 = arith.divf %logistic3A_290, %logistic3A_291 : vector<1024x128xf32>
    %mul3A_293 = arith.mulf %logistic3A_292, %slice3A_278 : vector<1024x128xf32>
    %add3A_294 = arith.addf %slice3A_275, %mul3A_293 : vector<1024x128xf32>
    %tanh3A_295 = math.tanh %add3A_294 : vector<1024x128xf32>
    %mul3A_296 = arith.mulf %logistic3A_285, %add3A_251 : vector<1024x128xf32>
    %sub3A_297 = arith.constant 1.000000e+00 : f32
    %sub3A_298 = vector.broadcast %sub3A_297 : f32 to vector<1024x128xf32>
    %sub3A_299 = arith.subf %sub3A_298, %logistic3A_285 : vector<1024x128xf32>
    %mul3A_300 = arith.mulf %sub3A_299, %tanh3A_295 : vector<1024x128xf32>
    %add3A_301 = arith.addf %mul3A_296, %mul3A_300 : vector<1024x128xf32>
    %swap3A_302 = arith.constant 5 : index
    %swap3A_303 = arith.constant 0 : index
    %swap3A_304 = arith.constant 0 : index
    %swap3A_305 = vector.load %arg7[%swap3A_302, %swap3A_303, %swap3A_304] : memref<10x1024x128xf32, #tpu.memory_space<vmem>>, vector<1x1024x128xf32>
    %swap3A_306 = vector.shape_cast %swap3A_305 : vector<1x1024x128xf32> to vector<1024x128xf32>
    %swap3A_307 = vector.shape_cast %add3A_301 : vector<1024x128xf32> to vector<1x1024x128xf32>
    tpu.vector_store %arg7[%swap3A_302, %swap3A_303, %swap3A_304], %swap3A_307 {strides = array<i32>} : memref<10x1024x128xf32, #tpu.memory_space<vmem>>, vector<1x1024x128xf32>,
    %get3A_308 = arith.constant 6 : index
    %get3A_309 = arith.constant 0 : index
    %get3A_310 = arith.constant 0 : index
    %get3A_311 = vector.load %arg1[%get3A_308, %get3A_309, %get3A_310] : memref<10x1024x64xf32, #tpu.memory_space<vmem>>, vector<1x1024x64xf32>
    %get3A_312 = vector.shape_cast %get3A_311 : vector<1x1024x64xf32> to vector<1024x64xf32>
    %convert_element_type3A_313 = arith.truncf %get3A_312 : vector<1024x64xf32> to vector<1024x64xbf16>
    %dot_general3A_314 = arith.constant dense<0.000000e+00> : vector<1024x384xf32>
    %dot_general3A_315 = tpu.matmul %convert_element_type3A_313, %get3A_6, %dot_general3A_314 {dimension_numbers = #tpu.dot_dimension_numbers<[1], [0], [0], [1], [0, 0, 1, 1], [], []>, transpose_lhs_hint = false} : vector<1024x64xbf16>, vector<64x384xbf16>, vector<1024x384xf32> -> vector<1024x384xf32>
    %add3A_316 = vector.broadcast %get3A_12 : vector<1x384xf32> to vector<1024x384xf32>
    %add3A_317 = arith.addf %dot_general3A_315, %add3A_316 : vector<1024x384xf32>
    %convert_element_type3A_318 = arith.truncf %add3A_301 : vector<1024x128xf32> to vector<1024x128xbf16>
    %dot_general3A_319 = arith.constant dense<0.000000e+00> : vector<1024x384xf32>
    %dot_general3A_320 = tpu.matmul %convert_element_type3A_318, %get3A_9, %dot_general3A_319 {dimension_numbers = #tpu.dot_dimension_numbers<[1], [0], [0], [1], [0, 0, 1, 1], [], []>, transpose_lhs_hint = false} : vector<1024x128xbf16>, vector<128x384xbf16>, vector<1024x384xf32> -> vector<1024x384xf32>
    %add3A_321 = vector.broadcast %get3A_15 : vector<1x384xf32> to vector<1024x384xf32>
    %add3A_322 = arith.addf %dot_general3A_320, %add3A_321 : vector<1024x384xf32>
    %slice3A_323 = vector.extract_strided_slice %add3A_317 {offsets = [0, 0], sizes = [1024, 128], strides = [1, 1]} : vector<1024x384xf32> to vector<1024x128xf32>
    %slice3A_324 = vector.extract_strided_slice %add3A_317 {offsets = [0, 128], sizes = [1024, 128], strides = [1, 1]} : vector<1024x384xf32> to vector<1024x128xf32>
    %slice3A_325 = vector.extract_strided_slice %add3A_317 {offsets = [0, 256], sizes = [1024, 128], strides = [1, 1]} : vector<1024x384xf32> to vector<1024x128xf32>
    %slice3A_326 = vector.extract_strided_slice %add3A_322 {offsets = [0, 0], sizes = [1024, 128], strides = [1, 1]} : vector<1024x384xf32> to vector<1024x128xf32>
    %slice3A_327 = vector.extract_strided_slice %add3A_322 {offsets = [0, 128], sizes = [1024, 128], strides = [1, 1]} : vector<1024x384xf32> to vector<1024x128xf32>
    %slice3A_328 = vector.extract_strided_slice %add3A_322 {offsets = [0, 256], sizes = [1024, 128], strides = [1, 1]} : vector<1024x384xf32> to vector<1024x128xf32>
    %add3A_329 = arith.addf %slice3A_323, %slice3A_326 : vector<1024x128xf32>
    %logistic3A_330 = arith.negf %add3A_329 : vector<1024x128xf32>
    %logistic3A_331 = math.exp %logistic3A_330 : vector<1024x128xf32>
    %logistic3A_332 = arith.constant 1.000000e+00 : f32
    %logistic3A_333 = vector.broadcast %logistic3A_332 : f32 to vector<1024x128xf32>
    %logistic3A_334 = arith.addf %logistic3A_333, %logistic3A_331 : vector<1024x128xf32>
    %logistic3A_335 = arith.divf %logistic3A_333, %logistic3A_334 : vector<1024x128xf32>
    %add3A_336 = arith.addf %slice3A_324, %slice3A_327 : vector<1024x128xf32>
    %logistic3A_337 = arith.negf %add3A_336 : vector<1024x128xf32>
    %logistic3A_338 = math.exp %logistic3A_337 : vector<1024x128xf32>
    %logistic3A_339 = arith.constant 1.000000e+00 : f32
    %logistic3A_340 = vector.broadcast %logistic3A_339 : f32 to vector<1024x128xf32>
    %logistic3A_341 = arith.addf %logistic3A_340, %logistic3A_338 : vector<1024x128xf32>
    %logistic3A_342 = arith.divf %logistic3A_340, %logistic3A_341 : vector<1024x128xf32>
    %mul3A_343 = arith.mulf %logistic3A_342, %slice3A_328 : vector<1024x128xf32>
    %add3A_344 = arith.addf %slice3A_325, %mul3A_343 : vector<1024x128xf32>
    %tanh3A_345 = math.tanh %add3A_344 : vector<1024x128xf32>
    %mul3A_346 = arith.mulf %logistic3A_335, %add3A_301 : vector<1024x128xf32>
    %sub3A_347 = arith.constant 1.000000e+00 : f32
    %sub3A_348 = vector.broadcast %sub3A_347 : f32 to vector<1024x128xf32>
    %sub3A_349 = arith.subf %sub3A_348, %logistic3A_335 : vector<1024x128xf32>
    %mul3A_350 = arith.mulf %sub3A_349, %tanh3A_345 : vector<1024x128xf32>
    %add3A_351 = arith.addf %mul3A_346, %mul3A_350 : vector<1024x128xf32>
    %swap3A_352 = arith.constant 6 : index
    %swap3A_353 = arith.constant 0 : index
    %swap3A_354 = arith.constant 0 : index
    %swap3A_355 = vector.load %arg7[%swap3A_352, %swap3A_353, %swap3A_354] : memref<10x1024x128xf32, #tpu.memory_space<vmem>>, vector<1x1024x128xf32>
    %swap3A_356 = vector.shape_cast %swap3A_355 : vector<1x1024x128xf32> to vector<1024x128xf32>
    %swap3A_357 = vector.shape_cast %add3A_351 : vector<1024x128xf32> to vector<1x1024x128xf32>
    tpu.vector_store %arg7[%swap3A_352, %swap3A_353, %swap3A_354], %swap3A_357 {strides = array<i32>} : memref<10x1024x128xf32, #tpu.memory_space<vmem>>, vector<1x1024x128xf32>,
    %get3A_358 = arith.constant 7 : index
    %get3A_359 = arith.constant 0 : index
    %get3A_360 = arith.constant 0 : index
    %get3A_361 = vector.load %arg1[%get3A_358, %get3A_359, %get3A_360] : memref<10x1024x64xf32, #tpu.memory_space<vmem>>, vector<1x1024x64xf32>
    %get3A_362 = vector.shape_cast %get3A_361 : vector<1x1024x64xf32> to vector<1024x64xf32>
    %convert_element_type3A_363 = arith.truncf %get3A_362 : vector<1024x64xf32> to vector<1024x64xbf16>
    %dot_general3A_364 = arith.constant dense<0.000000e+00> : vector<1024x384xf32>
    %dot_general3A_365 = tpu.matmul %convert_element_type3A_363, %get3A_6, %dot_general3A_364 {dimension_numbers = #tpu.dot_dimension_numbers<[1], [0], [0], [1], [0, 0, 1, 1], [], []>, transpose_lhs_hint = false} : vector<1024x64xbf16>, vector<64x384xbf16>, vector<1024x384xf32> -> vector<1024x384xf32>
    %add3A_366 = vector.broadcast %get3A_12 : vector<1x384xf32> to vector<1024x384xf32>
    %add3A_367 = arith.addf %dot_general3A_365, %add3A_366 : vector<1024x384xf32>
    %convert_element_type3A_368 = arith.truncf %add3A_351 : vector<1024x128xf32> to vector<1024x128xbf16>
    %dot_general3A_369 = arith.constant dense<0.000000e+00> : vector<1024x384xf32>
    %dot_general3A_370 = tpu.matmul %convert_element_type3A_368, %get3A_9, %dot_general3A_369 {dimension_numbers = #tpu.dot_dimension_numbers<[1], [0], [0], [1], [0, 0, 1, 1], [], []>, transpose_lhs_hint = false} : vector<1024x128xbf16>, vector<128x384xbf16>, vector<1024x384xf32> -> vector<1024x384xf32>
    %add3A_371 = vector.broadcast %get3A_15 : vector<1x384xf32> to vector<1024x384xf32>
    %add3A_372 = arith.addf %dot_general3A_370, %add3A_371 : vector<1024x384xf32>
    %slice3A_373 = vector.extract_strided_slice %add3A_367 {offsets = [0, 0], sizes = [1024, 128], strides = [1, 1]} : vector<1024x384xf32> to vector<1024x128xf32>
    %slice3A_374 = vector.extract_strided_slice %add3A_367 {offsets = [0, 128], sizes = [1024, 128], strides = [1, 1]} : vector<1024x384xf32> to vector<1024x128xf32>
    %slice3A_375 = vector.extract_strided_slice %add3A_367 {offsets = [0, 256], sizes = [1024, 128], strides = [1, 1]} : vector<1024x384xf32> to vector<1024x128xf32>
    %slice3A_376 = vector.extract_strided_slice %add3A_372 {offsets = [0, 0], sizes = [1024, 128], strides = [1, 1]} : vector<1024x384xf32> to vector<1024x128xf32>
    %slice3A_377 = vector.extract_strided_slice %add3A_372 {offsets = [0, 128], sizes = [1024, 128], strides = [1, 1]} : vector<1024x384xf32> to vector<1024x128xf32>
    %slice3A_378 = vector.extract_strided_slice %add3A_372 {offsets = [0, 256], sizes = [1024, 128], strides = [1, 1]} : vector<1024x384xf32> to vector<1024x128xf32>
    %add3A_379 = arith.addf %slice3A_373, %slice3A_376 : vector<1024x128xf32>
    %logistic3A_380 = arith.negf %add3A_379 : vector<1024x128xf32>
    %logistic3A_381 = math.exp %logistic3A_380 : vector<1024x128xf32>
    %logistic3A_382 = arith.constant 1.000000e+00 : f32
    %logistic3A_383 = vector.broadcast %logistic3A_382 : f32 to vector<1024x128xf32>
    %logistic3A_384 = arith.addf %logistic3A_383, %logistic3A_381 : vector<1024x128xf32>
    %logistic3A_385 = arith.divf %logistic3A_383, %logistic3A_384 : vector<1024x128xf32>
    %add3A_386 = arith.addf %slice3A_374, %slice3A_377 : vector<1024x128xf32>
    %logistic3A_387 = arith.negf %add3A_386 : vector<1024x128xf32>
    %logistic3A_388 = math.exp %logistic3A_387 : vector<1024x128xf32>
    %logistic3A_389 = arith.constant 1.000000e+00 : f32
    %logistic3A_390 = vector.broadcast %logistic3A_389 : f32 to vector<1024x128xf32>
    %logistic3A_391 = arith.addf %logistic3A_390, %logistic3A_388 : vector<1024x128xf32>
    %logistic3A_392 = arith.divf %logistic3A_390, %logistic3A_391 : vector<1024x128xf32>
    %mul3A_393 = arith.mulf %logistic3A_392, %slice3A_378 : vector<1024x128xf32>
    %add3A_394 = arith.addf %slice3A_375, %mul3A_393 : vector<1024x128xf32>
    %tanh3A_395 = math.tanh %add3A_394 : vector<1024x128xf32>
    %mul3A_396 = arith.mulf %logistic3A_385, %add3A_351 : vector<1024x128xf32>
    %sub3A_397 = arith.constant 1.000000e+00 : f32
    %sub3A_398 = vector.broadcast %sub3A_397 : f32 to vector<1024x128xf32>
    %sub3A_399 = arith.subf %sub3A_398, %logistic3A_385 : vector<1024x128xf32>
    %mul3A_400 = arith.mulf %sub3A_399, %tanh3A_395 : vector<1024x128xf32>
    %add3A_401 = arith.addf %mul3A_396, %mul3A_400 : vector<1024x128xf32>
    %swap3A_402 = arith.constant 7 : index
    %swap3A_403 = arith.constant 0 : index
    %swap3A_404 = arith.constant 0 : index
    %swap3A_405 = vector.load %arg7[%swap3A_402, %swap3A_403, %swap3A_404] : memref<10x1024x128xf32, #tpu.memory_space<vmem>>, vector<1x1024x128xf32>
    %swap3A_406 = vector.shape_cast %swap3A_405 : vector<1x1024x128xf32> to vector<1024x128xf32>
    %swap3A_407 = vector.shape_cast %add3A_401 : vector<1024x128xf32> to vector<1x1024x128xf32>
    tpu.vector_store %arg7[%swap3A_402, %swap3A_403, %swap3A_404], %swap3A_407 {strides = array<i32>} : memref<10x1024x128xf32, #tpu.memory_space<vmem>>, vector<1x1024x128xf32>,
    %get3A_408 = arith.constant 8 : index
    %get3A_409 = arith.constant 0 : index
    %get3A_410 = arith.constant 0 : index
    %get3A_411 = vector.load %arg1[%get3A_408, %get3A_409, %get3A_410] : memref<10x1024x64xf32, #tpu.memory_space<vmem>>, vector<1x1024x64xf32>
    %get3A_412 = vector.shape_cast %get3A_411 : vector<1x1024x64xf32> to vector<1024x64xf32>
    %convert_element_type3A_413 = arith.truncf %get3A_412 : vector<1024x64xf32> to vector<1024x64xbf16>
    %dot_general3A_414 = arith.constant dense<0.000000e+00> : vector<1024x384xf32>
    %dot_general3A_415 = tpu.matmul %convert_element_type3A_413, %get3A_6, %dot_general3A_414 {dimension_numbers = #tpu.dot_dimension_numbers<[1], [0], [0], [1], [0, 0, 1, 1], [], []>, transpose_lhs_hint = false} : vector<1024x64xbf16>, vector<64x384xbf16>, vector<1024x384xf32> -> vector<1024x384xf32>
    %add3A_416 = vector.broadcast %get3A_12 : vector<1x384xf32> to vector<1024x384xf32>
    %add3A_417 = arith.addf %dot_general3A_415, %add3A_416 : vector<1024x384xf32>
    %convert_element_type3A_418 = arith.truncf %add3A_401 : vector<1024x128xf32> to vector<1024x128xbf16>
    %dot_general3A_419 = arith.constant dense<0.000000e+00> : vector<1024x384xf32>
    %dot_general3A_420 = tpu.matmul %convert_element_type3A_418, %get3A_9, %dot_general3A_419 {dimension_numbers = #tpu.dot_dimension_numbers<[1], [0], [0], [1], [0, 0, 1, 1], [], []>, transpose_lhs_hint = false} : vector<1024x128xbf16>, vector<128x384xbf16>, vector<1024x384xf32> -> vector<1024x384xf32>
    %add3A_421 = vector.broadcast %get3A_15 : vector<1x384xf32> to vector<1024x384xf32>
    %add3A_422 = arith.addf %dot_general3A_420, %add3A_421 : vector<1024x384xf32>
    %slice3A_423 = vector.extract_strided_slice %add3A_417 {offsets = [0, 0], sizes = [1024, 128], strides = [1, 1]} : vector<1024x384xf32> to vector<1024x128xf32>
    %slice3A_424 = vector.extract_strided_slice %add3A_417 {offsets = [0, 128], sizes = [1024, 128], strides = [1, 1]} : vector<1024x384xf32> to vector<1024x128xf32>
    %slice3A_425 = vector.extract_strided_slice %add3A_417 {offsets = [0, 256], sizes = [1024, 128], strides = [1, 1]} : vector<1024x384xf32> to vector<1024x128xf32>
    %slice3A_426 = vector.extract_strided_slice %add3A_422 {offsets = [0, 0], sizes = [1024, 128], strides = [1, 1]} : vector<1024x384xf32> to vector<1024x128xf32>
    %slice3A_427 = vector.extract_strided_slice %add3A_422 {offsets = [0, 128], sizes = [1024, 128], strides = [1, 1]} : vector<1024x384xf32> to vector<1024x128xf32>
    %slice3A_428 = vector.extract_strided_slice %add3A_422 {offsets = [0, 256], sizes = [1024, 128], strides = [1, 1]} : vector<1024x384xf32> to vector<1024x128xf32>
    %add3A_429 = arith.addf %slice3A_423, %slice3A_426 : vector<1024x128xf32>
    %logistic3A_430 = arith.negf %add3A_429 : vector<1024x128xf32>
    %logistic3A_431 = math.exp %logistic3A_430 : vector<1024x128xf32>
    %logistic3A_432 = arith.constant 1.000000e+00 : f32
    %logistic3A_433 = vector.broadcast %logistic3A_432 : f32 to vector<1024x128xf32>
    %logistic3A_434 = arith.addf %logistic3A_433, %logistic3A_431 : vector<1024x128xf32>
    %logistic3A_435 = arith.divf %logistic3A_433, %logistic3A_434 : vector<1024x128xf32>
    %add3A_436 = arith.addf %slice3A_424, %slice3A_427 : vector<1024x128xf32>
    %logistic3A_437 = arith.negf %add3A_436 : vector<1024x128xf32>
    %logistic3A_438 = math.exp %logistic3A_437 : vector<1024x128xf32>
    %logistic3A_439 = arith.constant 1.000000e+00 : f32
    %logistic3A_440 = vector.broadcast %logistic3A_439 : f32 to vector<1024x128xf32>
    %logistic3A_441 = arith.addf %logistic3A_440, %logistic3A_438 : vector<1024x128xf32>
    %logistic3A_442 = arith.divf %logistic3A_440, %logistic3A_441 : vector<1024x128xf32>
    %mul3A_443 = arith.mulf %logistic3A_442, %slice3A_428 : vector<1024x128xf32>
    %add3A_444 = arith.addf %slice3A_425, %mul3A_443 : vector<1024x128xf32>
    %tanh3A_445 = math.tanh %add3A_444 : vector<1024x128xf32>
    %mul3A_446 = arith.mulf %logistic3A_435, %add3A_401 : vector<1024x128xf32>
    %sub3A_447 = arith.constant 1.000000e+00 : f32
    %sub3A_448 = vector.broadcast %sub3A_447 : f32 to vector<1024x128xf32>
    %sub3A_449 = arith.subf %sub3A_448, %logistic3A_435 : vector<1024x128xf32>
    %mul3A_450 = arith.mulf %sub3A_449, %tanh3A_445 : vector<1024x128xf32>
    %add3A_451 = arith.addf %mul3A_446, %mul3A_450 : vector<1024x128xf32>
    %swap3A_452 = arith.constant 8 : index
    %swap3A_453 = arith.constant 0 : index
    %swap3A_454 = arith.constant 0 : index
    %swap3A_455 = vector.load %arg7[%swap3A_452, %swap3A_453, %swap3A_454] : memref<10x1024x128xf32, #tpu.memory_space<vmem>>, vector<1x1024x128xf32>
    %swap3A_456 = vector.shape_cast %swap3A_455 : vector<1x1024x128xf32> to vector<1024x128xf32>
    %swap3A_457 = vector.shape_cast %add3A_451 : vector<1024x128xf32> to vector<1x1024x128xf32>
    tpu.vector_store %arg7[%swap3A_452, %swap3A_453, %swap3A_454], %swap3A_457 {strides = array<i32>} : memref<10x1024x128xf32, #tpu.memory_space<vmem>>, vector<1x1024x128xf32>,
    %get3A_458 = arith.constant 9 : index
    %get3A_459 = arith.constant 0 : index
    %get3A_460 = arith.constant 0 : index
    %get3A_461 = vector.load %arg1[%get3A_458, %get3A_459, %get3A_460] : memref<10x1024x64xf32, #tpu.memory_space<vmem>>, vector<1x1024x64xf32>
    %get3A_462 = vector.shape_cast %get3A_461 : vector<1x1024x64xf32> to vector<1024x64xf32>
    %convert_element_type3A_463 = arith.truncf %get3A_462 : vector<1024x64xf32> to vector<1024x64xbf16>
    %dot_general3A_464 = arith.constant dense<0.000000e+00> : vector<1024x384xf32>
    %dot_general3A_465 = tpu.matmul %convert_element_type3A_463, %get3A_6, %dot_general3A_464 {dimension_numbers = #tpu.dot_dimension_numbers<[1], [0], [0], [1], [0, 0, 1, 1], [], []>, transpose_lhs_hint = false} : vector<1024x64xbf16>, vector<64x384xbf16>, vector<1024x384xf32> -> vector<1024x384xf32>
    %add3A_466 = vector.broadcast %get3A_12 : vector<1x384xf32> to vector<1024x384xf32>
    %add3A_467 = arith.addf %dot_general3A_465, %add3A_466 : vector<1024x384xf32>
    %convert_element_type3A_468 = arith.truncf %add3A_451 : vector<1024x128xf32> to vector<1024x128xbf16>
    %dot_general3A_469 = arith.constant dense<0.000000e+00> : vector<1024x384xf32>
    %dot_general3A_470 = tpu.matmul %convert_element_type3A_468, %get3A_9, %dot_general3A_469 {dimension_numbers = #tpu.dot_dimension_numbers<[1], [0], [0], [1], [0, 0, 1, 1], [], []>, transpose_lhs_hint = false} : vector<1024x128xbf16>, vector<128x384xbf16>, vector<1024x384xf32> -> vector<1024x384xf32>
    %add3A_471 = vector.broadcast %get3A_15 : vector<1x384xf32> to vector<1024x384xf32>
    %add3A_472 = arith.addf %dot_general3A_470, %add3A_471 : vector<1024x384xf32>
    %slice3A_473 = vector.extract_strided_slice %add3A_467 {offsets = [0, 0], sizes = [1024, 128], strides = [1, 1]} : vector<1024x384xf32> to vector<1024x128xf32>
    %slice3A_474 = vector.extract_strided_slice %add3A_467 {offsets = [0, 128], sizes = [1024, 128], strides = [1, 1]} : vector<1024x384xf32> to vector<1024x128xf32>
    %slice3A_475 = vector.extract_strided_slice %add3A_467 {offsets = [0, 256], sizes = [1024, 128], strides = [1, 1]} : vector<1024x384xf32> to vector<1024x128xf32>
    %slice3A_476 = vector.extract_strided_slice %add3A_472 {offsets = [0, 0], sizes = [1024, 128], strides = [1, 1]} : vector<1024x384xf32> to vector<1024x128xf32>
    %slice3A_477 = vector.extract_strided_slice %add3A_472 {offsets = [0, 128], sizes = [1024, 128], strides = [1, 1]} : vector<1024x384xf32> to vector<1024x128xf32>
    %slice3A_478 = vector.extract_strided_slice %add3A_472 {offsets = [0, 256], sizes = [1024, 128], strides = [1, 1]} : vector<1024x384xf32> to vector<1024x128xf32>
    %add3A_479 = arith.addf %slice3A_473, %slice3A_476 : vector<1024x128xf32>
    %logistic3A_480 = arith.negf %add3A_479 : vector<1024x128xf32>
    %logistic3A_481 = math.exp %logistic3A_480 : vector<1024x128xf32>
    %logistic3A_482 = arith.constant 1.000000e+00 : f32
    %logistic3A_483 = vector.broadcast %logistic3A_482 : f32 to vector<1024x128xf32>
    %logistic3A_484 = arith.addf %logistic3A_483, %logistic3A_481 : vector<1024x128xf32>
    %logistic3A_485 = arith.divf %logistic3A_483, %logistic3A_484 : vector<1024x128xf32>
    %add3A_486 = arith.addf %slice3A_474, %slice3A_477 : vector<1024x128xf32>
    %logistic3A_487 = arith.negf %add3A_486 : vector<1024x128xf32>
    %logistic3A_488 = math.exp %logistic3A_487 : vector<1024x128xf32>
    %logistic3A_489 = arith.constant 1.000000e+00 : f32
    %logistic3A_490 = vector.broadcast %logistic3A_489 : f32 to vector<1024x128xf32>
    %logistic3A_491 = arith.addf %logistic3A_490, %logistic3A_488 : vector<1024x128xf32>
    %logistic3A_492 = arith.divf %logistic3A_490, %logistic3A_491 : vector<1024x128xf32>
    %mul3A_493 = arith.mulf %logistic3A_492, %slice3A_478 : vector<1024x128xf32>
    %add3A_494 = arith.addf %slice3A_475, %mul3A_493 : vector<1024x128xf32>
    %tanh3A_495 = math.tanh %add3A_494 : vector<1024x128xf32>
    %mul3A_496 = arith.mulf %logistic3A_485, %add3A_451 : vector<1024x128xf32>
    %sub3A_497 = arith.constant 1.000000e+00 : f32
    %sub3A_498 = vector.broadcast %sub3A_497 : f32 to vector<1024x128xf32>
    %sub3A_499 = arith.subf %sub3A_498, %logistic3A_485 : vector<1024x128xf32>
    %mul3A_500 = arith.mulf %sub3A_499, %tanh3A_495 : vector<1024x128xf32>
    %add3A_501 = arith.addf %mul3A_496, %mul3A_500 : vector<1024x128xf32>
    %swap3A_502 = arith.constant 9 : index
    %swap3A_503 = arith.constant 0 : index
    %swap3A_504 = arith.constant 0 : index
    %swap3A_505 = vector.load %arg7[%swap3A_502, %swap3A_503, %swap3A_504] : memref<10x1024x128xf32, #tpu.memory_space<vmem>>, vector<1x1024x128xf32>
    %swap3A_506 = vector.shape_cast %swap3A_505 : vector<1x1024x128xf32> to vector<1024x128xf32>
    %swap3A_507 = vector.shape_cast %add3A_501 : vector<1024x128xf32> to vector<1x1024x128xf32>
    tpu.vector_store %arg7[%swap3A_502, %swap3A_503, %swap3A_504], %swap3A_507 {strides = array<i32>} : memref<10x1024x128xf32, #tpu.memory_space<vmem>>, vector<1x1024x128xf32>,
    %swap3A_508 = arith.constant 0 : index
    %swap3A_509 = arith.constant 0 : index
    %swap3A_510 = vector.load %arg8[%swap3A_508, %swap3A_509] : memref<1024x128xf32, #tpu.memory_space<vmem>>, vector<1024x128xf32>
    tpu.vector_store %arg8[%swap3A_508, %swap3A_509], %add3A_501 {strides = array<i32>} : memref<1024x128xf32, #tpu.memory_space<vmem>>, vector<1024x128xf32>,
    return
  }
  func.func @transform_0(%arg0: i32) -> (i32, i32, i32) {
    %c0_i32 = arith.constant 0 : i32
    %c0_i32_0 = arith.constant 0 : i32
    %c0_i32_1 = arith.constant 0 : i32
    return %arg0, %c0_i32, %c0_i32_0 : i32, i32, i32
  }
  func.func @transform_1(%arg0: i32) -> (i32, i32) {
    %c0_i32 = arith.constant 0 : i32
    %c0_i32_0 = arith.constant 0 : i32
    %c0_i32_1 = arith.constant 0 : i32
    return %c0_i32, %c0_i32_0 : i32, i32
  }
  func.func @transform_2(%arg0: i32) -> (i32, i32) {
    %c0_i32 = arith.constant 0 : i32
    %c0_i32_0 = arith.constant 0 : i32
    %c0_i32_1 = arith.constant 0 : i32
    return %c0_i32, %c0_i32_0 : i32, i32
  }
  func.func @transform_3(%arg0: i32) -> (i32, i32) {
    %c0_i32 = arith.constant 0 : i32
    %c0_i32_0 = arith.constant 0 : i32
    %c0_i32_1 = arith.constant 0 : i32
    return %c0_i32, %c0_i32_0 : i32, i32
  }
  func.func @transform_4(%arg0: i32) -> (i32, i32) {
    %c0_i32 = arith.constant 0 : i32
    %c0_i32_0 = arith.constant 0 : i32
    %c0_i32_1 = arith.constant 0 : i32
    return %c0_i32, %c0_i32_0 : i32, i32
  }
  func.func @transform_5(%arg0: i32) -> (i32, i32) {
    %c0_i32 = arith.constant 0 : i32
    %c0_i32_0 = arith.constant 0 : i32
    %c0_i32_1 = arith.constant 0 : i32
    return %c0_i32, %c0_i32_0 : i32, i32
  }
  func.func @transform_6(%arg0: i32) -> (i32, i32, i32) {
    %c0_i32 = arith.constant 0 : i32
    %c0_i32_0 = arith.constant 0 : i32
    %c0_i32_1 = arith.constant 0 : i32
    return %arg0, %c0_i32, %c0_i32_0 : i32, i32, i32
  }
}

</mosaic_0001>

<sc_bundles>
// kernel: kernel.5.cloned.1.call-start
scs
__scs_entry_jumppad:
0x0: {  	(pc) =	sbr.rel $0x88, $3  }
0x1: {  	(tag) =	ssettag $0x0;
	lr =	simm.s32 $0x1  }
0x2: {  	[smem:$0x3F9A] =	sst lr;
	_ =	strace $0xD0000000  }
0x3: {  	_ = 	snop  }
0x4: {  	_ = 	snop  }
0x5: {  	_ = 	snop  }
0x6: {  	_ = 	snop  }
0x7: {  	_ = 	snop  }
__scs_overlays_trampoline_lowered:
0x8: {  	[smem:$0x3FA9] =	sst s0  }
0x9: {  	[smem:$0x3FAA] =	sst s1  }
0xa: {  	[smem:$0x3FAB] =	sst s2  }
0xb: {  	[smem:$0x3FAC] =	sst s3  }
0xc: {  	[smem:$0x3FAD] =	sst s4  }
0xd: {  	[smem:$0x3FAE] =	sst s5  }
0xe: {  	[smem:$0x3FAF] =	sst s6  }
0xf: {  	[smem:$0x3FB0] =	sst s7  }
0x10: {  	[smem:$0x3FB1] =	sst s8  }
0x11: {  	[smem:$0x3FB2] =	sst s9;
	s0 =	simm.s32 @!p0 $0x0  }
0x12: {  	s1 =	sld [smem:$0x3F98];
	s0 =	simm.s32 @p0 $0x1  }
0x13: {  	[smem:$0x3FB3] =	sst s0;
	s0 =	simm.s32 @!p1 $0x0  }
0x14: {  	s2 =	sld [smem:$0x3F97];
	s0 =	simm.s32 @p1 $0x1  }
0x15: {  	[smem:$0x3FB4] =	sst s0;
	s0 =	simm.s32 @!p2 $0x0  }
0x16: {  	s3 =	sld [smem:$0x3FDB];
	s0 =	simm.s32 @p2 $0x1  }
0x17: {  	s4 =	simm.s32 $0x1BF5;
	[smem:$0x3FB6] =	sst s0  }
0x18: {  	s0 =	sld [smem:$0x3F99];
	_ =	swait.ge [sflag:s4], $0x0  }
0x19: {  	s7 =	sld [smem:$0x3F9A]  }
0x1a: {  	s8 =	sadd.s32 $0xFFFFE003, lr  }
0x1b: {  	s9 =	sadd.s32 $0xFFFFFEF7, lr;
	s5 =	simm.s32 $0xFFFFFFFF;
	p2 =	slt.u32 s8, $0xFFFFF086  }
0x1c: {  	p1 =	slt.u32 s9, $0xF7A;
	s5 =	simm.s32 @!p2 $0x0  }
0x1d: {  	s5 =	simm.s32 @p1 $0x1;
	p0 =	seq.s32 s7, s2  }
0x1e: {  	s7 =	smul.u32 @!p0 $0xF7A, s2;
	p2 =	seq.s32 @!p0 s5, $0x0  }
0x1f: {  	s9 =	smul.u32 $0xF7A, s1;
	s8 =	simm.s32 @!p0 $0x1BF5;
	p2 =	por !p2, p0  }
0x20: {  	[sflag:s8] =	ssyncset.s32 @!p0 $0xFFFFF086;
	s6 =	sadd.s32 @!p0 s3, s7;
	s7 =	simm.s32 @!p0 $0x108  }
0x21: {  	s3 =	sadd.s32 s3, s9;
	s6 =	sadd.s32 @!p0 $0x88, s6;
	s7 =	simm.s32 @p2 $0x1082  }
0x22: {  	[simem:s7], [sflag:s8] =	dma.local @!p0 [hbm:s6], $0xF7A  }
0x23: {  	s9 =	sor.u32 $0xD0000000, s2;
	s6 =	simm.s32 $0x108;
	_ =	swait.ge @!p0 [sflag:s8], $0x0  }
0x24: {  	s3 =	sadd.s32 $0x88, s3;
	s6 =	simm.s32 @!p1 $0x1082;
	[sflag:s4] =	ssyncset.s32 $0xFFFFF086  }
0x25: {  	[simem:s6], [sflag:s4] =	dma.local [hbm:s3], $0xF7A  }
0x26: {  	[smem:$0x3F9A] =	sst s1;
	(tag) =	ssettag s2;
	_ =	strace s9  }
0x27: {  	s1 =	sld [smem:$0x3FAA]  }
0x28: {  	s2 =	sld [smem:$0x3FAB]  }
0x29: {  	s4 =	sld [smem:$0x3FAD]  }
0x2a: {  	p0 =	seq.s32 s5, $0x0;
	s5 =	sld [smem:$0x3FAE]  }
0x2b: {  	s6 =	sld [smem:$0x3FAF]  }
0x2c: {  	s7 =	sld [smem:$0x3FB0]  }
0x2d: {  	s3 =	simm.s32 $0x108;
	s8 =	sld [smem:$0x3FB1]  }
0x2e: {  	s3 =	simm.s32 @!p0 $0x1082;
	s9 =	sld [smem:$0x3FB2]  }
0x2f: {  	lr =	sadd.s32 s0, s3;
	s0 =	sld [smem:$0x3FA9]  }
0x30: {  	s3 =	sld [smem:$0x3FAC]  }
0x31: {  	[smem:$0x3FB5] =	sst s10  }
0x32: {  	s10 =	sld [smem:$0x3FB3];
	_ =	sdelay $0x3  }
0x33: {  	p0 =	seq.s32 s10, $0x1;
	s10 =	sld [smem:$0x3FB5];
	_ =	sdelay $0x3  }
0x34: {  	[smem:$0x3FB5] =	sst s10  }
0x35: {  	s10 =	sld [smem:$0x3FB4];
	_ =	sdelay $0x3  }
0x36: {  	p1 =	seq.s32 s10, $0x1;
	s10 =	sld [smem:$0x3FB5];
	_ =	sdelay $0x3  }
0x37: {  	[smem:$0x3FB5] =	sst s10  }
0x38: {  	s10 =	sld [smem:$0x3FB6]  }
0x39: {  	_ = 	snop;
	(pc) =	sbr.ind lr, $3  }
0x3a: {  	_ = 	snop  }
0x3b: {  	_ = 	snop  }
0x3c: {  	p2 =	seq.s32 s10, $0x1;
	s10 =	sld [smem:$0x3FB5]  }
0x3d: {  	_ =	shalt  }
0x3e: {  	_ =	shalt  }
0x3f: {  	_ =	shalt  }
0x40: {  	_ =	shalt  }
0x41: {  	_ =	shalt  }
0x42: {  	_ =	shalt  }
0x43: {  	_ =	shalt  }
0x44: {  	_ =	shalt  }
0x45: {  	_ =	shalt  }
0x46: {  	_ =	shalt  }
0x47: {  	_ =	shalt  }
0x48: {  	_ =	shalt  }
0x49: {  	_ =	shalt  }
0x4a: {  	_ =	shalt  }
0x4b: {  	_ =	shalt  }
0x4c: {  	_ =	shalt  }
0x4d: {  	_ =	shalt  }
0x4e: {  	_ =	shalt  }
0x4f: {  	_ =	shalt  }
0x50: {  	_ =	shalt  }
0x51: {  	_ =	shalt  }
0x52: {  	_ =	shalt  }
0x53: {  	_ =	shalt  }
0x54: {  	_ =	shalt  }
0x55: {  	_ =	shalt  }
0x56: {  	_ =	shalt  }
0x57: {  	_ =	shalt  }
0x58: {  	_ =	shalt  }
0x59: {  	_ =	shalt  }
0x5a: {  	_ =	shalt  }
0x5b: {  	_ =	shalt  }
0x5c: {  	_ =	shalt  }
0x5d: {  	_ =	shalt  }
0x5e: {  	_ =	shalt  }
0x5f: {  	_ =	shalt  }
0x60: {  	_ =	shalt  }
0x61: {  	_ =	shalt  }
0x62: {  	_ =	shalt  }
0x63: {  	_ =	shalt  }
0x64: {  	_ =	shalt  }
0x65: {  	_ =	shalt  }
0x66: {  	_ =	shalt  }
0x67: {  	_ =	shalt  }
0x68: {  	_ =	shalt  }
0x69: {  	_ =	shalt  }
0x6a: {  	_ =	shalt  }
0x6b: {  	_ =	shalt  }
0x6c: {  	_ =	shalt  }
0x6d: {  	_ =	shalt  }
0x6e: {  	_ =	shalt  }
0x6f: {  	_ =	shalt  }
0x70: {  	_ =	shalt  }
0x71: {  	_ =	shalt  }
0x72: {  	_ =	shalt  }
0x73: {  	_ =	shalt  }
0x74: {  	_ =	shalt  }
0x75: {  	_ =	shalt  }
0x76: {  	_ =	shalt  }
0x77: {  	_ =	shalt  }
0x78: {  	_ =	shalt  }
0x79: {  	_ =	shalt  }
0x7a: {  	_ =	shalt  }
0x7b: {  	_ =	shalt  }
0x7c: {  	_ =	shalt  }
0x7d: {  	_ =	shalt  }
0x7e: {  	_ =	shalt  }
0x7f: {  	_ =	shalt  }
0x80: {  	_ =	shalt  }
0x81: {  	_ =	shalt  }
0x82: {  	_ =	shalt  }
0x83: {  	_ =	shalt  }
0x84: {  	_ =	shalt  }
0x85: {  	_ =	shalt  }
0x86: {  	_ =	shalt  }
0x87: {  	_ =	shalt  }
.Lfunc_end0:
.L_simem_size_0:
called_computation_lowered:
.L_overlay_start_0:
0x88: {  	s2 =	sld [smem:$0x3FD9]  }
0x89: {  	s3 =	sld [smem:$0x3FFE];
	_ =	sdelay $0x1  }
0x8a: {  	s1 =	srdreg.scid  }
0x8b: {  	s0 =	sand.u32 $0x1, s1  }
0x8c: {  	s14 =	sshll.u32 s0, $0xA;
	s2 =	sadd.s32 s3, s2  }
0x8d: {  	s2 =	sadd.s32 s2, s14  }
0x8e: {  	[smem:$0x3FC1] =	sst s2  }
0x8f: {  	_ = 	snop  }
0x90: {  	s2 =	sld [smem:$0x3FD0];
	_ =	sdelay $0x2  }
0x91: {  	s15 =	simm.s32 $0xA;
	s4 =	simm.s32 $0x10  }
0x92: {  	[smem:s4], [sflag:s15] =	dma.local [hbm:s2], $0x1  }
0x93: {  	_ =	swait.eq [sflag:s15], $0x1  }
0x94: {  	[sflag:s15] =	ssyncset.done $0x0  }
0x95: {  	[sflag:s15] =	ssyncadd.s32 $0xFFFFFFFF  }
0x96: {  	s16 =	sld [smem:$0x11];
	(tm) =	ssettm $0x1  }
0x97: {  	s17 =	sld [smem:$0x3FFB];
	_ =	sdelay $0x3  }
0x98: {  	_ =	strace s17  }
0x99: {  	s3 =	sld [smem:$0x3FFC];
	_ =	sdelay $0x3  }
0x9a: {  	_ =	strace s3  }
0x9b: {  	s3 =	sld [smem:$0x3FFD];
	_ =	sdelay $0x3  }
0x9c: {  	_ =	strace s3  }
0x9d: {  	_ =	strace $0x8FFFFFFF  }
0x9e: {  	s18 =	sld [smem:$0x3FDB];
	_ =	sdelay $0x1  }
0x9f: {  	s19 =	simm.s32 $_scs_section_size  }
0xa0: {  	s5 =	simm.s32 $_size__tile_overlayer_lowered;
	s6 =	simm.s32 $_tile_overlayer_lowered  }
0xa1: {  	s22 =	simm.s32 $0x1BFF;
	s21 =	sshll.u32 s6, $0x1;
	s3 =	sadd.s32 s19, s18  }
0xa2: {  	s7 =	simm.s32 $0x0;
	s20 =	sshll.u32 s5, $0x1;
	s5 =	sadd.s32 s21, s3  }
0xa3: {  	[timem:s7], [sflag:s22] =	dma.local [hbm:s5], s20  }
0xa4: {  	_ =	swait.ge [sflag:s22], s20  }
0xa5: {  	s4 =	ssub.s32 $0x0, s20;
	[sflag:s22] =	ssyncset.done $0x0  }
0xa6: {  	[sflag:s22] =	ssyncadd.s32 s4;
	_ =	sdelay $0x1  }
0xa7: {  	s23 =	simm.s32 $0x1B8B  }
0xa8: {  	_ =	swait.ge [sflag:s23], $0x1  }
0xa9: {  	[sflag:s23] =	ssyncset.done $0x0  }
0xaa: {  	s25 =	simm.s32 $0x1B8E;
	s24 =	sld [smem:$0x3FFE];
	[sflag:s23] =	ssyncadd.s32 $0xFFFFFFFF  }
0xab: {  	s26 =	simm.s32 $execute0_lowered;
	[smem:$0x3FD2] =	sst s25  }
0xac: {  	s5 =	sshll.u32 s26, $0x1;
	_ =	strace $0x80000046;
	[dreg:$0x1] =	wrdreg $0xFFFFFFFF  }
0xad: {  	s28 =	simm.s32 $_size_execute0_lowered;
	s3 =	sadd.s32 s3, s5;
	[dreg:$0x0] =	wrdreg $0x0  }
0xae: {  	s5 =	sshll.u32 s28, $0x1;
	[dreg:$0x2] =	wrdreg s3  }
0xaf: {  	[dreg:$0x3] =	wrdreg s5  }
0xb0: {  	[dreg:$0x4] =	wrdreg $0xC0  }
0xb1: {  	_ =	task [dreg:s7], $0x5FFFF  }
0xb2: {  	[dreg:$0x1] =	wrdreg $0xFFFFFFFF  }
0xb3: {  	[dreg:$0x0] =	wrdreg $0x60  }
0xb4: {  	[dreg:$0x2] =	wrdreg s24  }
0xb5: {  	[dreg:$0x3] =	wrdreg s16  }
0xb6: {  	[dreg:$0x4] =	wrdreg $0x9  }
0xb7: {  	_ =	task.clear_ibuf [dreg:s7], $0x5FFFF;
	_ =	strace $0x90000046  }
0xb8: {  	s29 =	simm.s32 $0x9;
	_ =	strace $0x80000048  }
0xb9: {  	_ =	swait.ge [sflag:s29], $0x1  }
0xba: {  	[sflag:s29] =	ssyncadd.s32 $0xFFFFFFFF  }
0xbb: {  	_ =	strace $0x90000048  }
0xbc: {  	_ =	sfence  }
0xbd: {  	s30 =	sld [smem:$0x0];
	_ =	sdelay $0x2  }
0xbe: {  	s31 =	sshll.u32 s1, $0xD;
	s1 =	sshrl.u32 s1, $0x2  }
0xbf: {  	s3 =	sand.u32 $0x4000, s31;
	s1 =	sadd.s32 s1, s30  }
0xc0: {  	s0 =	sor.u32 s3, s0;
	s1 =	sshll.u32 s1, $0x11  }
0xc1: {  	s0 =	sor.u32 s1, s0  }
0xc2: {  	s0 =	sadd.s32 $0x8F2B, s0  }
0xc3: {  	[sflag:s0] =	ssyncadd.remote.s32 $0x1  }
0xc4: {  	_ =	sfence.sel $0xFFFF  }
0xc5: {  	[dreg:$0x0] =	wrdreg $0xFFFFFFFF;
	(pc) =	sbr.abs _section_cstart, $3  }
0xc6: {  	[dreg:$0x1] =	wrdreg $0xFFFFFFFF  }
0xc7: {  	_ =	task.clear_ibuf [dreg:s7], $0x2FFFF;
	_ =	strace $0x9FFFFFFF  }
0xc8: {  	(tm) =	ssettm $0x7FFFFFFF  }
0xc9: {  	_ =	shalt  }
tec
execute0_lowered:
.L_overlay_start_1:
0x0: {  	(tag) =	ssettag $0x1  }
0x1: {  	s1 =	rddreg [dreg:$0x0]  }
0x2: {  	s2 =	srdreg.scid;
	s0 =	stileid.u32  }
0x3: {  	s4 =	rddreg [dreg:$0x1];
	s3 =	sand.u32 $0x1, s2;
	s5 =	sshll.u32 s0, $0x1  }
0x4: {  	s11 =	simm.s32 $0x0;
	s2 =	simm.s32 $0x0;
	s5 =	sor.u32 s3, s5  }
0x5: {  	[smem:$0x7FF] =	sst s2;
	s7 =	ssub.s32 $0x2, s3;
	s6 =	smul.u32 $0xC8, s5  }
0x6: {  	s3 =	sadd.s32 $0xE00, s1;
	s1 =	sadd.s32 $0xF43200, s1;
	s8 =	smul.u32 $0x32000, s5  }
0x7: {  	_ =	strace $0x80000047;
	s9 =	sshrl.u32 s7, $0x1;
	s5 =	smul.u32 $0x6400, s5  }
0x8: {  	s7 =	ssub.s32 s7, s9;
	s8 =	sshrl.u32 s8, $0x3;
	s29 =	sadd.s32 s4, s6  }
0x9: {  	s30 =	sadd.s32 s1, s5;
	[dreg:$0x3] =	wrdreg s29;
	s1 =	sadd.s32 s1, s8  }
0xa: {  	s9 =	simm.s32 $0x1;
	[dreg:$0x4] =	wrdreg s30;
	s31 =	sadd.s32 $0x3200, s1  }
0xb: {  	s7 =	smax.u32 s7, $0x1;
	s8 =	simm.s32 $0x2;
	[dreg:$0x5] =	wrdreg s31  }
.LBB2_1:
0xc: {  	s0 =	rddreg [dreg:$0x3]  }
0xd: {  	[tilespmem:s2], [sflag:$0x2] =	stream.linear.gather [hbm4b:s0+s2], $0x640, $0x38;
	[tilespmem:$0x19680] =	vst v63  }
0xe: {  	_ =	swait.ge [sflag:s8], $0x640  }
0xf: {  	[sflag:s8] =	ssyncset.done $0x0  }
0x10: {  	[sflag:s8] =	ssyncadd.s32 $0xFFFFF9C0  }
0x11: {  	v0 =	vld [tilespmem:s2+$0x0];
	_ =	sdelay $0x4  }
0x12: {  	v0 =	vshll.u32 v0, $0x4  }
0x13: {  	(v2sf) =	vpush v0, $0x2  }
0x14: {  	(v2sf) =	vpush v0, $0x0  }
0x15: {  	(v2sf) =	vpush v0, $0x1;
	_ =	sdelay $0x2  }
0x16: {  	(v2sf) =	vpush v0, $0x3;
	_ =	sdelay $0x1  }
0x17: {  	(v2sf) =	vpush v0, $0x4;
	_ =	sdelay $0x1  }
0x18: {  	(v2sf) =	vpush v0, $0x5;
	_ =	sdelay $0x1  }
0x19: {  	(v2sf) =	vpush v0, $0x6  }
0x1a: {  	s13 =	simm.s32 $0x4000;
	s15 =	simm.s32 $0x700  }
0x1b: {  	s14 =	simm.s32 $0x680;
	s18 =	simm.s32 $0x900;
	s19 =	simm.s32 $0x780  }
0x1c: {  	s21 =	simm.s32 $0x800;
	s23 =	simm.s32 $0xA80;
	s25 =	simm.s32 $0x880  }
0x1d: {  	s26 =	simm.s32 $0x980;
	p0 =	por $0x1, $0x1;
	s1 =	spop (v2sf);
	(v2sf) =	vpush v0, $0x7  }
0x1e: {  	s5 =	simm.s32 $0xB80;
	s10 =	simm.s32 $0xB00;
	s12 =	spop (v2sf);
	(v2sf) =	vpush v0, $0x8  }
0x1f: {  	s0 =	simm.s32 $0xA00;
	s12 =	sand.u32 $0x1FFFFFF0, s12;
	s16 =	spop (v2sf)  }
0x20: {  	p0 =	por p0, p0;
	(v2sf) =	vpush v0, $0x9;
	s12 =	sadd.s32 s3, s12;
	s16 =	sand.u32 $0x1FFFFFF0, s16  }
0x21: {  	[tilespmem:s14], [sflag:$0x1] =	stream.linear.gather [hbm4b:s12+s2], $0x80, $0x38;
	[tilespmem:$0x19680] =	vst v63  }
0x22: {  	s1 =	sand.u32 $0x1FFFFFF0, s1;
	s17 =	spop (v2sf);
	(v2sf) =	vpush v0, $0xA;
	s16 =	sadd.s32 s3, s16  }
0x23: {  	[tilespmem:s15], [sflag:$0x1] =	stream.linear.gather [hbm4b:s16+s2], $0x80, $0x38;
	[tilespmem:$0x19680] =	vst v63  }
0x24: {  	s1 =	sadd.s32 s3, s1;
	s20 =	sand.u32 $0x1FFFFFF0, s17;
	s22 =	spop (v2sf);
	(v2sf) =	vpush v0, $0xB  }
0x25: {  	[tilespmem:s19], [sflag:$0x1] =	stream.linear.gather [hbm4b:s1+s2], $0x80, $0x38;
	[tilespmem:$0x19680] =	vst v63  }
0x26: {  	s24 =	spop (v2sf);
	(v2sf) =	vpush v0, $0xC;
	s16 =	sadd.s32 s3, s20;
	s15 =	sand.u32 $0x1FFFFFF0, s22  }
0x27: {  	[tilespmem:s21], [sflag:$0x1] =	stream.linear.gather [hbm4b:s16+s2], $0x80, $0x38;
	[tilespmem:$0x19680] =	vst v63  }
0x28: {  	(v2sf) =	vpush v0, $0xD;
	s28 =	spop (v2sf);
	s15 =	sadd.s32 s3, s15;
	s16 =	sand.u32 $0x1FFFFFF0, s24  }
0x29: {  	[tilespmem:s25], [sflag:$0x1] =	stream.linear.gather [hbm4b:s15+s2], $0x80, $0x38;
	[tilespmem:$0x19680] =	vst v63  }
0x2a: {  	s14 =	simm.s32 $0xE00;
	s29 =	sand.u32 $0x1FFFFFF0, s28;
	s16 =	sadd.s32 s3, s16  }
0x2b: {  	[tilespmem:s18], [sflag:$0x1] =	stream.linear.gather [hbm4b:s16+s2], $0x80, $0x38;
	[tilespmem:$0x19680] =	vst v63  }
0x2c: {  	(v2sf) =	vpush v0, $0xE;
	s28 =	simm.s32 $0xD00;
	s12 =	sadd.s32 s3, s29;
	s30 =	spop (v2sf)  }
0x2d: {  	s21 =	simm.s32 $0xC00;
	s16 =	sand.u32 $0x1FFFFFF0, s30;
	s31 =	spop (v2sf)  }
0x2e: {  	(v2sf) =	vpush v0, $0xF;
	[tilespmem:s26], [sflag:$0x1] =	stream.linear.gather [hbm4b:s12+s2], $0x80, $0x38;
	[tilespmem:$0x19680] =	vst v63  }
0x2f: {  	s4 =	sand.u32 $0x1FFFFFF0, s31;
	s16 =	sadd.s32 s3, s16;
	s6 =	spop (v2sf)  }
0x30: {  	[tilespmem:s0], [sflag:$0x1] =	stream.linear.gather [hbm4b:s16+s2], $0x80, $0x38;
	[tilespmem:$0x19680] =	vst v63  }
0x31: {  	s15 =	sadd.s32 s3, s4;
	s17 =	sand.u32 $0x1FFFFFF0, s6;
	s18 =	spop (v2sf)  }
0x32: {  	[tilespmem:s23], [sflag:$0x1] =	stream.linear.gather [hbm4b:s15+s2], $0x80, $0x38;
	[tilespmem:$0x19680] =	vst v63  }
0x33: {  	s16 =	sand.u32 $0x1FFFFFF0, s18;
	s20 =	spop (v2sf);
	s15 =	sadd.s32 s3, s17  }
0x34: {  	[tilespmem:s10], [sflag:$0x1] =	stream.linear.gather [hbm4b:s15+s2], $0x80, $0x38;
	[tilespmem:$0x19680] =	vst v63  }
0x35: {  	s16 =	sadd.s32 s3, s16;
	s22 =	spop (v2sf);
	s15 =	sand.u32 $0x1FFFFFF0, s20  }
0x36: {  	[tilespmem:s5], [sflag:$0x1] =	stream.linear.gather [hbm4b:s16+s2], $0x80, $0x38;
	[tilespmem:$0x19680] =	vst v63  }
0x37: {  	s23 =	spop (v2sf);
	s15 =	sadd.s32 s3, s15;
	s16 =	sand.u32 $0x1FFFFFF0, s22  }
0x38: {  	[tilespmem:s21], [sflag:$0x1] =	stream.linear.gather [hbm4b:s15+s2], $0x80, $0x38;
	[tilespmem:$0x19680] =	vst v63  }
0x39: {  	s19 =	simm.s32 $0xC80;
	s24 =	sand.u32 $0x1FFFFFF0, s23;
	s16 =	sadd.s32 s3, s16  }
0x3a: {  	[tilespmem:s19], [sflag:$0x1] =	stream.linear.gather [hbm4b:s16+s2], $0x80, $0x38;
	[tilespmem:$0x19680] =	vst v63  }
0x3b: {  	s29 =	simm.s32 $0xD80;
	s25 =	spop (v2sf);
	s12 =	sadd.s32 s3, s24  }
0x3c: {  	[tilespmem:s28], [sflag:$0x1] =	stream.linear.gather [hbm4b:s12+s2], $0x80, $0x38;
	[tilespmem:$0x19680] =	vst v63  }
0x3d: {  	s18 =	simm.s32 @!p0 $0x1;
	s26 =	sand.u32 $0x1FFFFFF0, s25;
	s30 =	spop (v2sf)  }
0x3e: {  	s1 =	sadd.s32 s3, s26;
	s15 =	simm.s32 $0x1;
	s31 =	sand.u32 $0x1FFFFFF0, s30  }
0x3f: {  	[tilespmem:s29], [sflag:$0x1] =	stream.linear.gather [hbm4b:s1+s2], $0x80, $0x38;
	[tilespmem:$0x19680] =	vst v63  }
0x40: {  	s16 =	simm.s32 $0x10;
	s12 =	simm.s32 $0x800;
	s1 =	sadd.s32 s3, s31  }
.LBB2_2:
0x41: {  	s29 =	sadd.s32 $0x700, s12  }
0x42: {  	s24 =	sadd.s32 $0xE00, s12;
	s17 =	smov.u32 s13;
	s13 =	sadd.s32 $0x2000, s13  }
0x43: {  	[tilespmem:s14], [sflag:$0x1] =	stream.linear.gather [hbm4b:s1+s2], $0x80, $0x38;
	[tilespmem:$0x19680] =	vst v63  }
0x44: {  	s22 =	sadd.s32 $0x900, s12;
	s19 =	sadd.s32 $0xA80, s12;
	_ =	swait.ge @!p0 [sflag:s18], $0x400  }
0x45: {  	s31 =	sadd.s32 $0x680, s12;
	s25 =	sadd.s32 $0x880, s12;
	[sflag:s18] =	ssyncset.done @!p0 $0x0  }
0x46: {  	s23 =	sadd.s32 $0x980, s12;
	p2 =	slt.u32 s15, $0x8;
	[sflag:s18] =	ssyncadd.s32 @!p0 $0xFFFFFC00  }
0x47: {  	s30 =	sadd.s32 $0x780, s12;
	s20 =	sadd.s32 $0xB80, s12;
	_ =	swait.ge @!p0 [sflag:s18], $0x400  }
0x48: {  	s21 =	sadd.s32 $0xB00, s12;
	p1 =	sne.s32 s13, $0x64000;
	[sflag:s18] =	ssyncset.done @!p0 $0x0  }
0x49: {  	s14 =	smov.u32 s24;
	[sflag:s18] =	ssyncadd.s32 @!p0 $0xFFFFFC00;
	p0 =	por p2, p2  }
0x4a: {  	v0 =	vld [tilespmem:s16+$0x0]  }
0x4b: {  	s1 =	sadd.s32 $0x800, s12;
	_ =	sdelay $0x3  }
0x4c: {  	v0 =	vshll.u32 v0, $0x4  }
0x4d: {  	(v2sf) =	vpush v0, $0x2  }
0x4e: {  	(v2sf) =	vpush v0, $0x0  }
0x4f: {  	(v2sf) =	vpush v0, $0x1  }
0x50: {  	(v2sf) =	vpush v0, $0x3;
	_ =	sdelay $0x1  }
0x51: {  	(v2sf) =	vpush v0, $0x4;
	_ =	sdelay $0x1  }
0x52: {  	(v2sf) =	vpush v0, $0x5;
	_ =	sdelay $0x1  }
0x53: {  	(v2sf) =	vpush v0, $0x6  }
0x54: {  	s24 =	sadd.s32 $0xC80, s12  }
0x55: {  	s28 =	sadd.s32 $0xC00, s12;
	(v2sf) =	vpush v0, $0x7;
	_ =	sdelay $0x1  }
0x56: {  	(v2sf) =	vpush v0, $0x8  }
0x57: {  	s16 =	sadd.s32 $0x10, s16  }
0x58: {  	s15 =	sadd.s32 $0x1, s15;
	s18 =	simm.s32 @!p0 $0x1;
	s26 =	spop (v2sf);
	(v2sf) =	vpush v0, $0x9  }
0x59: {  	s0 =	sand.u32 $0x1FFFFFF0, s26;
	s26 =	sadd.s32 $0xD80, s12;
	s10 =	spop (v2sf)  }
0x5a: {  	s4 =	sadd.s32 $0xA00, s12;
	s10 =	sand.u32 $0x1FFFFFF0, s10;
	s5 =	spop (v2sf);
	(v2sf) =	vpush v0, $0xA  }
0x5b: {  	s10 =	sadd.s32 s3, s10;
	s5 =	sand.u32 $0x1FFFFFF0, s5;
	s6 =	spop (v2sf)  }
0x5c: {  	[tilespmem:s31], [sflag:$0x1] =	stream.linear.gather [hbm4b:s10+s2], $0x80, $0x38;
	(v2sf) =	vpush v0, $0xB;
	[tilespmem:$0x19680] =	vst v63  }
0x5d: {  	s5 =	sadd.s32 s3, s5;
	s6 =	sand.u32 $0x1FFFFFF0, s6;
	s10 =	spop (v2sf)  }
0x5e: {  	[tilespmem:s29], [sflag:$0x1] =	stream.linear.gather [hbm4b:s5+s2], $0x80, $0x38;
	(v2sf) =	vpush v0, $0xC;
	[tilespmem:$0x19680] =	vst v63  }
0x5f: {  	s0 =	sadd.s32 s3, s0;
	s5 =	sand.u32 $0x1FFFFFF0, s10;
	s10 =	spop (v2sf)  }
0x60: {  	[tilespmem:s30], [sflag:$0x1] =	stream.linear.gather [hbm4b:s0+s2], $0x80, $0x38;
	(v2sf) =	vpush v0, $0xD;
	[tilespmem:$0x19680] =	vst v63  }
0x61: {  	s0 =	sadd.s32 s3, s6;
	s6 =	sand.u32 $0x1FFFFFF0, s10;
	s10 =	spop (v2sf)  }
0x62: {  	[tilespmem:s1], [sflag:$0x1] =	stream.linear.gather [hbm4b:s0+s2], $0x80, $0x38;
	(v2sf) =	vpush v0, $0xE;
	[tilespmem:$0x19680] =	vst v63  }
0x63: {  	s0 =	sadd.s32 s3, s5;
	s1 =	sand.u32 $0x1FFFFFF0, s10;
	s5 =	spop (v2sf)  }
0x64: {  	[tilespmem:s25], [sflag:$0x1] =	stream.linear.gather [hbm4b:s0+s2], $0x80, $0x38;
	(v2sf) =	vpush v0, $0xF;
	[tilespmem:$0x19680] =	vst v63  }
0x65: {  	s0 =	sadd.s32 s3, s6;
	s5 =	sand.u32 $0x1FFFFFF0, s5;
	s6 =	spop (v2sf)  }
0x66: {  	[tilespmem:s22], [sflag:$0x1] =	stream.linear.gather [hbm4b:s0+s2], $0x80, $0x38;
	[tilespmem:$0x19680] =	vst v63  }
0x67: {  	s0 =	sadd.s32 s3, s1;
	s1 =	sand.u32 $0x1FFFFFF0, s6;
	s6 =	spop (v2sf)  }
0x68: {  	[tilespmem:s23], [sflag:$0x1] =	stream.linear.gather [hbm4b:s0+s2], $0x80, $0x38;
	[tilespmem:$0x19680] =	vst v63  }
0x69: {  	s0 =	sadd.s32 s3, s5;
	s5 =	sand.u32 $0x1FFFFFF0, s6;
	s6 =	spop (v2sf)  }
0x6a: {  	[tilespmem:s4], [sflag:$0x1] =	stream.linear.gather [hbm4b:s0+s2], $0x80, $0x38;
	[tilespmem:$0x19680] =	vst v63  }
0x6b: {  	s0 =	sadd.s32 s3, s1;
	s1 =	sand.u32 $0x1FFFFFF0, s6;
	s4 =	spop (v2sf)  }
0x6c: {  	[tilespmem:s19], [sflag:$0x1] =	stream.linear.gather [hbm4b:s0+s2], $0x80, $0x38;
	[tilespmem:$0x19680] =	vst v63  }
0x6d: {  	s0 =	sadd.s32 s3, s5;
	s4 =	sand.u32 $0x1FFFFFF0, s4;
	s5 =	spop (v2sf)  }
0x6e: {  	[tilespmem:s21], [sflag:$0x1] =	stream.linear.gather [hbm4b:s0+s2], $0x80, $0x38;
	[tilespmem:$0x19680] =	vst v63  }
0x6f: {  	s0 =	sadd.s32 s3, s1;
	s1 =	sand.u32 $0x1FFFFFF0, s5;
	s5 =	spop (v2sf)  }
0x70: {  	[tilespmem:s20], [sflag:$0x1] =	stream.linear.gather [hbm4b:s0+s2], $0x80, $0x38;
	[tilespmem:$0x19680] =	vst v63  }
0x71: {  	s0 =	sadd.s32 s3, s4;
	s4 =	sand.u32 $0x1FFFFFF0, s5;
	s5 =	spop (v2sf)  }
0x72: {  	[tilespmem:s28], [sflag:$0x1] =	stream.linear.gather [hbm4b:s0+s2], $0x80, $0x38;
	[tilespmem:$0x19680] =	vst v63  }
0x73: {  	s0 =	sadd.s32 s3, s1;
	s1 =	sand.u32 $0x1FFFFFF0, s5;
	s5 =	spop (v2sf)  }
0x74: {  	[tilespmem:s24], [sflag:$0x1] =	stream.linear.gather [hbm4b:s0+s2], $0x80, $0x38;
	[tilespmem:$0x19680] =	vst v63  }
.Ltmp0:
0x75: {  	_ = 	snop;
	(pc) =	sbr.rel @p1 .LBB2_2-.Ltmp0, $4  }
0x76: {  	s4 =	sadd.s32 s3, s4;
	s0 =	sadd.s32 $0xD00, s12;
	s5 =	sand.u32 $0x1FFFFFF0, s5  }
0x77: {  	[tilespmem:s0], [sflag:$0x1] =	stream.linear.gather [hbm4b:s4+s2], $0x80, $0x38;
	[tilespmem:$0x19680] =	vst v63  }
0x78: {  	s12 =	sshra.s32 s17, $0x2;
	s0 =	sadd.s32 s3, s1;
	s1 =	sadd.s32 s3, s5  }
0x79: {  	[tilespmem:s26], [sflag:$0x1] =	stream.linear.gather [hbm4b:s0+s2], $0x80, $0x38;
	[tilespmem:$0x19680] =	vst v63  }
0x7a: {  	[tilespmem:s14], [sflag:$0x1] =	stream.linear.gather [hbm4b:s1+s2], $0x80, $0x38;
	[tilespmem:$0x19680] =	vst v63  }
0x7b: {  	_ =	swait.ge @!p0 [sflag:s18], $0x400  }
0x7c: {  	[sflag:s18] =	ssyncset.done @!p0 $0x0  }
0x7d: {  	[sflag:s18] =	ssyncadd.s32 @!p0 $0xFFFFFC00  }
0x7e: {  	_ =	swait.ge @!p0 [sflag:s18], $0x400  }
0x7f: {  	[sflag:s18] =	ssyncset.done @!p0 $0x0  }
0x80: {  	[sflag:s18] =	ssyncadd.s32 @!p0 $0xFFFFFC00  }
0x81: {  	v0 =	vld [tilespmem:s16+$0x0];
	_ =	sdelay $0x4  }
0x82: {  	v0 =	vshll.u32 v0, $0x4  }
0x83: {  	(v2sf) =	vpush v0, $0x2  }
0x84: {  	(v2sf) =	vpush v0, $0x0  }
0x85: {  	(v2sf) =	vpush v0, $0x1;
	_ =	sdelay $0x2  }
0x86: {  	(v2sf) =	vpush v0, $0x3;
	_ =	sdelay $0x1  }
0x87: {  	(v2sf) =	vpush v0, $0x4;
	_ =	sdelay $0x1  }
0x88: {  	(v2sf) =	vpush v0, $0x5;
	_ =	sdelay $0x3  }
0x89: {  	(v2sf) =	vpush v0, $0x6  }
0x8a: {  	s5 =	sadd.s32 $0x680, s12  }
0x8b: {  	s13 =	sadd.s32 $0x700, s12;
	s14 =	sadd.s32 $0x900, s12;
	s0 =	spop (v2sf);
	(v2sf) =	vpush v0, $0x7  }
0x8c: {  	s20 =	sadd.s32 $0x880, s12;
	s22 =	sadd.s32 $0xA80, s12;
	s10 =	spop (v2sf)  }
0x8d: {  	s18 =	sadd.s32 $0x800, s12;
	s1 =	sand.u32 $0x1FFFFFF0, s10;
	s4 =	spop (v2sf)  }
0x8e: {  	s16 =	sadd.s32 $0x780, s12;
	(v2sf) =	vpush v0, $0x8;
	s1 =	sadd.s32 s3, s1;
	s4 =	sand.u32 $0x1FFFFFF0, s4  }
0x8f: {  	[tilespmem:s5], [sflag:$0x1] =	stream.linear.gather [hbm4b:s1+s2], $0x80, $0x38;
	[tilespmem:$0x19680] =	vst v63  }
0x90: {  	s0 =	sand.u32 $0x1FFFFFF0, s0;
	(v2sf) =	vpush v0, $0x9;
	s17 =	spop (v2sf);
	s4 =	sadd.s32 s3, s4  }
0x91: {  	(v2sf) =	vpush v0, $0xA;
	[tilespmem:s13], [sflag:$0x1] =	stream.linear.gather [hbm4b:s4+s2], $0x80, $0x38;
	[tilespmem:$0x19680] =	vst v63  }
0x92: {  	s0 =	sadd.s32 s3, s0;
	s6 =	spop (v2sf);
	s4 =	sand.u32 $0x1FFFFFF0, s17  }
0x93: {  	(v2sf) =	vpush v0, $0xB;
	[tilespmem:s16], [sflag:$0x1] =	stream.linear.gather [hbm4b:s0+s2], $0x80, $0x38;
	[tilespmem:$0x19680] =	vst v63  }
0x94: {  	s19 =	sand.u32 $0x1FFFFFF0, s6;
	(v2sf) =	vpush v0, $0xC;
	s21 =	spop (v2sf);
	s4 =	sadd.s32 s3, s4  }
0x95: {  	[tilespmem:s18], [sflag:$0x1] =	stream.linear.gather [hbm4b:s4+s2], $0x80, $0x38;
	[tilespmem:$0x19680] =	vst v63  }
0x96: {  	s23 =	sadd.s32 $0x980, s12;
	s1 =	sadd.s32 s3, s19;
	(v2sf) =	vpush v0, $0xD;
	s4 =	sand.u32 $0x1FFFFFF0, s21  }
0x97: {  	[tilespmem:s20], [sflag:$0x1] =	stream.linear.gather [hbm4b:s1+s2], $0x80, $0x38;
	[tilespmem:$0x19680] =	vst v63  }
0x98: {  	p5 =	slt.u32 s15, $0x8;
	s24 =	spop (v2sf);
	(v2sf) =	vpush v0, $0xE;
	s4 =	sadd.s32 s3, s4  }
0x99: {  	[tilespmem:s14], [sflag:$0x1] =	stream.linear.gather [hbm4b:s4+s2], $0x80, $0x38;
	[tilespmem:$0x19680] =	vst v63  }
0x9a: {  	s25 =	sadd.s32 $0xB80, s12;
	s26 =	sand.u32 $0x1FFFFFF0, s24;
	s28 =	spop (v2sf)  }
0x9b: {  	s29 =	sadd.s32 $0xA00, s12;
	s5 =	sadd.s32 s3, s26;
	s6 =	sand.u32 $0x1FFFFFF0, s28  }
0x9c: {  	(v2sf) =	vpush v0, $0xF;
	[tilespmem:s23], [sflag:$0x1] =	stream.linear.gather [hbm4b:s5+s2], $0x80, $0x38;
	[tilespmem:$0x19680] =	vst v63  }
0x9d: {  	p0 =	por p5, p5;
	s30 =	spop (v2sf);
	s6 =	sadd.s32 s3, s6  }
0x9e: {  	[tilespmem:s29], [sflag:$0x1] =	stream.linear.gather [hbm4b:s6+s2], $0x80, $0x38;
	[tilespmem:$0x19680] =	vst v63  }
0x9f: {  	s10 =	sadd.s32 $0xB00, s12;
	s31 =	sand.u32 $0x1FFFFFF0, s30;
	s6 =	spop (v2sf)  }
0xa0: {  	s16 =	sadd.s32 $0xC80, s12;
	s1 =	sadd.s32 s3, s31;
	s13 =	spop (v2sf)  }
0xa1: {  	[tilespmem:s22], [sflag:$0x1] =	stream.linear.gather [hbm4b:s1+s2], $0x80, $0x38;
	[tilespmem:$0x19680] =	vst v63  }
0xa2: {  	s18 =	sadd.s32 $0xC00, s12;
	s5 =	sand.u32 $0x1FFFFFF0, s6;
	s15 =	spop (v2sf)  }
0xa3: {  	s14 =	sand.u32 $0x1FFFFFF0, s13;
	s5 =	sadd.s32 s3, s5;
	s17 =	spop (v2sf)  }
0xa4: {  	[tilespmem:s10], [sflag:$0x1] =	stream.linear.gather [hbm4b:s5+s2], $0x80, $0x38;
	[tilespmem:$0x19680] =	vst v63  }
0xa5: {  	s0 =	sadd.s32 s3, s14;
	s1 =	sand.u32 $0x1FFFFFF0, s15;
	s19 =	spop (v2sf)  }
0xa6: {  	[tilespmem:s25], [sflag:$0x1] =	stream.linear.gather [hbm4b:s0+s2], $0x80, $0x38;
	[tilespmem:$0x19680] =	vst v63  }
0xa7: {  	s6 =	sand.u32 $0x1FFFFFF0, s17;
	s1 =	sadd.s32 s3, s1;
	s20 =	spop (v2sf)  }
0xa8: {  	[tilespmem:s18], [sflag:$0x1] =	stream.linear.gather [hbm4b:s1+s2], $0x80, $0x38;
	[tilespmem:$0x19680] =	vst v63  }
0xa9: {  	s21 =	sand.u32 $0x1FFFFFF0, s19;
	s22 =	sadd.s32 s3, s6;
	s23 =	sand.u32 $0x1FFFFFF0, s20  }
0xaa: {  	[tilespmem:s16], [sflag:$0x1] =	stream.linear.gather [hbm4b:s22+s2], $0x80, $0x38;
	[tilespmem:$0x19680] =	vst v63  }
0xab: {  	s25 =	sadd.s32 $0xD00, s12;
	s0 =	sadd.s32 s3, s21;
	s24 =	spop (v2sf)  }
0xac: {  	[tilespmem:s25], [sflag:$0x1] =	stream.linear.gather [hbm4b:s0+s2], $0x80, $0x38;
	[tilespmem:$0x19680] =	vst v63  }
0xad: {  	s26 =	sadd.s32 $0xD80, s12;
	s4 =	sadd.s32 s3, s23;
	s1 =	sand.u32 $0x1FFFFFF0, s24  }
0xae: {  	[tilespmem:s26], [sflag:$0x1] =	stream.linear.gather [hbm4b:s4+s2], $0x80, $0x38;
	[tilespmem:$0x19680] =	vst v63  }
0xaf: {  	s28 =	sadd.s32 $0xE00, s12;
	s4 =	simm.s32 @!p0 $0x1;
	s1 =	sadd.s32 s3, s1  }
0xb0: {  	[tilespmem:s28], [sflag:$0x1] =	stream.linear.gather [hbm4b:s1+s2], $0x80, $0x38;
	[tilespmem:$0x19680] =	vst v63  }
0xb1: {  	_ =	swait.ge @!p0 [sflag:s4], $0x400  }
0xb2: {  	[sflag:s4] =	ssyncset.done @!p0 $0x0  }
0xb3: {  	[sflag:s4] =	ssyncadd.s32 @!p0 $0xFFFFFC00  }
0xb4: {  	_ =	swait.ge @!p0 [sflag:s4], $0x400  }
0xb5: {  	[sflag:s4] =	ssyncset.done @!p0 $0x0  }
0xb6: {  	[sflag:s4] =	ssyncadd.s32 @!p0 $0xFFFFFC00  }
0xb7: {  	_ =	swait.ge [sflag:s9], $0x400  }
0xb8: {  	[sflag:s9] =	ssyncset.done $0x0  }
0xb9: {  	[sflag:s9] =	ssyncadd.s32 $0xFFFFFC00  }
0xba: {  	_ =	swait.ge [sflag:s9], $0x400  }
0xbb: {  	[sflag:s9] =	ssyncset.done $0x0  }
0xbc: {  	[sflag:s9] =	ssyncadd.s32 $0xFFFFFC00  }
0xbd: {  	_ =	swait.ge [sflag:s9], $0x400  }
0xbe: {  	[sflag:s9] =	ssyncset.done $0x0  }
0xbf: {  	[sflag:s9] =	ssyncadd.s32 $0xFFFFFC00  }
0xc0: {  	_ =	swait.ge [sflag:s9], $0x400  }
0xc1: {  	[sflag:s9] =	ssyncset.done $0x0  }
0xc2: {  	[sflag:s9] =	ssyncadd.s32 $0xFFFFFC00  }
0xc3: {  	_ =	swait.ge [sflag:s9], $0x400  }
0xc4: {  	[sflag:s9] =	ssyncset.done $0x0  }
0xc5: {  	[sflag:s9] =	ssyncadd.s32 $0xFFFFFC00  }
0xc6: {  	_ =	swait.ge [sflag:s9], $0x400  }
0xc7: {  	[sflag:s9] =	ssyncset.done $0x0  }
0xc8: {  	[sflag:s9] =	ssyncadd.s32 $0xFFFFFC00  }
0xc9: {  	_ =	swait.ge [sflag:s9], $0x400  }
0xca: {  	[sflag:s9] =	ssyncset.done $0x0  }
0xcb: {  	[sflag:s9] =	ssyncadd.s32 $0xFFFFFC00  }
0xcc: {  	_ =	swait.ge [sflag:s9], $0x400  }
0xcd: {  	[sflag:s9] =	ssyncset.done $0x0  }
0xce: {  	[sflag:s9] =	ssyncadd.s32 $0xFFFFFC00  }
0xcf: {  	_ =	swait.ge [sflag:s9], $0x400  }
0xd0: {  	[sflag:s9] =	ssyncset.done $0x0  }
0xd1: {  	[sflag:s9] =	ssyncadd.s32 $0xFFFFFC00  }
0xd2: {  	_ =	swait.ge [sflag:s9], $0x400  }
0xd3: {  	[sflag:s9] =	ssyncset.done $0x0  }
0xd4: {  	[sflag:s9] =	ssyncadd.s32 $0xFFFFFC00  }
0xd5: {  	_ =	swait.ge [sflag:s9], $0x400  }
0xd6: {  	[sflag:s9] =	ssyncset.done $0x0  }
0xd7: {  	[sflag:s9] =	ssyncadd.s32 $0xFFFFFC00  }
0xd8: {  	_ =	swait.ge [sflag:s9], $0x400  }
0xd9: {  	[sflag:s9] =	ssyncset.done $0x0  }
0xda: {  	[sflag:s9] =	ssyncadd.s32 $0xFFFFFC00  }
0xdb: {  	_ =	swait.ge [sflag:s9], $0x400  }
0xdc: {  	[sflag:s9] =	ssyncset.done $0x0  }
0xdd: {  	[sflag:s9] =	ssyncadd.s32 $0xFFFFFC00  }
0xde: {  	_ =	swait.ge [sflag:s9], $0x400  }
0xdf: {  	[sflag:s9] =	ssyncset.done $0x0  }
0xe0: {  	[sflag:s9] =	ssyncadd.s32 $0xFFFFFC00  }
0xe1: {  	_ =	swait.ge [sflag:s9], $0x400  }
0xe2: {  	[sflag:s9] =	ssyncset.done $0x0  }
0xe3: {  	[sflag:s9] =	ssyncadd.s32 $0xFFFFFC00  }
0xe4: {  	_ =	swait.ge [sflag:s9], $0x400  }
0xe5: {  	s29 =	simm.s32 $0x0;
	[sflag:s9] =	ssyncset.done $0x0  }
0xe6: {  	s31 =	simm.s32 $0x680;
	s30 =	rddreg [dreg:$0x4];
	[sflag:s9] =	ssyncadd.s32 $0xFFFFFC00  }
0xe7: {  	[hbm4b:s30+s29] =	stream.linear.scatter [tilespmem:s31], [sflag:$0x2], $0x19000, $0x38;
	[tilespmem:$0x19680] =	vst v63  }
0xe8: {  	_ =	swait.ge [sflag:s8], $0x19000  }
0xe9: {  	[sflag:s8] =	ssyncset.done $0x0  }
0xea: {  	s1 =	simm.s32 $0x320;
	[sflag:s8] =	ssyncadd.s32 $0xFFFE7000  }
0xeb: {  	v63 =	vld [tilespmem:s1+$0x0];
	_ =	sdelay $0x4  }
0xec: {  	v0 =	vshll.u32 v63, $0x4  }
0xed: {  	(v2sf) =	vpush v0, $0x2  }
0xee: {  	(v2sf) =	vpush v0, $0x0  }
0xef: {  	(v2sf) =	vpush v0, $0x1  }
0xf0: {  	(v2sf) =	vpush v0, $0x3;
	_ =	sdelay $0x1  }
0xf1: {  	(v2sf) =	vpush v0, $0x4  }
0xf2: {  	(v2sf) =	vpush v0, $0x5;
	_ =	sdelay $0x1  }
0xf3: {  	(v2sf) =	vpush v0, $0x6;
	_ =	sdelay $0x1  }
0xf4: {  	(v2sf) =	vpush v0, $0x7;
	_ =	sdelay $0x1  }
0xf5: {  	p6 =	por $0x1, $0x1;
	s14 =	simm.s32 $0x4000  }
0xf6: {  	s15 =	simm.s32 $0xE00;
	s10 =	simm.s32 $0x700;
	s19 =	simm.s32 $0x780  }
0xf7: {  	s12 =	simm.s32 $0x680;
	s21 =	simm.s32 $0x800;
	s23 =	simm.s32 $0xA80  }
0xf8: {  	s16 =	simm.s32 $0x900;
	s25 =	simm.s32 $0x880;
	s4 =	spop (v2sf)  }
0xf9: {  	s26 =	simm.s32 $0x980;
	p0 =	por p6, p6;
	(v2sf) =	vpush v0, $0x8;
	s6 =	spop (v2sf)  }
0xfa: {  	s0 =	sand.u32 $0x1FFFFFF0, s4;
	s1 =	sand.u32 $0x1FFFFFF0, s6;
	s13 =	spop (v2sf)  }
0xfb: {  	(v2sf) =	vpush v0, $0x9;
	s1 =	sadd.s32 s3, s1;
	s17 =	sand.u32 $0x1FFFFFF0, s13;
	s18 =	spop (v2sf)  }
0xfc: {  	(v2sf) =	vpush v0, $0xA;
	[tilespmem:s12], [sflag:$0x1] =	stream.linear.gather [hbm4b:s1+s2], $0x80, $0x38;
	[tilespmem:$0x19680] =	vst v63  }
0xfd: {  	s0 =	sadd.s32 s3, s0;
	s5 =	sadd.s32 s3, s17;
	s22 =	spop (v2sf)  }
0xfe: {  	(v2sf) =	vpush v0, $0xB;
	s20 =	sand.u32 $0x1FFFFFF0, s18;
	s12 =	simm.s32 $0xB80;
	s24 =	spop (v2sf)  }
0xff: {  	(v2sf) =	vpush v0, $0xC;
	[tilespmem:s10], [sflag:$0x1] =	stream.linear.gather [hbm4b:s5+s2], $0x80, $0x38;
	[tilespmem:$0x19680] =	vst v63  }
0x100: {  	s4 =	sand.u32 $0x1FFFFFF0, s22;
	s5 =	sadd.s32 s3, s20;
	s28 =	spop (v2sf)  }
0x101: {  	(v2sf) =	vpush v0, $0xD;
	[tilespmem:s19], [sflag:$0x1] =	stream.linear.gather [hbm4b:s0+s2], $0x80, $0x38;
	[tilespmem:$0x19680] =	vst v63  }
0x102: {  	s4 =	sadd.s32 s3, s4;
	s29 =	sand.u32 $0x1FFFFFF0, s28;
	s30 =	spop (v2sf)  }
0x103: {  	[tilespmem:s21], [sflag:$0x1] =	stream.linear.gather [hbm4b:s5+s2], $0x80, $0x38;
	[tilespmem:$0x19680] =	vst v63  }
0x104: {  	s28 =	simm.s32 $0xD00;
	s1 =	sadd.s32 s3, s29;
	s5 =	sand.u32 $0x1FFFFFF0, s24  }
0x105: {  	(v2sf) =	vpush v0, $0xE;
	[tilespmem:s25], [sflag:$0x1] =	stream.linear.gather [hbm4b:s4+s2], $0x80, $0x38;
	[tilespmem:$0x19680] =	vst v63  }
0x106: {  	s19 =	simm.s32 $0xC80;
	s29 =	simm.s32 $0xD80;
	s5 =	sadd.s32 s3, s5  }
0x107: {  	(v2sf) =	vpush v0, $0xF;
	[tilespmem:s16], [sflag:$0x1] =	stream.linear.gather [hbm4b:s5+s2], $0x80, $0x38;
	[tilespmem:$0x19680] =	vst v63  }
0x108: {  	s21 =	simm.s32 $0xC00;
	s4 =	simm.s32 $0xA00;
	s31 =	spop (v2sf)  }
0x109: {  	[tilespmem:s26], [sflag:$0x1] =	stream.linear.gather [hbm4b:s1+s2], $0x80, $0x38;
	[tilespmem:$0x19680] =	vst v63  }
0x10a: {  	s5 =	sand.u32 $0x1FFFFFF0, s30;
	s16 =	simm.s32 $0xB00;
	s13 =	spop (v2sf)  }
0x10b: {  	s5 =	sadd.s32 s3, s5;
	s10 =	sand.u32 $0x1FFFFFF0, s31;
	s18 =	spop (v2sf)  }
0x10c: {  	[tilespmem:s4], [sflag:$0x1] =	stream.linear.gather [hbm4b:s5+s2], $0x80, $0x38;
	[tilespmem:$0x19680] =	vst v63  }
0x10d: {  	s17 =	sand.u32 $0x1FFFFFF0, s13;
	s13 =	simm.s32 $0x800;
	s20 =	spop (v2sf)  }
0x10e: {  	s4 =	sadd.s32 s3, s10;
	s5 =	sand.u32 $0x1FFFFFF0, s18;
	s22 =	spop (v2sf)  }
0x10f: {  	[tilespmem:s23], [sflag:$0x1] =	stream.linear.gather [hbm4b:s4+s2], $0x80, $0x38;
	[tilespmem:$0x19680] =	vst v63  }
0x110: {  	s18 =	simm.s32 @!p0 $0x1;
	s4 =	sadd.s32 s3, s17;
	s23 =	spop (v2sf)  }
0x111: {  	[tilespmem:s16], [sflag:$0x1] =	stream.linear.gather [hbm4b:s4+s2], $0x80, $0x38;
	[tilespmem:$0x19680] =	vst v63  }
0x112: {  	s5 =	sadd.s32 s3, s5;
	s24 =	sand.u32 $0x1FFFFFF0, s23;
	s4 =	sand.u32 $0x1FFFFFF0, s20  }
0x113: {  	[tilespmem:s12], [sflag:$0x1] =	stream.linear.gather [hbm4b:s5+s2], $0x80, $0x38;
	[tilespmem:$0x19680] =	vst v63  }
0x114: {  	s25 =	spop (v2sf);
	s4 =	sadd.s32 s3, s4;
	s5 =	sand.u32 $0x1FFFFFF0, s22  }
0x115: {  	[tilespmem:s21], [sflag:$0x1] =	stream.linear.gather [hbm4b:s4+s2], $0x80, $0x38;
	[tilespmem:$0x19680] =	vst v63  }
0x116: {  	s26 =	sand.u32 $0x1FFFFFF0, s25;
	s30 =	spop (v2sf);
	s5 =	sadd.s32 s3, s5  }
0x117: {  	[tilespmem:s19], [sflag:$0x1] =	stream.linear.gather [hbm4b:s5+s2], $0x80, $0x38;
	[tilespmem:$0x19680] =	vst v63  }
0x118: {  	s1 =	sadd.s32 s3, s24;
	s16 =	simm.s32 $0x330;
	s31 =	sand.u32 $0x1FFFFFF0, s30  }
0x119: {  	[tilespmem:s28], [sflag:$0x1] =	stream.linear.gather [hbm4b:s1+s2], $0x80, $0x38;
	[tilespmem:$0x19680] =	vst v63  }
0x11a: {  	s0 =	sadd.s32 s3, s26;
	s12 =	simm.s32 $0x1;
	s1 =	sadd.s32 s3, s31  }
0x11b: {  	[tilespmem:s29], [sflag:$0x1] =	stream.linear.gather [hbm4b:s0+s2], $0x80, $0x38;
	[tilespmem:$0x19680] =	vst v63  }
.LBB2_4:
0x11c: {  	s29 =	sadd.s32 $0x700, s13  }
0x11d: {  	s0 =	sadd.s32 $0xE00, s13;
	s17 =	smov.u32 s14;
	s14 =	sadd.s32 $0x2000, s14  }
0x11e: {  	[tilespmem:s15], [sflag:$0x1] =	stream.linear.gather [hbm4b:s1+s2], $0x80, $0x38;
	[tilespmem:$0x19680] =	vst v63  }
0x11f: {  	s22 =	sadd.s32 $0x900, s13;
	s19 =	sadd.s32 $0xA80, s13;
	_ =	swait.ge @!p0 [sflag:s18], $0x400  }
0x120: {  	s31 =	sadd.s32 $0x680, s13;
	s25 =	sadd.s32 $0x880, s13;
	[sflag:s18] =	ssyncset.done @!p0 $0x0  }
0x121: {  	s23 =	sadd.s32 $0x980, s13;
	p2 =	slt.u32 s12, $0x8;
	[sflag:s18] =	ssyncadd.s32 @!p0 $0xFFFFFC00  }
0x122: {  	s30 =	sadd.s32 $0x780, s13;
	s20 =	sadd.s32 $0xB80, s13;
	_ =	swait.ge @!p0 [sflag:s18], $0x400  }
0x123: {  	s21 =	sadd.s32 $0xB00, s13;
	p1 =	sne.s32 s14, $0x64000;
	[sflag:s18] =	ssyncset.done @!p0 $0x0  }
0x124: {  	s15 =	smov.u32 s0;
	[sflag:s18] =	ssyncadd.s32 @!p0 $0xFFFFFC00;
	p0 =	por p2, p2  }
0x125: {  	v0 =	vld [tilespmem:s16+$0x0]  }
0x126: {  	s1 =	sadd.s32 $0x800, s13;
	_ =	sdelay $0x3  }
0x127: {  	v0 =	vshll.u32 v0, $0x4  }
0x128: {  	(v2sf) =	vpush v0, $0x2  }
0x129: {  	(v2sf) =	vpush v0, $0x0  }
0x12a: {  	(v2sf) =	vpush v0, $0x1  }
0x12b: {  	(v2sf) =	vpush v0, $0x3;
	_ =	sdelay $0x1  }
0x12c: {  	(v2sf) =	vpush v0, $0x4;
	_ =	sdelay $0x1  }
0x12d: {  	(v2sf) =	vpush v0, $0x5;
	_ =	sdelay $0x1  }
0x12e: {  	(v2sf) =	vpush v0, $0x6  }
0x12f: {  	s24 =	sadd.s32 $0xC80, s13  }
0x130: {  	s28 =	sadd.s32 $0xC00, s13;
	(v2sf) =	vpush v0, $0x7;
	_ =	sdelay $0x1  }
0x131: {  	(v2sf) =	vpush v0, $0x8  }
0x132: {  	s16 =	sadd.s32 $0x10, s16  }
0x133: {  	s12 =	sadd.s32 $0x1, s12;
	s18 =	simm.s32 @!p0 $0x1;
	s0 =	spop (v2sf);
	(v2sf) =	vpush v0, $0x9  }
0x134: {  	s26 =	sadd.s32 $0xD80, s13;
	s0 =	sand.u32 $0x1FFFFFF0, s0;
	s4 =	spop (v2sf)  }
0x135: {  	s5 =	sadd.s32 $0xA00, s13;
	s4 =	sand.u32 $0x1FFFFFF0, s4;
	s6 =	spop (v2sf);
	(v2sf) =	vpush v0, $0xA  }
0x136: {  	s4 =	sadd.s32 s3, s4;
	s6 =	sand.u32 $0x1FFFFFF0, s6;
	s10 =	spop (v2sf)  }
0x137: {  	[tilespmem:s31], [sflag:$0x1] =	stream.linear.gather [hbm4b:s4+s2], $0x80, $0x38;
	(v2sf) =	vpush v0, $0xB;
	[tilespmem:$0x19680] =	vst v63  }
0x138: {  	s4 =	sadd.s32 s3, s6;
	s6 =	sand.u32 $0x1FFFFFF0, s10;
	s10 =	spop (v2sf)  }
0x139: {  	[tilespmem:s29], [sflag:$0x1] =	stream.linear.gather [hbm4b:s4+s2], $0x80, $0x38;
	(v2sf) =	vpush v0, $0xC;
	[tilespmem:$0x19680] =	vst v63  }
0x13a: {  	s0 =	sadd.s32 s3, s0;
	s4 =	sand.u32 $0x1FFFFFF0, s10;
	s10 =	spop (v2sf)  }
0x13b: {  	[tilespmem:s30], [sflag:$0x1] =	stream.linear.gather [hbm4b:s0+s2], $0x80, $0x38;
	(v2sf) =	vpush v0, $0xD;
	[tilespmem:$0x19680] =	vst v63  }
0x13c: {  	s0 =	sadd.s32 s3, s6;
	s6 =	sand.u32 $0x1FFFFFF0, s10;
	s10 =	spop (v2sf)  }
0x13d: {  	[tilespmem:s1], [sflag:$0x1] =	stream.linear.gather [hbm4b:s0+s2], $0x80, $0x38;
	(v2sf) =	vpush v0, $0xE;
	[tilespmem:$0x19680] =	vst v63  }
0x13e: {  	s0 =	sadd.s32 s3, s4;
	s1 =	sand.u32 $0x1FFFFFF0, s10;
	s4 =	spop (v2sf)  }
0x13f: {  	[tilespmem:s25], [sflag:$0x1] =	stream.linear.gather [hbm4b:s0+s2], $0x80, $0x38;
	(v2sf) =	vpush v0, $0xF;
	[tilespmem:$0x19680] =	vst v63  }
0x140: {  	s0 =	sadd.s32 s3, s6;
	s4 =	sand.u32 $0x1FFFFFF0, s4;
	s6 =	spop (v2sf)  }
0x141: {  	[tilespmem:s22], [sflag:$0x1] =	stream.linear.gather [hbm4b:s0+s2], $0x80, $0x38;
	[tilespmem:$0x19680] =	vst v63  }
0x142: {  	s0 =	sadd.s32 s3, s1;
	s1 =	sand.u32 $0x1FFFFFF0, s6;
	s6 =	spop (v2sf)  }
0x143: {  	[tilespmem:s23], [sflag:$0x1] =	stream.linear.gather [hbm4b:s0+s2], $0x80, $0x38;
	[tilespmem:$0x19680] =	vst v63  }
0x144: {  	s0 =	sadd.s32 s3, s4;
	s4 =	sand.u32 $0x1FFFFFF0, s6;
	s6 =	spop (v2sf)  }
0x145: {  	[tilespmem:s5], [sflag:$0x1] =	stream.linear.gather [hbm4b:s0+s2], $0x80, $0x38;
	[tilespmem:$0x19680] =	vst v63  }
0x146: {  	s0 =	sadd.s32 s3, s1;
	s1 =	sand.u32 $0x1FFFFFF0, s6;
	s5 =	spop (v2sf)  }
0x147: {  	[tilespmem:s19], [sflag:$0x1] =	stream.linear.gather [hbm4b:s0+s2], $0x80, $0x38;
	[tilespmem:$0x19680] =	vst v63  }
0x148: {  	s0 =	sadd.s32 s3, s4;
	s4 =	sand.u32 $0x1FFFFFF0, s5;
	s5 =	spop (v2sf)  }
0x149: {  	[tilespmem:s21], [sflag:$0x1] =	stream.linear.gather [hbm4b:s0+s2], $0x80, $0x38;
	[tilespmem:$0x19680] =	vst v63  }
0x14a: {  	s0 =	sadd.s32 s3, s1;
	s1 =	sand.u32 $0x1FFFFFF0, s5;
	s5 =	spop (v2sf)  }
0x14b: {  	[tilespmem:s20], [sflag:$0x1] =	stream.linear.gather [hbm4b:s0+s2], $0x80, $0x38;
	[tilespmem:$0x19680] =	vst v63  }
0x14c: {  	s0 =	sadd.s32 s3, s4;
	s4 =	sand.u32 $0x1FFFFFF0, s5;
	s5 =	spop (v2sf)  }
0x14d: {  	[tilespmem:s28], [sflag:$0x1] =	stream.linear.gather [hbm4b:s0+s2], $0x80, $0x38;
	[tilespmem:$0x19680] =	vst v63  }
0x14e: {  	s0 =	sadd.s32 s3, s1;
	s1 =	sand.u32 $0x1FFFFFF0, s5;
	s5 =	spop (v2sf)  }
0x14f: {  	[tilespmem:s24], [sflag:$0x1] =	stream.linear.gather [hbm4b:s0+s2], $0x80, $0x38;
	[tilespmem:$0x19680] =	vst v63  }
.Ltmp1:
0x150: {  	_ = 	snop;
	(pc) =	sbr.rel @p1 .LBB2_4-.Ltmp1, $4  }
0x151: {  	s4 =	sadd.s32 s3, s4;
	s0 =	sadd.s32 $0xD00, s13;
	s5 =	sand.u32 $0x1FFFFFF0, s5  }
0x152: {  	[tilespmem:s0], [sflag:$0x1] =	stream.linear.gather [hbm4b:s4+s2], $0x80, $0x38;
	[tilespmem:$0x19680] =	vst v63  }
0x153: {  	s13 =	sshra.s32 s17, $0x2;
	s0 =	sadd.s32 s3, s1;
	s1 =	sadd.s32 s3, s5  }
0x154: {  	[tilespmem:s26], [sflag:$0x1] =	stream.linear.gather [hbm4b:s0+s2], $0x80, $0x38;
	[tilespmem:$0x19680] =	vst v63  }
0x155: {  	[tilespmem:s15], [sflag:$0x1] =	stream.linear.gather [hbm4b:s1+s2], $0x80, $0x38;
	[tilespmem:$0x19680] =	vst v63  }
0x156: {  	_ =	swait.ge @!p0 [sflag:s18], $0x400  }
0x157: {  	[sflag:s18] =	ssyncset.done @!p0 $0x0  }
0x158: {  	[sflag:s18] =	ssyncadd.s32 @!p0 $0xFFFFFC00  }
0x159: {  	_ =	swait.ge @!p0 [sflag:s18], $0x400  }
0x15a: {  	[sflag:s18] =	ssyncset.done @!p0 $0x0  }
0x15b: {  	[sflag:s18] =	ssyncadd.s32 @!p0 $0xFFFFFC00  }
0x15c: {  	v0 =	vld [tilespmem:s16+$0x0];
	_ =	sdelay $0x4  }
0x15d: {  	v0 =	vshll.u32 v0, $0x4  }
0x15e: {  	(v2sf) =	vpush v0, $0x2;
	_ =	sdelay $0x1  }
0x15f: {  	(v2sf) =	vpush v0, $0x0;
	_ =	sdelay $0x1  }
0x160: {  	(v2sf) =	vpush v0, $0x1;
	_ =	sdelay $0x2  }
0x161: {  	(v2sf) =	vpush v0, $0x3;
	_ =	sdelay $0x7  }
0x162: {  	s0 =	spop (v2sf);
	(v2sf) =	vpush v0, $0x4;
	_ =	sdelay $0x1  }
0x163: {  	s21 =	spop (v2sf);
	(v2sf) =	vpush v0, $0x5;
	_ =	sdelay $0x1  }
0x164: {  	s22 =	spop (v2sf);
	(v2sf) =	vpush v0, $0x6;
	_ =	sdelay $0x2  }
0x165: {  	s1 =	sand.u32 $0x1FFFFFF0, s21;
	s25 =	spop (v2sf);
	(v2sf) =	vpush v0, $0x7  }
0x166: {  	s4 =	sadd.s32 $0x680, s13;
	s1 =	sadd.s32 s3, s1  }
0x167: {  	[tilespmem:s4], [sflag:$0x1] =	stream.linear.gather [hbm4b:s1+s2], $0x80, $0x38;
	[tilespmem:$0x19680] =	vst v63  }
0x168: {  	s1 =	sand.u32 $0x1FFFFFF0, s22  }
0x169: {  	s23 =	sadd.s32 $0x700, s13;
	s0 =	sand.u32 $0x1FFFFFF0, s0;
	s1 =	sadd.s32 s3, s1  }
0x16a: {  	[tilespmem:s23], [sflag:$0x1] =	stream.linear.gather [hbm4b:s1+s2], $0x80, $0x38;
	[tilespmem:$0x19680] =	vst v63  }
0x16b: {  	s24 =	sadd.s32 $0x780, s13;
	s0 =	sadd.s32 s3, s0  }
0x16c: {  	[tilespmem:s24], [sflag:$0x1] =	stream.linear.gather [hbm4b:s0+s2], $0x80, $0x38;
	[tilespmem:$0x19680] =	vst v63  }
0x16d: {  	s28 =	spop (v2sf);
	(v2sf) =	vpush v0, $0x8  }
0x16e: {  	s0 =	sand.u32 $0x1FFFFFF0, s25  }
0x16f: {  	s26 =	sadd.s32 $0x800, s13;
	s0 =	sadd.s32 s3, s0;
	s30 =	spop (v2sf);
	(v2sf) =	vpush v0, $0x9  }
0x170: {  	[tilespmem:s26], [sflag:$0x1] =	stream.linear.gather [hbm4b:s0+s2], $0x80, $0x38;
	[tilespmem:$0x19680] =	vst v63  }
0x171: {  	s0 =	sand.u32 $0x1FFFFFF0, s28;
	s1 =	spop (v2sf);
	(v2sf) =	vpush v0, $0xA  }
0x172: {  	s29 =	sadd.s32 $0x880, s13;
	s0 =	sadd.s32 s3, s0  }
0x173: {  	[tilespmem:s29], [sflag:$0x1] =	stream.linear.gather [hbm4b:s0+s2], $0x80, $0x38;
	[tilespmem:$0x19680] =	vst v63  }
0x174: {  	s5 =	spop (v2sf);
	(v2sf) =	vpush v0, $0xB  }
0x175: {  	s0 =	sand.u32 $0x1FFFFFF0, s30  }
0x176: {  	s31 =	sadd.s32 $0x900, s13;
	s0 =	sadd.s32 s3, s0  }
0x177: {  	[tilespmem:s31], [sflag:$0x1] =	stream.linear.gather [hbm4b:s0+s2], $0x80, $0x38;
	[tilespmem:$0x19680] =	vst v63  }
0x178: {  	s0 =	sand.u32 $0x1FFFFFF0, s1  }
0x179: {  	s4 =	sadd.s32 $0x980, s13;
	s0 =	sadd.s32 s3, s0  }
0x17a: {  	[tilespmem:s4], [sflag:$0x1] =	stream.linear.gather [hbm4b:s0+s2], $0x80, $0x38;
	[tilespmem:$0x19680] =	vst v63  }
0x17b: {  	s0 =	sand.u32 $0x1FFFFFF0, s5  }
0x17c: {  	s6 =	sadd.s32 $0xA00, s13;
	s0 =	sadd.s32 s3, s0;
	s10 =	spop (v2sf);
	(v2sf) =	vpush v0, $0xC  }
0x17d: {  	[tilespmem:s6], [sflag:$0x1] =	stream.linear.gather [hbm4b:s0+s2], $0x80, $0x38;
	[tilespmem:$0x19680] =	vst v63  }
0x17e: {  	s15 =	spop (v2sf);
	(v2sf) =	vpush v0, $0xD  }
0x17f: {  	s0 =	sand.u32 $0x1FFFFFF0, s10  }
0x180: {  	s14 =	sadd.s32 $0xA80, s13;
	s0 =	sadd.s32 s3, s0;
	s17 =	spop (v2sf)  }
0x181: {  	(v2sf) =	vpush v0, $0xE;
	[tilespmem:s14], [sflag:$0x1] =	stream.linear.gather [hbm4b:s0+s2], $0x80, $0x38;
	[tilespmem:$0x19680] =	vst v63  }
0x182: {  	s0 =	sand.u32 $0x1FFFFFF0, s15  }
0x183: {  	s16 =	sadd.s32 $0xB00, s13;
	s19 =	spop (v2sf);
	s0 =	sadd.s32 s3, s0  }
0x184: {  	(v2sf) =	vpush v0, $0xF;
	[tilespmem:s16], [sflag:$0x1] =	stream.linear.gather [hbm4b:s0+s2], $0x80, $0x38;
	[tilespmem:$0x19680] =	vst v63  }
0x185: {  	s0 =	sand.u32 $0x1FFFFFF0, s17  }
0x186: {  	s18 =	sadd.s32 $0xB80, s13;
	s0 =	sadd.s32 s3, s0  }
0x187: {  	[tilespmem:s18], [sflag:$0x1] =	stream.linear.gather [hbm4b:s0+s2], $0x80, $0x38;
	[tilespmem:$0x19680] =	vst v63  }
0x188: {  	s0 =	sand.u32 $0x1FFFFFF0, s19  }
0x189: {  	s20 =	sadd.s32 $0xC00, s13;
	s0 =	sadd.s32 s3, s0  }
0x18a: {  	[tilespmem:s20], [sflag:$0x1] =	stream.linear.gather [hbm4b:s0+s2], $0x80, $0x38;
	[tilespmem:$0x19680] =	vst v63  }
0x18b: {  	s21 =	spop (v2sf)  }
0x18c: {  	s0 =	sand.u32 $0x1FFFFFF0, s21  }
0x18d: {  	s22 =	sadd.s32 $0xC80, s13;
	s23 =	spop (v2sf);
	s0 =	sadd.s32 s3, s0  }
0x18e: {  	[tilespmem:s22], [sflag:$0x1] =	stream.linear.gather [hbm4b:s0+s2], $0x80, $0x38;
	[tilespmem:$0x19680] =	vst v63  }
0x18f: {  	s0 =	sand.u32 $0x1FFFFFF0, s23  }
0x190: {  	s24 =	sadd.s32 $0xD00, s13;
	s25 =	spop (v2sf);
	s0 =	sadd.s32 s3, s0  }
0x191: {  	[tilespmem:s24], [sflag:$0x1] =	stream.linear.gather [hbm4b:s0+s2], $0x80, $0x38;
	[tilespmem:$0x19680] =	vst v63  }
0x192: {  	s0 =	sand.u32 $0x1FFFFFF0, s25  }
0x193: {  	s26 =	sadd.s32 $0xD80, s13;
	s28 =	spop (v2sf);
	s0 =	sadd.s32 s3, s0  }
0x194: {  	[tilespmem:s26], [sflag:$0x1] =	stream.linear.gather [hbm4b:s0+s2], $0x80, $0x38;
	[tilespmem:$0x19680] =	vst v63  }
0x195: {  	p6 =	slt.u32 s12, $0x8;
	s0 =	sand.u32 $0x1FFFFFF0, s28  }
0x196: {  	p0 =	por p6, p6;
	s29 =	sadd.s32 $0xE00, s13;
	s0 =	sadd.s32 s3, s0  }
0x197: {  	[tilespmem:s29], [sflag:$0x1] =	stream.linear.gather [hbm4b:s0+s2], $0x80, $0x38;
	[tilespmem:$0x19680] =	vst v63  }
0x198: {  	s0 =	simm.s32 @!p0 $0x1  }
0x199: {  	_ =	swait.ge @!p0 [sflag:s0], $0x400  }
0x19a: {  	[sflag:s0] =	ssyncset.done @!p0 $0x0  }
0x19b: {  	[sflag:s0] =	ssyncadd.s32 @!p0 $0xFFFFFC00  }
0x19c: {  	_ =	swait.ge @!p0 [sflag:s0], $0x400  }
0x19d: {  	[sflag:s0] =	ssyncset.done @!p0 $0x0  }
0x19e: {  	[sflag:s0] =	ssyncadd.s32 @!p0 $0xFFFFFC00  }
0x19f: {  	_ =	swait.ge [sflag:s9], $0x400  }
0x1a0: {  	[sflag:s9] =	ssyncset.done $0x0  }
0x1a1: {  	[sflag:s9] =	ssyncadd.s32 $0xFFFFFC00  }
0x1a2: {  	_ =	swait.ge [sflag:s9], $0x400  }
0x1a3: {  	[sflag:s9] =	ssyncset.done $0x0  }
0x1a4: {  	[sflag:s9] =	ssyncadd.s32 $0xFFFFFC00  }
0x1a5: {  	_ =	swait.ge [sflag:s9], $0x400  }
0x1a6: {  	[sflag:s9] =	ssyncset.done $0x0  }
0x1a7: {  	[sflag:s9] =	ssyncadd.s32 $0xFFFFFC00  }
0x1a8: {  	_ =	swait.ge [sflag:s9], $0x400  }
0x1a9: {  	[sflag:s9] =	ssyncset.done $0x0  }
0x1aa: {  	[sflag:s9] =	ssyncadd.s32 $0xFFFFFC00  }
0x1ab: {  	_ =	swait.ge [sflag:s9], $0x400  }
0x1ac: {  	[sflag:s9] =	ssyncset.done $0x0  }
0x1ad: {  	[sflag:s9] =	ssyncadd.s32 $0xFFFFFC00  }
0x1ae: {  	_ =	swait.ge [sflag:s9], $0x400  }
0x1af: {  	[sflag:s9] =	ssyncset.done $0x0  }
0x1b0: {  	[sflag:s9] =	ssyncadd.s32 $0xFFFFFC00  }
0x1b1: {  	_ =	swait.ge [sflag:s9], $0x400  }
0x1b2: {  	[sflag:s9] =	ssyncset.done $0x0  }
0x1b3: {  	[sflag:s9] =	ssyncadd.s32 $0xFFFFFC00  }
0x1b4: {  	_ =	swait.ge [sflag:s9], $0x400  }
0x1b5: {  	[sflag:s9] =	ssyncset.done $0x0  }
0x1b6: {  	[sflag:s9] =	ssyncadd.s32 $0xFFFFFC00  }
0x1b7: {  	_ =	swait.ge [sflag:s9], $0x400  }
0x1b8: {  	[sflag:s9] =	ssyncset.done $0x0  }
0x1b9: {  	[sflag:s9] =	ssyncadd.s32 $0xFFFFFC00  }
0x1ba: {  	_ =	swait.ge [sflag:s9], $0x400  }
0x1bb: {  	[sflag:s9] =	ssyncset.done $0x0  }
0x1bc: {  	[sflag:s9] =	ssyncadd.s32 $0xFFFFFC00  }
0x1bd: {  	_ =	swait.ge [sflag:s9], $0x400  }
0x1be: {  	[sflag:s9] =	ssyncset.done $0x0  }
0x1bf: {  	[sflag:s9] =	ssyncadd.s32 $0xFFFFFC00  }
0x1c0: {  	_ =	swait.ge [sflag:s9], $0x400  }
0x1c1: {  	[sflag:s9] =	ssyncset.done $0x0  }
0x1c2: {  	[sflag:s9] =	ssyncadd.s32 $0xFFFFFC00  }
0x1c3: {  	_ =	swait.ge [sflag:s9], $0x400  }
0x1c4: {  	[sflag:s9] =	ssyncset.done $0x0  }
0x1c5: {  	[sflag:s9] =	ssyncadd.s32 $0xFFFFFC00  }
0x1c6: {  	_ =	swait.ge [sflag:s9], $0x400  }
0x1c7: {  	[sflag:s9] =	ssyncset.done $0x0  }
0x1c8: {  	[sflag:s9] =	ssyncadd.s32 $0xFFFFFC00  }
0x1c9: {  	_ =	swait.ge [sflag:s9], $0x400  }
0x1ca: {  	[sflag:s9] =	ssyncset.done $0x0  }
0x1cb: {  	[sflag:s9] =	ssyncadd.s32 $0xFFFFFC00  }
0x1cc: {  	s11 =	sadd.s32 $0x1, s11;
	_ =	swait.ge [sflag:s9], $0x400  }
0x1cd: {  	s31 =	simm.s32 $0x680;
	p0 =	sne.s32 s11, s7;
	[sflag:s9] =	ssyncset.done $0x0  }
.Ltmp2:
0x1ce: {  	s30 =	rddreg [dreg:$0x5];
	[sflag:s9] =	ssyncadd.s32 $0xFFFFFC00;
	(pc) =	sbr.rel @p0 .LBB2_1-.Ltmp2, $4  }
0x1cf: {  	[hbm4b:s30+s2] =	stream.linear.scatter [tilespmem:s31], [sflag:$0x2], $0x19000, $0x38;
	[tilespmem:$0x19680] =	vst v63  }
0x1d0: {  	_ =	swait.ge [sflag:s8], $0x19000  }
0x1d1: {  	[sflag:s8] =	ssyncset.done $0x0  }
0x1d2: {  	[sflag:s8] =	ssyncadd.s32 $0xFFFE7000  }
0x1d3: {  	_ =	sfence.sel $0x180000  }
0x1d4: {  	[bflag:$0x0] =	sbarrier.arrive $0xFFFF  }
0x1d5: {  	_ =	strace $0x90000047  }
0x1d6: {  	s0 =	stileid.u32;
	[bflag:$0x2] =	sbarrier.arrive $0xFFFF  }
0x1d7: {  	p0 =	sne.s32 s0, $0x0;
	s0 =	rddreg [dreg:$0x2]  }
0x1d8: {  	s0 =	sadd.s32 @!p0 $0x100000, s0  }
0x1d9: {  	[sflag:s0] =	ssyncadd.tile.s32 @!p0 $0x1;
	_ =	shalt  }
.Lfunc_end2:
_tile_overlayer_lowered:
.L_overlay_start_2:
0x1da: {  	(tag) =	ssettag $0x2  }
0x1db: {  	s0 =	rddreg [dreg:$0x0];
	s2 =	stileid.u32  }
0x1dc: {  	s1 =	rddreg [dreg:$0x1];
	p0 =	sne.s32 s2, $0x0  }
0x1dd: {  	s3 =	rddreg [dreg:$0x2];
	[bflag:$0x3] =	sbarrier.arrive $0xFFFF;
	s2 =	simm.s32 @!p0 $0x1C02  }
0x1de: {  	[timem:s3], [sflag:s2] =	dma.local @!p0 [hbm:s0], s1  }
0x1df: {  	s0 =	simm.s32 @!p0 $0x2  }
0x1e0: {  	_ =	swait.ge @!p0 [sflag:s0], s1  }
0x1e1: {  	s1 =	ssub.s32 @!p0 $0x0, s1;
	[sflag:s0] =	ssyncset.done @!p0 $0x0  }
0x1e2: {  	[sflag:s0] =	ssyncadd.s32 @!p0 s1  }
0x1e3: {  	[bflag:$0x3] =	sbarrier.arrive $0xFFFF  }
0x1e4: {  	_ =	shalt  }

</sc_bundles>
